<compile_context>
chip_gen: v7x
topology: tpu7x:2x2x1
jax: 0.10.2.dev20260603
libtpu: 0.0.44.dev20260713+nightly
codegen_flags: <defaults>
</compile_context>

<pallas_src>
import functools
import math

import jax
import jax.numpy as jnp
import numpy as np
from jax.experimental import pallas as pl
from jax.experimental.pallas import tpu as pltpu
from jax.experimental.pallas import tpu_sc as plsc

NUM_U, NUM_C, NUM_I = 4000, 4000, 4000
NFREQ = 8



def _fps_body(npoint, x_ref, y_ref, z_ref, v_ref, out_ref):
    X = x_ref[...]
    Y = y_ref[...]
    Z = z_ref[...]
    V = v_ref[...]
    P8, N = X.shape
    lane = jax.lax.broadcasted_iota(jnp.int32, (P8, N), 1)
    olane = jax.lax.broadcasted_iota(jnp.int32, (P8, npoint), 1)
    big = jnp.int32(N + 1)
    dist0 = jnp.where(V > 0.5, 1e10, -1.0)
    far0 = jnp.zeros((P8, 1), jnp.int32)
    out_ref[...] = jnp.zeros((P8, npoint), jnp.int32)
    out0 = out_ref[...]

    def body(t, carry):
        distance, far, out = carry
        out = (olane == t).astype(jnp.int32) * far + out
        oh = lane == far
        cx = jnp.sum(jnp.where(oh, X, 0.0), axis=1, keepdims=True)
        cy = jnp.sum(jnp.where(oh, Y, 0.0), axis=1, keepdims=True)
        cz = jnp.sum(jnp.where(oh, Z, 0.0), axis=1, keepdims=True)
        d = (X - cx) ** 2 + (Y - cy) ** 2 + (Z - cz) ** 2
        distance = jnp.minimum(distance, d)
        m = jnp.max(distance, axis=1, keepdims=True)
        far = jnp.min(jnp.where(distance == m, lane, big), axis=1, keepdims=True)
        return distance, far, out

    _, _, out = jax.lax.fori_loop(0, npoint, body, (dist0, far0, out0))
    out_ref[...] = out


def _fps_pallas(xyz, npoint):
    P, N, _ = xyz.shape
    assert P <= 8
    Npad = ((N + 511) // 512) * 512
    buf = jnp.zeros((8, 3, Npad), jnp.float32)
    buf = buf.at[:P, :, :N].set(jnp.transpose(xyz, (0, 2, 1)))
    valid = jnp.zeros((8, Npad), jnp.float32).at[:P, :N].set(1.0)
    out = pl.pallas_call(
        functools.partial(_fps_body, npoint),
        out_shape=jax.ShapeDtypeStruct((8, npoint), jnp.int32),
    )(buf[:, 0], buf[:, 1], buf[:, 2], valid)
    return out[:P]



def _ballq_body(nsample, n_valid, r2, c_ref, p_ref, o_ref):
    C = c_ref[0]
    P = p_ref[0]
    TS = C.shape[0]
    Npad = P.shape[1]
    dx = C[:, 0:1] - P[0:1, :]
    dy = C[:, 1:2] - P[1:2, :]
    dz = C[:, 2:3] - P[2:3, :]
    sqrd = dx * dx + dy * dy + dz * dz
    lane = jax.lax.broadcasted_iota(jnp.int32, (TS, Npad), 1)
    olane = jax.lax.broadcasted_iota(jnp.int32, (TS, 128), 1)
    nv = jnp.int32(n_valid)
    cand0 = jnp.where(sqrd > r2, nv, lane)
    o_ref[...] = jnp.zeros(o_ref.shape, jnp.int32)
    out0 = o_ref[0]

    def step(t, carry):
        cand, out = carry
        mn = jnp.min(cand, axis=1, keepdims=True)
        out = (olane == t).astype(jnp.int32) * mn + out
        cand = jnp.where(cand == mn, nv + 1, cand)
        return cand, out

    _, out = jax.lax.fori_loop(0, nsample, step, (cand0, out0))
    first = out[:, 0:1]
    out = out - (out >= nv).astype(jnp.int32) * (out - first)
    o_ref[0] = out


def _ballquery_pallas(radius, nsample, xyz, new_xyz):
    Pn, N, _ = xyz.shape
    S = new_xyz.shape[1]
    TS = 512 if S % 512 == 0 else 128
    ntile = S // TS
    Npad = ((N + 127) // 128) * 128
    r2 = np.float32(radius * radius)

    pts = jnp.full((Pn, 8, Npad), 1e9, jnp.float32)
    pts = pts.at[:, :3, :N].set(jnp.transpose(xyz, (0, 2, 1)))
    cent = jnp.zeros((Pn * ntile, TS, 8), jnp.float32)
    cent = cent.at[:, :, :3].set(new_xyz.reshape(Pn * ntile, TS, 3))

    out = pl.pallas_call(
        functools.partial(_ballq_body, nsample, N, r2),
        grid=(Pn * ntile,),
        in_specs=[
            pl.BlockSpec((1, TS, 8), lambda i: (i, 0, 0)),
            pl.BlockSpec((1, 8, Npad), lambda i: (i // ntile, 0, 0)),
        ],
        out_specs=pl.BlockSpec((1, TS, 128), lambda i: (i, 0, 0)),
        out_shape=jax.ShapeDtypeStruct((Pn * ntile, TS, 128), jnp.int32),
        compiler_params=pltpu.CompilerParams(
            dimension_semantics=("parallel",)),
    )(cent, pts)
    return out.reshape(Pn, S, 128)[:, :, :nsample]



def _knn_body(k, a_ref, b_ref, o_ref):
    A = a_ref[0]
    Bm = b_ref[0]
    TS = A.shape[0]
    N = Bm.shape[1]
    G = jax.lax.dot_general(A, Bm, (((1,), (0,)), ((), ())),
                            preferred_element_type=jnp.float32)
    sqr = jnp.sum(A * A, axis=1, keepdims=True)
    sqc = jnp.sum(Bm * Bm, axis=0, keepdims=True)
    d = sqr + sqc - 2.0 * G
    lane = jax.lax.broadcasted_iota(jnp.int32, (TS, N), 1)
    olane = jax.lax.broadcasted_iota(jnp.int32, (TS, 128), 1)
    nbig = jnp.int32(N + 1)
    inf = jnp.float32(np.inf)
    o_ref[...] = jnp.zeros(o_ref.shape, jnp.int32)
    out0 = o_ref[0]

    def step(t, carry):
        dd, out = carry
        mn = jnp.min(dd, axis=1, keepdims=True)
        idx = jnp.min(jnp.where(dd == mn, lane, nbig), axis=1, keepdims=True)
        out = (olane == t).astype(jnp.int32) * idx + out
        dd = jnp.where(lane == idx, inf, dd)
        return dd, out

    _, out = jax.lax.fori_loop(0, k, step, (d, out0))
    o_ref[0] = out


def _knn_pallas(xyz, k):
    B, N, _ = xyz.shape
    TS = 256
    ntile = N // TS
    A = jnp.zeros((B, N, 8), jnp.float32).at[:, :, :3].set(xyz)
    Bm = jnp.zeros((B, 8, N), jnp.float32).at[:, :3, :].set(
        jnp.transpose(xyz, (0, 2, 1)))
    out = pl.pallas_call(
        functools.partial(_knn_body, k),
        grid=(B * ntile,),
        in_specs=[
            pl.BlockSpec((1, TS, 8), lambda i: (i, 0, 0)),
            pl.BlockSpec((1, 8, N), lambda i: (i // ntile, 0, 0)),
        ],
        out_specs=pl.BlockSpec((1, TS, 128), lambda i: (i, 0, 0)),
        out_shape=jax.ShapeDtypeStruct((B * ntile, TS, 128), jnp.int32),
        compiler_params=pltpu.CompilerParams(
            dimension_semantics=("parallel",)),
    )(A.reshape(B * ntile, TS, 8), Bm)
    return out.reshape(B, N, 128)[:, :, :k]



_SC_NC, _SC_NS = 2, 16
_SC_NW = _SC_NC * _SC_NS


def _sc_gather(table, idx):
    V, D = table.shape
    M = idx.shape[0]
    b_per_w = M // _SC_NW
    limit = min(b_per_w, (524284 // (4 * D)) // 8 * 8, 1024)
    chunk = 8
    for c in range(8, limit + 1, 8):
        if b_per_w % c == 0:
            chunk = c
    nchunks = b_per_w // chunk

    def body(table_hbm, idx_hbm, out_hbm, idx_v, rows_v, sem):
        wid = jax.lax.axis_index("s") * _SC_NC + jax.lax.axis_index("c")
        base = wid * b_per_w
        for c in range(nchunks):
            off = base + c * chunk
            pltpu.sync_copy(idx_hbm.at[pl.ds(off, chunk)], idx_v)
            pltpu.async_copy(table_hbm.at[idx_v], rows_v, sem).wait()
            pltpu.sync_copy(rows_v, out_hbm.at[pl.ds(off, chunk)])

    f = pl.kernel(
        body,
        out_type=jax.ShapeDtypeStruct((M, D), jnp.float32),
        mesh=plsc.VectorSubcoreMesh(core_axis_name="c", subcore_axis_name="s"),
        scratch_types=[
            pltpu.VMEM((chunk,), jnp.int32),
            pltpu.VMEM((chunk, D), jnp.float32),
            pltpu.SemaphoreType.DMA,
        ],
    )
    return f(table, idx)


def _sc_gather_nd(table, idx):
    Pn, V, D0 = table.shape
    Dpad = ((D0 + 127) // 128) * 128
    tab = table
    if Dpad != D0:
        tab = jnp.pad(table, ((0, 0), (0, 0), (0, Dpad - D0)))
    flat_tab = tab.reshape(Pn * V, Dpad)
    offs = (jnp.arange(Pn, dtype=jnp.int32) * V).reshape(
        (Pn,) + (1,) * (idx.ndim - 1))
    flat_idx = (idx + offs).reshape(-1)
    out = _sc_gather(flat_tab, flat_idx)
    return out.reshape(idx.shape + (Dpad,))



def _fourier_embed(x):
    freq = 2.0 ** jnp.arange(NFREQ, dtype=x.dtype)
    emb = (x[..., None] * freq).reshape(x.shape[:-1] + (-1,))
    return jnp.concatenate([x, jnp.sin(emb), jnp.cos(emb)], axis=-1)


def _index_points(points, idx):
    return jax.vmap(lambda p, i: p[i])(points, idx)


def _knn_idx(xyz, k):
    return _knn_pallas(xyz, k)


def _query_ball(radius, nsample, xyz, new_xyz):
    return _ballquery_pallas(radius, nsample, xyz, new_xyz)


def _conv_bn_relu_2d(x, p):
    x = jnp.einsum('oi,bihw->bohw', p['W'], x) + p['b'][None, :, None, None]
    m = jnp.mean(x, axis=(0, 2, 3), keepdims=True)
    v = jnp.var(x, axis=(0, 2, 3), keepdims=True)
    x = p['g'][None, :, None, None] * (x - m) / jnp.sqrt(v + 1e-5) + p['be'][None, :, None, None]
    return jax.nn.relu(x)


def _set_abstraction(xyz, points, mlp_params, npoint, radius, nsample, group_all,
                     fps_idx=None):
    B, N, _ = xyz.shape
    if group_all:
        new_xyz = jnp.zeros((B, 1, 3), xyz.dtype)
        gp = jnp.concatenate([xyz, points], axis=2) if points is not None else xyz
        gp = jnp.transpose(gp, (0, 2, 1))[:, :, None, :]
    else:
        if fps_idx is None:
            fps_idx = _fps_pallas(xyz, npoint)
        new_xyz = _index_points(xyz, fps_idx)
        gidx = _query_ball(radius, nsample, xyz, new_xyz)
        gxyz = _index_points(xyz, gidx) - new_xyz[:, :, None, :]
        if points is not None:
            gp = jnp.concatenate([gxyz, _index_points(points, gidx)], axis=-1)
        else:
            gp = gxyz
        gp = jnp.transpose(gp, (0, 3, 2, 1))
    for p in mlp_params:
        gp = _conv_bn_relu_2d(gp, p)
    new_points = jnp.max(gp, axis=3 if group_all else 2)
    return new_xyz, jnp.transpose(new_points, (0, 2, 1))


def _mhsa(x, p, num_heads=4):
    B, N, C = x.shape
    qkv = x @ p['in_w'].T + p['in_b']
    q, k, v = jnp.split(qkv, 3, axis=-1)
    hd = C // num_heads

    def sh(t):
        return jnp.transpose(t.reshape(B, N, num_heads, hd), (0, 2, 1, 3))

    q, k, v = sh(q), sh(k), sh(v)
    attn = jax.nn.softmax(jnp.einsum('bhnd,bhmd->bhnm', q, k) / math.sqrt(hd), axis=-1)
    o = jnp.einsum('bhnm,bhmd->bhnd', attn, v)
    o = jnp.transpose(o, (0, 2, 1, 3)).reshape(B, N, C)
    return o @ p['out_w'].T + p['out_b']


def _geo_attn_block(xyz, features, p, k=16):
    a = _mhsa(features, p)
    g = a @ p['mhsa_w'].T + p['mhsa_b']
    ki = _knn_idx(xyz, k)
    kf = _sc_gather_nd(features, ki)
    proc = jax.nn.relu(kf @ p['knn1_w'].T + p['knn1_b'])
    loc = jnp.max(proc, axis=2) @ p['knn2_w'].T + p['knn2_b']
    fused = jax.nn.relu(jnp.concatenate([g, loc], -1) @ p['cat_w'].T + p['cat_b'])
    x = fused + features
    m = jnp.mean(x, -1, keepdims=True)
    v = jnp.var(x, -1, keepdims=True)
    return p['ln_g'] * (x - m) / jnp.sqrt(v + 1e-5) + p['ln_b']


def kernel(xyz, params):
    B = xyz.shape[0]
    iu, ic = NUM_U, NUM_U + NUM_C
    feat = _fourier_embed(xyz)

    stacked = jnp.concatenate(
        [xyz[:, :iu], xyz[:, iu:ic], xyz[:, ic:]], axis=0)
    featst = jnp.concatenate(
        [feat[:, :iu], feat[:, iu:ic], feat[:, ic:]], axis=0)
    table1 = jnp.concatenate([stacked, featst], axis=-1)

    fps_all = _fps_pallas(stacked, 1024)
    new_all = _sc_gather_nd(table1, fps_all)[..., :3]
    gidx = _ballquery_pallas(0.2, 32, stacked, new_all)
    rows = _sc_gather_nd(table1, gidx)
    gxyz = rows[..., :3] - new_all[:, :, None, :]
    gp_all = jnp.concatenate([gxyz, rows[..., 3:54]], axis=-1)
    gp_all = jnp.transpose(gp_all, (0, 3, 2, 1))

    l1ps = []
    for br, key in enumerate(('sa1u', 'sa1c', 'sa1i')):
        gp = gp_all[br * B:(br + 1) * B]
        for p in params[key]:
            gp = _conv_bn_relu_2d(gp, p)
        l1ps.append(jnp.transpose(jnp.max(gp, axis=2), (0, 2, 1)))
    l1x = jnp.concatenate(
        [new_all[:B], new_all[B:2 * B], new_all[2 * B:]], axis=1)
    l1p = jnp.concatenate(l1ps, axis=1)
    l1p = _geo_attn_block(l1x, l1p, params['ga'])
    f = jnp.transpose(l1p, (0, 2, 1))
    pf = params['fusion']
    f = jnp.einsum('oi,bin->bon', pf['W'], f) + pf['b'][None, :, None]
    m = jnp.mean(f, axis=(0, 2), keepdims=True)
    v = jnp.var(f, axis=(0, 2), keepdims=True)
    f = pf['g'][None, :, None] * (f - m) / jnp.sqrt(v + 1e-5) + pf['be'][None, :, None]
    f = jax.nn.relu(f)
    l1p = jnp.transpose(f, (0, 2, 1))

    table2 = jnp.concatenate([l1x, l1p], axis=-1)
    fps2 = _fps_pallas(l1x, 128)
    l2meta = _sc_gather_nd(table2, fps2)
    l2x = l2meta[..., :3]
    gidx2 = _ballquery_pallas(0.4, 64, l1x, l2x)
    rows2 = _sc_gather_nd(table2, gidx2)
    gxyz2 = rows2[..., :3] - l2x[:, :, None, :]
    gp2 = jnp.concatenate([gxyz2, rows2[..., 3:131]], axis=-1)
    gp2 = jnp.transpose(gp2, (0, 3, 2, 1))
    for p in params['sa2']:
        gp2 = _conv_bn_relu_2d(gp2, p)
    l2p = jnp.transpose(jnp.max(gp2, axis=2), (0, 2, 1))

    _, l3p = _set_abstraction(l2x, l2p, params['sa3'], None, None, None, True)
    x = l3p.reshape(B, 1024)
    mu = x @ params['mu_w'].T + params['mu_b']
    logvar = x @ params['lv_w'].T + params['lv_b']
    return mu, logvar

# --- scband reference (transcript-rebuilt; emitter-appended) ---
"""Pipeline reference for scband-encoder-40381282517462 (READ-ONLY COPY).

The authoritative reference and input builder live on the scoring server;
editing this copy changes nothing except your own understanding.
"""

import math
import jax, jax.numpy as jnp
import numpy as np

NUM_U, NUM_C, NUM_I = 4000, 4000, 4000
NFREQ = 8

def fourier_embed(x):
    freq = 2.0 ** jnp.arange(NFREQ, dtype=x.dtype)
    emb = (x[..., None] * freq).reshape(x.shape[:-1] + (-1,))
    return jnp.concatenate([x, jnp.sin(emb), jnp.cos(emb)], axis=-1)

def index_points(points, idx):
    return jax.vmap(lambda p, i: p[i])(points, idx)

def knn_idx(xyz, k):
    sq = jnp.sum(xyz * xyz, -1)
    d = sq[:, :, None] + sq[:, None, :] - 2.0 * jnp.einsum('bnc,bmc->bnm', xyz, xyz)
    return jax.lax.top_k(-d, k)[1]

def farthest_point_sample(xyz, npoint):
    B, N, _ = xyz.shape
    def step(carry, _):
        distance, far = carry
        centroid = index_points(xyz, far[:, None])
        dist = jnp.sum((xyz - centroid) ** 2, -1)
        distance = jnp.minimum(distance, dist)
        nf = jnp.argmax(distance, -1).astype(jnp.int32)
        return (distance, nf), far
    init = (jnp.full((B, N), 1e10, xyz.dtype), jnp.zeros((B,), jnp.int32))
    _, cents = jax.lax.scan(step, init, None, length=npoint)
    return jnp.transpose(cents, (1, 0))

def query_ball(radius, nsample, xyz, new_xyz):
    B, N, _ = xyz.shape
    S = new_xyz.shape[1]
    sqrd = jnp.sum((new_xyz[:, :, None, :] - xyz[:, None, :, :]) ** 2, -1)
    gi = jnp.broadcast_to(jnp.arange(N, dtype=jnp.int32), (B, S, N))
    gi = jnp.where(sqrd > radius * radius, N, gi)
    gi = jnp.sort(gi, axis=-1)[:, :, :nsample]
    first = jnp.broadcast_to(gi[:, :, :1], gi.shape)
    return jnp.where(gi == N, first, gi)

def conv_bn_relu_2d(x, p):
    x = jnp.einsum('oi,bihw->bohw', p['W'], x) + p['b'][None, :, None, None]
    m = jnp.mean(x, axis=(0, 2, 3), keepdims=True)
    v = jnp.var(x, axis=(0, 2, 3), keepdims=True)
    x = p['g'][None, :, None, None] * (x - m) / jnp.sqrt(v + 1e-5) + p['be'][None, :, None, None]
    return jax.nn.relu(x)

def set_abstraction(xyz, points, mlp_params, npoint, radius, nsample, group_all):
    B, N, _ = xyz.shape
    if group_all:
        new_xyz = jnp.zeros((B, 1, 3), xyz.dtype)
        gp = jnp.concatenate([xyz, points], axis=2) if points is not None else xyz
        gp = jnp.transpose(gp, (0, 2, 1))[:, :, None, :]
    else:
        fps_idx = farthest_point_sample(xyz, npoint)
        new_xyz = index_points(xyz, fps_idx)
        gidx = query_ball(radius, nsample, xyz, new_xyz)
        gxyz = index_points(xyz, gidx) - new_xyz[:, :, None, :]
        if points is not None:
            gp = jnp.concatenate([gxyz, index_points(points, gidx)], axis=-1)
        else:
            gp = gxyz
        gp = jnp.transpose(gp, (0, 3, 2, 1))
    for p in mlp_params:
        gp = conv_bn_relu_2d(gp, p)
    new_points = jnp.max(gp, axis=3 if group_all else 2)
    return new_xyz, jnp.transpose(new_points, (0, 2, 1))

def mhsa(x, p, num_heads=4):
    B, N, C = x.shape
    qkv = x @ p['in_w'].T + p['in_b']
    q, k, v = jnp.split(qkv, 3, axis=-1)
    hd = C // num_heads
    def sh(t):
        return jnp.transpose(t.reshape(B, N, num_heads, hd), (0, 2, 1, 3))
    q, k, v = sh(q), sh(k), sh(v)
    attn = jax.nn.softmax(jnp.einsum('bhnd,bhmd->bhnm', q, k) / math.sqrt(hd), axis=-1)
    o = jnp.einsum('bhnm,bhmd->bhnd', attn, v)
    o = jnp.transpose(o, (0, 2, 1, 3)).reshape(B, N, C)
    return o @ p['out_w'].T + p['out_b']

def geo_attn_block(xyz, features, p, k=16):
    a = mhsa(features, p)
    g = a @ p['mhsa_w'].T + p['mhsa_b']
    ki = knn_idx(xyz, k)
    kf = index_points(features, ki)
    proc = jax.nn.relu(kf @ p['knn1_w'].T + p['knn1_b'])
    loc = jnp.max(proc, axis=2) @ p['knn2_w'].T + p['knn2_b']
    fused = jax.nn.relu(jnp.concatenate([g, loc], -1) @ p['cat_w'].T + p['cat_b'])
    x = fused + features
    m = jnp.mean(x, -1, keepdims=True)
    v = jnp.var(x, -1, keepdims=True)
    return p['ln_g'] * (x - m) / jnp.sqrt(v + 1e-5) + p['ln_b']

def encoder_forward(xyz, params):
    B = xyz.shape[0]
    iu, ic = NUM_U, NUM_U + NUM_C
    feat = fourier_embed(xyz)
    l1xu, l1pu = set_abstraction(xyz[:, :iu], feat[:, :iu], params['sa1u'], 1024, 0.2, 32, False)
    l1xc, l1pc = set_abstraction(xyz[:, iu:ic], feat[:, iu:ic], params['sa1c'], 1024, 0.2, 32, False)
    l1xi, l1pi = set_abstraction(xyz[:, ic:], feat[:, ic:], params['sa1i'], 1024, 0.2, 32, False)
    l1x = jnp.concatenate([l1xu, l1xc, l1xi], axis=1)
    l1p = jnp.concatenate([l1pu, l1pc, l1pi], axis=1)
    l1p = geo_attn_block(l1x, l1p, params['ga'])
    f = jnp.transpose(l1p, (0, 2, 1))
    pf = params['fusion']
    f = jnp.einsum('oi,bin->bon', pf['W'], f) + pf['b'][None, :, None]
    m = jnp.mean(f, axis=(0, 2), keepdims=True)
    v = jnp.var(f, axis=(0, 2), keepdims=True)
    f = pf['g'][None, :, None] * (f - m) / jnp.sqrt(v + 1e-5) + pf['be'][None, :, None]
    f = jax.nn.relu(f)
    l1p = jnp.transpose(f, (0, 2, 1))
    l2x, l2p = set_abstraction(l1x, l1p, params['sa2'], 128, 0.4, 64, False)
    _, l3p = set_abstraction(l2x, l2p, params['sa3'], None, None, None, True)
    x = l3p.reshape(B, 1024)
    mu = x @ params['mu_w'].T + params['mu_b']
    logvar = x @ params['lv_w'].T + params['lv_b']
    return mu, logvar

def setup_inputs(seed: int = 0):
    key = jax.random.key(seed)
    B, N = 2, 12000
    xyz = jax.random.uniform(jax.random.fold_in(key, 0), (B, N, 3), dtype=jnp.float32)
    cnt = [1]
    def nk():
        cnt[0] += 1
        return jax.random.fold_in(key, cnt[0])
    def lin(out_d, in_d):
        W = jax.random.normal(nk(), (out_d, in_d), jnp.float32) * (1.0 / np.sqrt(in_d))
        b = jnp.zeros((out_d,), jnp.float32)
        return W, b
    def mlp_params(in_c, mlp):
        ps = []
        last = in_c
        for oc in mlp:
            W, b = lin(oc, last)
            ps.append({'W': W, 'b': b, 'g': jnp.ones((oc,), jnp.float32), 'be': jnp.zeros((oc,), jnp.float32)})
            last = oc
        return ps
    params = {}
    params['sa1u'] = mlp_params(54, [64, 64, 128])
    params['sa1c'] = mlp_params(54, [64, 64, 128])
    params['sa1i'] = mlp_params(54, [64, 64, 128])
    in_w, in_b = lin(384, 128)
    out_w, out_b = lin(128, 128)
    mw, mb = lin(128, 128)
    k1w, k1b = lin(128, 128)
    k2w, k2b = lin(128, 128)
    cw, cb = lin(128, 256)
    params['ga'] = {'in_w': in_w, 'in_b': in_b, 'out_w': out_w, 'out_b': out_b, 'mhsa_w': mw, 'mhsa_b': mb, 'knn1_w': k1w, 'knn1_b': k1b, 'knn2_w': k2w, 'knn2_b': k2b, 'cat_w': cw, 'cat_b': cb, 'ln_g': jnp.ones((128,), jnp.float32), 'ln_b': jnp.zeros((128,), jnp.float32)}
    fw, fb = lin(128, 128)
    params['fusion'] = {'W': fw, 'b': fb, 'g': jnp.ones((128,), jnp.float32), 'be': jnp.zeros((128,), jnp.float32)}
    params['sa2'] = mlp_params(131, [128, 128, 256])
    params['sa3'] = mlp_params(259, [256, 512, 1024])
    muw, mub = lin(128, 1024)
    lvw, lvb = lin(128, 1024)
    params['mu_w'] = muw
    params['mu_b'] = mub
    params['lv_w'] = lvw
    params['lv_b'] = lvb
    return {'xyz': xyz, 'params': params}

def reference(xyz, params):
    return encoder_forward(xyz, params)

if __name__ == "__main__":
    import jax
    _d = setup_inputs()
    print(jax.jit(kernel)(*tuple(_d.values())))

</pallas_src>

<mosaic_0001>
#map = affine_map<(d0, d1) -> (0, 0)>
#map1 = affine_map<(d0, d1) -> (0)>
module attributes {stable_mosaic.version = 14 : i64} {
  func.func @body(%arg0: i32, %arg1: i32, %arg2: memref<6144x256xf32, #tpu.memory_space<hbm>>, %arg3: memref<256xi32, #tpu.memory_space<hbm>>, %arg4: memref<256x256xf32, #tpu.memory_space<hbm>>, %arg5: memref<8xi32, #tpu.memory_space<vmem>>, %arg6: memref<8x256xf32, #tpu.memory_space<vmem>>, %arg7: memref<!tpu.dma_semaphore, #tpu.memory_space<semaphore_mem>>) attributes {dimension_semantics = [#tpu.dimension_semantics<core_parallel>, #tpu.dimension_semantics<subcore_parallel>], iteration_bounds = array<i64: 2, 16>, scalar_prefetch = 0 : i64, scratch_operands = 3 : i64, tpu.core_type = #tpu.core_type<sc_vector_subcore>, window_params = [{transform_indices = #map}, {transform_indices = #map1}, {transform_indices = #map}]} {
    %mul3A = arith.constant 2 : i32
    %mul3A_0 = arith.muli %arg1, %mul3A : i32
    %add3A = arith.addi %mul3A_0, %arg0 : i32
    %mul3A_1 = arith.constant 8 : i32
    %mul3A_2 = arith.muli %add3A, %mul3A_1 : i32
    %add3A_3 = arith.constant 0 : i32
    %add3A_4 = arith.addi %mul3A_2, %add3A_3 : i32
    "tpu.region"() ({
      %run_scoped3A = tpu.sem_alloc : memref<!tpu.dma_semaphore, #tpu.memory_space<semaphore_mem>>
      %dma_start3A_9 = tpu.memref_slice %arg3[%add3A_4] : memref<256xi32, #tpu.memory_space<hbm>> -> memref<8xi32, #tpu.memory_space<hbm>>
      %dma_start3A_10 = tpu.memref_slice %arg3[%add3A_4] : memref<256xi32, #tpu.memory_space<hbm>> -> memref<8xi32, #tpu.memory_space<hbm>>
      tpu.enqueue_dma source(%dma_start3A_10 : memref<8xi32, #tpu.memory_space<hbm>>) target(%arg5 : memref<8xi32, #tpu.memory_space<vmem>>) target_semaphore(%run_scoped3A : memref<!tpu.dma_semaphore, #tpu.memory_space<semaphore_mem>>)
      %dma_wait3A_11 = tpu.memref_slice %arg3[%add3A_4] : memref<256xi32, #tpu.memory_space<hbm>> -> memref<8xi32, #tpu.memory_space<hbm>>
      %dma_wait3A_12 = tpu.memref_slice %arg3[%add3A_4] : memref<256xi32, #tpu.memory_space<hbm>> -> memref<8xi32, #tpu.memory_space<hbm>>
      tpu.wait_dma2 semaphore(%run_scoped3A : memref<!tpu.dma_semaphore, #tpu.memory_space<semaphore_mem>>) src(%dma_wait3A_12 : memref<8xi32, #tpu.memory_space<hbm>>) dst(%arg5 : memref<8xi32, #tpu.memory_space<vmem>>)
      tpu.yield
    }) : () -> ()
    %dma_start3A = arith.constant 0 : i32
    %dma_start3A_5 = arith.constant 0 : i32
    %dma_start3A_6 = tpu.memref_slice %arg2[%dma_start3A, %dma_start3A_5] : memref<6144x256xf32, #tpu.memory_space<hbm>> -> memref<6144x256xf32, #tpu.memory_space<hbm>>
    tpu.enqueue_indirect_dma source(%dma_start3A_6 : memref<6144x256xf32, #tpu.memory_space<hbm>>) target(%arg6 : memref<8x256xf32, #tpu.memory_space<vmem>>) offsets(%arg5 : memref<8xi32, #tpu.memory_space<vmem>>) semaphore(%arg7 : memref<!tpu.dma_semaphore, #tpu.memory_space<semaphore_mem>>)
    %dma_wait3A = arith.constant 0 : i32
    %dma_wait3A_7 = arith.constant 0 : i32
    %dma_wait3A_8 = tpu.memref_slice %arg2[%dma_wait3A, %dma_wait3A_7] : memref<6144x256xf32, #tpu.memory_space<hbm>> -> memref<6144x256xf32, #tpu.memory_space<hbm>>
    tpu.wait_indirect_dma semaphore(%arg7 : memref<!tpu.dma_semaphore, #tpu.memory_space<semaphore_mem>>) src(%dma_wait3A_8 : memref<6144x256xf32, #tpu.memory_space<hbm>>) dst(%arg6 : memref<8x256xf32, #tpu.memory_space<vmem>>)
    "tpu.region"() ({
      %run_scoped3A = tpu.sem_alloc : memref<!tpu.dma_semaphore, #tpu.memory_space<semaphore_mem>>
      %dma_start3A_9 = arith.constant 0 : i32
      %dma_start3A_10 = tpu.memref_slice %arg4[%add3A_4, %dma_start3A_9] : memref<256x256xf32, #tpu.memory_space<hbm>> -> memref<8x256xf32, #tpu.memory_space<hbm>>
      %dma_start3A_11 = arith.constant 0 : i32
      %dma_start3A_12 = tpu.memref_slice %arg4[%add3A_4, %dma_start3A_11] : memref<256x256xf32, #tpu.memory_space<hbm>> -> memref<8x256xf32, #tpu.memory_space<hbm>>
      tpu.enqueue_dma source(%arg6 : memref<8x256xf32, #tpu.memory_space<vmem>>) target(%dma_start3A_12 : memref<8x256xf32, #tpu.memory_space<hbm>>) target_semaphore(%run_scoped3A : memref<!tpu.dma_semaphore, #tpu.memory_space<semaphore_mem>>)
      %dma_wait3A_13 = arith.constant 0 : i32
      %dma_wait3A_14 = tpu.memref_slice %arg4[%add3A_4, %dma_wait3A_13] : memref<256x256xf32, #tpu.memory_space<hbm>> -> memref<8x256xf32, #tpu.memory_space<hbm>>
      %dma_wait3A_15 = arith.constant 0 : i32
      %dma_wait3A_16 = tpu.memref_slice %arg4[%add3A_4, %dma_wait3A_15] : memref<256x256xf32, #tpu.memory_space<hbm>> -> memref<8x256xf32, #tpu.memory_space<hbm>>
      tpu.wait_dma2 semaphore(%run_scoped3A : memref<!tpu.dma_semaphore, #tpu.memory_space<semaphore_mem>>) src(%arg6 : memref<8x256xf32, #tpu.memory_space<vmem>>) dst(%dma_wait3A_16 : memref<8x256xf32, #tpu.memory_space<hbm>>)
      tpu.yield
    }) : () -> ()
    return
  }
}

#map = affine_map<(d0, d1) -> (0, 0)>
#map1 = affine_map<(d0, d1) -> (0)>
module attributes {stable_mosaic.version = 14 : i64} {
  func.func @body(%arg0: i32, %arg1: i32, %arg2: memref<24000x128xf32, #tpu.memory_space<hbm>>, %arg3: memref<6144xi32, #tpu.memory_space<hbm>>, %arg4: memref<6144x128xf32, #tpu.memory_space<hbm>>, %arg5: memref<192xi32, #tpu.memory_space<vmem>>, %arg6: memref<192x128xf32, #tpu.memory_space<vmem>>, %arg7: memref<!tpu.dma_semaphore, #tpu.memory_space<semaphore_mem>>) attributes {dimension_semantics = [#tpu.dimension_semantics<core_parallel>, #tpu.dimension_semantics<subcore_parallel>], iteration_bounds = array<i64: 2, 16>, scalar_prefetch = 0 : i64, scratch_operands = 3 : i64, tpu.core_type = #tpu.core_type<sc_vector_subcore>, window_params = [{transform_indices = #map}, {transform_indices = #map1}, {transform_indices = #map}]} {
    %mul3A = arith.constant 2 : i32
    %mul3A_0 = arith.muli %arg1, %mul3A : i32
    %add3A = arith.addi %mul3A_0, %arg0 : i32
    %mul3A_1 = arith.constant 192 : i32
    %mul3A_2 = arith.muli %add3A, %mul3A_1 : i32
    %add3A_3 = arith.constant 0 : i32
    %add3A_4 = arith.addi %mul3A_2, %add3A_3 : i32
    "tpu.region"() ({
      %run_scoped3A = tpu.sem_alloc : memref<!tpu.dma_semaphore, #tpu.memory_space<semaphore_mem>>
      %dma_start3A_9 = tpu.memref_slice %arg3[%add3A_4] : memref<6144xi32, #tpu.memory_space<hbm>> -> memref<192xi32, #tpu.memory_space<hbm>>
      %dma_start3A_10 = tpu.memref_slice %arg3[%add3A_4] : memref<6144xi32, #tpu.memory_space<hbm>> -> memref<192xi32, #tpu.memory_space<hbm>>
      tpu.enqueue_dma source(%dma_start3A_10 : memref<192xi32, #tpu.memory_space<hbm>>) target(%arg5 : memref<192xi32, #tpu.memory_space<vmem>>) target_semaphore(%run_scoped3A : memref<!tpu.dma_semaphore, #tpu.memory_space<semaphore_mem>>)
      %dma_wait3A_11 = tpu.memref_slice %arg3[%add3A_4] : memref<6144xi32, #tpu.memory_space<hbm>> -> memref<192xi32, #tpu.memory_space<hbm>>
      %dma_wait3A_12 = tpu.memref_slice %arg3[%add3A_4] : memref<6144xi32, #tpu.memory_space<hbm>> -> memref<192xi32, #tpu.memory_space<hbm>>
      tpu.wait_dma2 semaphore(%run_scoped3A : memref<!tpu.dma_semaphore, #tpu.memory_space<semaphore_mem>>) src(%dma_wait3A_12 : memref<192xi32, #tpu.memory_space<hbm>>) dst(%arg5 : memref<192xi32, #tpu.memory_space<vmem>>)
      tpu.yield
    }) : () -> ()
    %dma_start3A = arith.constant 0 : i32
    %dma_start3A_5 = arith.constant 0 : i32
    %dma_start3A_6 = tpu.memref_slice %arg2[%dma_start3A, %dma_start3A_5] : memref<24000x128xf32, #tpu.memory_space<hbm>> -> memref<24000x128xf32, #tpu.memory_space<hbm>>
    tpu.enqueue_indirect_dma source(%dma_start3A_6 : memref<24000x128xf32, #tpu.memory_space<hbm>>) target(%arg6 : memref<192x128xf32, #tpu.memory_space<vmem>>) offsets(%arg5 : memref<192xi32, #tpu.memory_space<vmem>>) semaphore(%arg7 : memref<!tpu.dma_semaphore, #tpu.memory_space<semaphore_mem>>)
    %dma_wait3A = arith.constant 0 : i32
    %dma_wait3A_7 = arith.constant 0 : i32
    %dma_wait3A_8 = tpu.memref_slice %arg2[%dma_wait3A, %dma_wait3A_7] : memref<24000x128xf32, #tpu.memory_space<hbm>> -> memref<24000x128xf32, #tpu.memory_space<hbm>>
    tpu.wait_indirect_dma semaphore(%arg7 : memref<!tpu.dma_semaphore, #tpu.memory_space<semaphore_mem>>) src(%dma_wait3A_8 : memref<24000x128xf32, #tpu.memory_space<hbm>>) dst(%arg6 : memref<192x128xf32, #tpu.memory_space<vmem>>)
    "tpu.region"() ({
      %run_scoped3A = tpu.sem_alloc : memref<!tpu.dma_semaphore, #tpu.memory_space<semaphore_mem>>
      %dma_start3A_9 = arith.constant 0 : i32
      %dma_start3A_10 = tpu.memref_slice %arg4[%add3A_4, %dma_start3A_9] : memref<6144x128xf32, #tpu.memory_space<hbm>> -> memref<192x128xf32, #tpu.memory_space<hbm>>
      %dma_start3A_11 = arith.constant 0 : i32
      %dma_start3A_12 = tpu.memref_slice %arg4[%add3A_4, %dma_start3A_11] : memref<6144x128xf32, #tpu.memory_space<hbm>> -> memref<192x128xf32, #tpu.memory_space<hbm>>
      tpu.enqueue_dma source(%arg6 : memref<192x128xf32, #tpu.memory_space<vmem>>) target(%dma_start3A_12 : memref<192x128xf32, #tpu.memory_space<hbm>>) target_semaphore(%run_scoped3A : memref<!tpu.dma_semaphore, #tpu.memory_space<semaphore_mem>>)
      %dma_wait3A_13 = arith.constant 0 : i32
      %dma_wait3A_14 = tpu.memref_slice %arg4[%add3A_4, %dma_wait3A_13] : memref<6144x128xf32, #tpu.memory_space<hbm>> -> memref<192x128xf32, #tpu.memory_space<hbm>>
      %dma_wait3A_15 = arith.constant 0 : i32
      %dma_wait3A_16 = tpu.memref_slice %arg4[%add3A_4, %dma_wait3A_15] : memref<6144x128xf32, #tpu.memory_space<hbm>> -> memref<192x128xf32, #tpu.memory_space<hbm>>
      tpu.wait_dma2 semaphore(%run_scoped3A : memref<!tpu.dma_semaphore, #tpu.memory_space<semaphore_mem>>) src(%arg6 : memref<192x128xf32, #tpu.memory_space<vmem>>) dst(%dma_wait3A_16 : memref<192x128xf32, #tpu.memory_space<hbm>>)
      tpu.yield
    }) : () -> ()
    return
  }
}

#map = affine_map<(d0, d1) -> (0, 0)>
#map1 = affine_map<(d0, d1) -> (0)>
module attributes {stable_mosaic.version = 14 : i64} {
  func.func @body(%arg0: i32, %arg1: i32, %arg2: memref<6144x128xf32, #tpu.memory_space<hbm>>, %arg3: memref<98304xi32, #tpu.memory_space<hbm>>, %arg4: memref<98304x128xf32, #tpu.memory_space<hbm>>, %arg5: memref<768xi32, #tpu.memory_space<vmem>>, %arg6: memref<768x128xf32, #tpu.memory_space<vmem>>, %arg7: memref<!tpu.dma_semaphore, #tpu.memory_space<semaphore_mem>>) attributes {dimension_semantics = [#tpu.dimension_semantics<core_parallel>, #tpu.dimension_semantics<subcore_parallel>], iteration_bounds = array<i64: 2, 16>, scalar_prefetch = 0 : i64, scratch_operands = 3 : i64, tpu.core_type = #tpu.core_type<sc_vector_subcore>, window_params = [{transform_indices = #map}, {transform_indices = #map1}, {transform_indices = #map}]} {
    %mul3A = arith.constant 2 : i32
    %mul3A_0 = arith.muli %arg1, %mul3A : i32
    %add3A = arith.addi %mul3A_0, %arg0 : i32
    %mul3A_1 = arith.constant 3072 : i32
    %mul3A_2 = arith.muli %add3A, %mul3A_1 : i32
    %add3A_3 = arith.constant 0 : i32
    %add3A_4 = arith.addi %mul3A_2, %add3A_3 : i32
    "tpu.region"() ({
      %run_scoped3A = tpu.sem_alloc : memref<!tpu.dma_semaphore, #tpu.memory_space<semaphore_mem>>
      %dma_start3A_33 = tpu.memref_slice %arg3[%add3A_4] : memref<98304xi32, #tpu.memory_space<hbm>> -> memref<768xi32, #tpu.memory_space<hbm>>
      %dma_start3A_34 = tpu.memref_slice %arg3[%add3A_4] : memref<98304xi32, #tpu.memory_space<hbm>> -> memref<768xi32, #tpu.memory_space<hbm>>
      tpu.enqueue_dma source(%dma_start3A_34 : memref<768xi32, #tpu.memory_space<hbm>>) target(%arg5 : memref<768xi32, #tpu.memory_space<vmem>>) target_semaphore(%run_scoped3A : memref<!tpu.dma_semaphore, #tpu.memory_space<semaphore_mem>>)
      %dma_wait3A_35 = tpu.memref_slice %arg3[%add3A_4] : memref<98304xi32, #tpu.memory_space<hbm>> -> memref<768xi32, #tpu.memory_space<hbm>>
      %dma_wait3A_36 = tpu.memref_slice %arg3[%add3A_4] : memref<98304xi32, #tpu.memory_space<hbm>> -> memref<768xi32, #tpu.memory_space<hbm>>
      tpu.wait_dma2 semaphore(%run_scoped3A : memref<!tpu.dma_semaphore, #tpu.memory_space<semaphore_mem>>) src(%dma_wait3A_36 : memref<768xi32, #tpu.memory_space<hbm>>) dst(%arg5 : memref<768xi32, #tpu.memory_space<vmem>>)
      tpu.yield
    }) : () -> ()
    %dma_start3A = arith.constant 0 : i32
    %dma_start3A_5 = arith.constant 0 : i32
    %dma_start3A_6 = tpu.memref_slice %arg2[%dma_start3A, %dma_start3A_5] : memref<6144x128xf32, #tpu.memory_space<hbm>> -> memref<6144x128xf32, #tpu.memory_space<hbm>>
    tpu.enqueue_indirect_dma source(%dma_start3A_6 : memref<6144x128xf32, #tpu.memory_space<hbm>>) target(%arg6 : memref<768x128xf32, #tpu.memory_space<vmem>>) offsets(%arg5 : memref<768xi32, #tpu.memory_space<vmem>>) semaphore(%arg7 : memref<!tpu.dma_semaphore, #tpu.memory_space<semaphore_mem>>)
    %dma_wait3A = arith.constant 0 : i32
    %dma_wait3A_7 = arith.constant 0 : i32
    %dma_wait3A_8 = tpu.memref_slice %arg2[%dma_wait3A, %dma_wait3A_7] : memref<6144x128xf32, #tpu.memory_space<hbm>> -> memref<6144x128xf32, #tpu.memory_space<hbm>>
    tpu.wait_indirect_dma semaphore(%arg7 : memref<!tpu.dma_semaphore, #tpu.memory_space<semaphore_mem>>) src(%dma_wait3A_8 : memref<6144x128xf32, #tpu.memory_space<hbm>>) dst(%arg6 : memref<768x128xf32, #tpu.memory_space<vmem>>)
    "tpu.region"() ({
      %run_scoped3A = tpu.sem_alloc : memref<!tpu.dma_semaphore, #tpu.memory_space<semaphore_mem>>
      %dma_start3A_33 = arith.constant 0 : i32
      %dma_start3A_34 = tpu.memref_slice %arg4[%add3A_4, %dma_start3A_33] : memref<98304x128xf32, #tpu.memory_space<hbm>> -> memref<768x128xf32, #tpu.memory_space<hbm>>
      %dma_start3A_35 = arith.constant 0 : i32
      %dma_start3A_36 = tpu.memref_slice %arg4[%add3A_4, %dma_start3A_35] : memref<98304x128xf32, #tpu.memory_space<hbm>> -> memref<768x128xf32, #tpu.memory_space<hbm>>
      tpu.enqueue_dma source(%arg6 : memref<768x128xf32, #tpu.memory_space<vmem>>) target(%dma_start3A_36 : memref<768x128xf32, #tpu.memory_space<hbm>>) target_semaphore(%run_scoped3A : memref<!tpu.dma_semaphore, #tpu.memory_space<semaphore_mem>>)
      %dma_wait3A_37 = arith.constant 0 : i32
      %dma_wait3A_38 = tpu.memref_slice %arg4[%add3A_4, %dma_wait3A_37] : memref<98304x128xf32, #tpu.memory_space<hbm>> -> memref<768x128xf32, #tpu.memory_space<hbm>>
      %dma_wait3A_39 = arith.constant 0 : i32
      %dma_wait3A_40 = tpu.memref_slice %arg4[%add3A_4, %dma_wait3A_39] : memref<98304x128xf32, #tpu.memory_space<hbm>> -> memref<768x128xf32, #tpu.memory_space<hbm>>
      tpu.wait_dma2 semaphore(%run_scoped3A : memref<!tpu.dma_semaphore, #tpu.memory_space<semaphore_mem>>) src(%arg6 : memref<768x128xf32, #tpu.memory_space<vmem>>) dst(%dma_wait3A_40 : memref<768x128xf32, #tpu.memory_space<hbm>>)
      tpu.yield
    }) : () -> ()
    %add3A_9 = arith.constant 768 : i32
    %add3A_10 = arith.addi %mul3A_2, %add3A_9 : i32
    "tpu.region"() ({
      %run_scoped3A = tpu.sem_alloc : memref<!tpu.dma_semaphore, #tpu.memory_space<semaphore_mem>>
      %dma_start3A_33 = tpu.memref_slice %arg3[%add3A_10] : memref<98304xi32, #tpu.memory_space<hbm>> -> memref<768xi32, #tpu.memory_space<hbm>>
      %dma_start3A_34 = tpu.memref_slice %arg3[%add3A_10] : memref<98304xi32, #tpu.memory_space<hbm>> -> memref<768xi32, #tpu.memory_space<hbm>>
      tpu.enqueue_dma source(%dma_start3A_34 : memref<768xi32, #tpu.memory_space<hbm>>) target(%arg5 : memref<768xi32, #tpu.memory_space<vmem>>) target_semaphore(%run_scoped3A : memref<!tpu.dma_semaphore, #tpu.memory_space<semaphore_mem>>)
      %dma_wait3A_35 = tpu.memref_slice %arg3[%add3A_10] : memref<98304xi32, #tpu.memory_space<hbm>> -> memref<768xi32, #tpu.memory_space<hbm>>
      %dma_wait3A_36 = tpu.memref_slice %arg3[%add3A_10] : memref<98304xi32, #tpu.memory_space<hbm>> -> memref<768xi32, #tpu.memory_space<hbm>>
      tpu.wait_dma2 semaphore(%run_scoped3A : memref<!tpu.dma_semaphore, #tpu.memory_space<semaphore_mem>>) src(%dma_wait3A_36 : memref<768xi32, #tpu.memory_space<hbm>>) dst(%arg5 : memref<768xi32, #tpu.memory_space<vmem>>)
      tpu.yield
    }) : () -> ()
    %dma_start3A_11 = arith.constant 0 : i32
    %dma_start3A_12 = arith.constant 0 : i32
    %dma_start3A_13 = tpu.memref_slice %arg2[%dma_start3A_11, %dma_start3A_12] : memref<6144x128xf32, #tpu.memory_space<hbm>> -> memref<6144x128xf32, #tpu.memory_space<hbm>>
    tpu.enqueue_indirect_dma source(%dma_start3A_13 : memref<6144x128xf32, #tpu.memory_space<hbm>>) target(%arg6 : memref<768x128xf32, #tpu.memory_space<vmem>>) offsets(%arg5 : memref<768xi32, #tpu.memory_space<vmem>>) semaphore(%arg7 : memref<!tpu.dma_semaphore, #tpu.memory_space<semaphore_mem>>)
    %dma_wait3A_14 = arith.constant 0 : i32
    %dma_wait3A_15 = arith.constant 0 : i32
    %dma_wait3A_16 = tpu.memref_slice %arg2[%dma_wait3A_14, %dma_wait3A_15] : memref<6144x128xf32, #tpu.memory_space<hbm>> -> memref<6144x128xf32, #tpu.memory_space<hbm>>
    tpu.wait_indirect_dma semaphore(%arg7 : memref<!tpu.dma_semaphore, #tpu.memory_space<semaphore_mem>>) src(%dma_wait3A_16 : memref<6144x128xf32, #tpu.memory_space<hbm>>) dst(%arg6 : memref<768x128xf32, #tpu.memory_space<vmem>>)
    "tpu.region"() ({
      %run_scoped3A = tpu.sem_alloc : memref<!tpu.dma_semaphore, #tpu.memory_space<semaphore_mem>>
      %dma_start3A_33 = arith.constant 0 : i32
      %dma_start3A_34 = tpu.memref_slice %arg4[%add3A_10, %dma_start3A_33] : memref<98304x128xf32, #tpu.memory_space<hbm>> -> memref<768x128xf32, #tpu.memory_space<hbm>>
      %dma_start3A_35 = arith.constant 0 : i32
      %dma_start3A_36 = tpu.memref_slice %arg4[%add3A_10, %dma_start3A_35] : memref<98304x128xf32, #tpu.memory_space<hbm>> -> memref<768x128xf32, #tpu.memory_space<hbm>>
      tpu.enqueue_dma source(%arg6 : memref<768x128xf32, #tpu.memory_space<vmem>>) target(%dma_start3A_36 : memref<768x128xf32, #tpu.memory_space<hbm>>) target_semaphore(%run_scoped3A : memref<!tpu.dma_semaphore, #tpu.memory_space<semaphore_mem>>)
      %dma_wait3A_37 = arith.constant 0 : i32
      %dma_wait3A_38 = tpu.memref_slice %arg4[%add3A_10, %dma_wait3A_37] : memref<98304x128xf32, #tpu.memory_space<hbm>> -> memref<768x128xf32, #tpu.memory_space<hbm>>
      %dma_wait3A_39 = arith.constant 0 : i32
      %dma_wait3A_40 = tpu.memref_slice %arg4[%add3A_10, %dma_wait3A_39] : memref<98304x128xf32, #tpu.memory_space<hbm>> -> memref<768x128xf32, #tpu.memory_space<hbm>>
      tpu.wait_dma2 semaphore(%run_scoped3A : memref<!tpu.dma_semaphore, #tpu.memory_space<semaphore_mem>>) src(%arg6 : memref<768x128xf32, #tpu.memory_space<vmem>>) dst(%dma_wait3A_40 : memref<768x128xf32, #tpu.memory_space<hbm>>)
      tpu.yield
    }) : () -> ()
    %add3A_17 = arith.constant 1536 : i32
    %add3A_18 = arith.addi %mul3A_2, %add3A_17 : i32
    "tpu.region"() ({
      %run_scoped3A = tpu.sem_alloc : memref<!tpu.dma_semaphore, #tpu.memory_space<semaphore_mem>>
      %dma_start3A_33 = tpu.memref_slice %arg3[%add3A_18] : memref<98304xi32, #tpu.memory_space<hbm>> -> memref<768xi32, #tpu.memory_space<hbm>>
      %dma_start3A_34 = tpu.memref_slice %arg3[%add3A_18] : memref<98304xi32, #tpu.memory_space<hbm>> -> memref<768xi32, #tpu.memory_space<hbm>>
      tpu.enqueue_dma source(%dma_start3A_34 : memref<768xi32, #tpu.memory_space<hbm>>) target(%arg5 : memref<768xi32, #tpu.memory_space<vmem>>) target_semaphore(%run_scoped3A : memref<!tpu.dma_semaphore, #tpu.memory_space<semaphore_mem>>)
      %dma_wait3A_35 = tpu.memref_slice %arg3[%add3A_18] : memref<98304xi32, #tpu.memory_space<hbm>> -> memref<768xi32, #tpu.memory_space<hbm>>
      %dma_wait3A_36 = tpu.memref_slice %arg3[%add3A_18] : memref<98304xi32, #tpu.memory_space<hbm>> -> memref<768xi32, #tpu.memory_space<hbm>>
      tpu.wait_dma2 semaphore(%run_scoped3A : memref<!tpu.dma_semaphore, #tpu.memory_space<semaphore_mem>>) src(%dma_wait3A_36 : memref<768xi32, #tpu.memory_space<hbm>>) dst(%arg5 : memref<768xi32, #tpu.memory_space<vmem>>)
      tpu.yield
    }) : () -> ()
    %dma_start3A_19 = arith.constant 0 : i32
    %dma_start3A_20 = arith.constant 0 : i32
    %dma_start3A_21 = tpu.memref_slice %arg2[%dma_start3A_19, %dma_start3A_20] : memref<6144x128xf32, #tpu.memory_space<hbm>> -> memref<6144x128xf32, #tpu.memory_space<hbm>>
    tpu.enqueue_indirect_dma source(%dma_start3A_21 : memref<6144x128xf32, #tpu.memory_space<hbm>>) target(%arg6 : memref<768x128xf32, #tpu.memory_space<vmem>>) offsets(%arg5 : memref<768xi32, #tpu.memory_space<vmem>>) semaphore(%arg7 : memref<!tpu.dma_semaphore, #tpu.memory_space<semaphore_mem>>)
    %dma_wait3A_22 = arith.constant 0 : i32
    %dma_wait3A_23 = arith.constant 0 : i32
    %dma_wait3A_24 = tpu.memref_slice %arg2[%dma_wait3A_22, %dma_wait3A_23] : memref<6144x128xf32, #tpu.memory_space<hbm>> -> memref<6144x128xf32, #tpu.memory_space<hbm>>
    tpu.wait_indirect_dma semaphore(%arg7 : memref<!tpu.dma_semaphore, #tpu.memory_space<semaphore_mem>>) src(%dma_wait3A_24 : memref<6144x128xf32, #tpu.memory_space<hbm>>) dst(%arg6 : memref<768x128xf32, #tpu.memory_space<vmem>>)
    "tpu.region"() ({
      %run_scoped3A = tpu.sem_alloc : memref<!tpu.dma_semaphore, #tpu.memory_space<semaphore_mem>>
      %dma_start3A_33 = arith.constant 0 : i32
      %dma_start3A_34 = tpu.memref_slice %arg4[%add3A_18, %dma_start3A_33] : memref<98304x128xf32, #tpu.memory_space<hbm>> -> memref<768x128xf32, #tpu.memory_space<hbm>>
      %dma_start3A_35 = arith.constant 0 : i32
      %dma_start3A_36 = tpu.memref_slice %arg4[%add3A_18, %dma_start3A_35] : memref<98304x128xf32, #tpu.memory_space<hbm>> -> memref<768x128xf32, #tpu.memory_space<hbm>>
      tpu.enqueue_dma source(%arg6 : memref<768x128xf32, #tpu.memory_space<vmem>>) target(%dma_start3A_36 : memref<768x128xf32, #tpu.memory_space<hbm>>) target_semaphore(%run_scoped3A : memref<!tpu.dma_semaphore, #tpu.memory_space<semaphore_mem>>)
      %dma_wait3A_37 = arith.constant 0 : i32
      %dma_wait3A_38 = tpu.memref_slice %arg4[%add3A_18, %dma_wait3A_37] : memref<98304x128xf32, #tpu.memory_space<hbm>> -> memref<768x128xf32, #tpu.memory_space<hbm>>
      %dma_wait3A_39 = arith.constant 0 : i32
      %dma_wait3A_40 = tpu.memref_slice %arg4[%add3A_18, %dma_wait3A_39] : memref<98304x128xf32, #tpu.memory_space<hbm>> -> memref<768x128xf32, #tpu.memory_space<hbm>>
      tpu.wait_dma2 semaphore(%run_scoped3A : memref<!tpu.dma_semaphore, #tpu.memory_space<semaphore_mem>>) src(%arg6 : memref<768x128xf32, #tpu.memory_space<vmem>>) dst(%dma_wait3A_40 : memref<768x128xf32, #tpu.memory_space<hbm>>)
      tpu.yield
    }) : () -> ()
    %add3A_25 = arith.constant 2304 : i32
    %add3A_26 = arith.addi %mul3A_2, %add3A_25 : i32
    "tpu.region"() ({
      %run_scoped3A = tpu.sem_alloc : memref<!tpu.dma_semaphore, #tpu.memory_space<semaphore_mem>>
      %dma_start3A_33 = tpu.memref_slice %arg3[%add3A_26] : memref<98304xi32, #tpu.memory_space<hbm>> -> memref<768xi32, #tpu.memory_space<hbm>>
      %dma_start3A_34 = tpu.memref_slice %arg3[%add3A_26] : memref<98304xi32, #tpu.memory_space<hbm>> -> memref<768xi32, #tpu.memory_space<hbm>>
      tpu.enqueue_dma source(%dma_start3A_34 : memref<768xi32, #tpu.memory_space<hbm>>) target(%arg5 : memref<768xi32, #tpu.memory_space<vmem>>) target_semaphore(%run_scoped3A : memref<!tpu.dma_semaphore, #tpu.memory_space<semaphore_mem>>)
      %dma_wait3A_35 = tpu.memref_slice %arg3[%add3A_26] : memref<98304xi32, #tpu.memory_space<hbm>> -> memref<768xi32, #tpu.memory_space<hbm>>
      %dma_wait3A_36 = tpu.memref_slice %arg3[%add3A_26] : memref<98304xi32, #tpu.memory_space<hbm>> -> memref<768xi32, #tpu.memory_space<hbm>>
      tpu.wait_dma2 semaphore(%run_scoped3A : memref<!tpu.dma_semaphore, #tpu.memory_space<semaphore_mem>>) src(%dma_wait3A_36 : memref<768xi32, #tpu.memory_space<hbm>>) dst(%arg5 : memref<768xi32, #tpu.memory_space<vmem>>)
      tpu.yield
    }) : () -> ()
    %dma_start3A_27 = arith.constant 0 : i32
    %dma_start3A_28 = arith.constant 0 : i32
    %dma_start3A_29 = tpu.memref_slice %arg2[%dma_start3A_27, %dma_start3A_28] : memref<6144x128xf32, #tpu.memory_space<hbm>> -> memref<6144x128xf32, #tpu.memory_space<hbm>>
    tpu.enqueue_indirect_dma source(%dma_start3A_29 : memref<6144x128xf32, #tpu.memory_space<hbm>>) target(%arg6 : memref<768x128xf32, #tpu.memory_space<vmem>>) offsets(%arg5 : memref<768xi32, #tpu.memory_space<vmem>>) semaphore(%arg7 : memref<!tpu.dma_semaphore, #tpu.memory_space<semaphore_mem>>)
    %dma_wait3A_30 = arith.constant 0 : i32
    %dma_wait3A_31 = arith.constant 0 : i32
    %dma_wait3A_32 = tpu.memref_slice %arg2[%dma_wait3A_30, %dma_wait3A_31] : memref<6144x128xf32, #tpu.memory_space<hbm>> -> memref<6144x128xf32, #tpu.memory_space<hbm>>
    tpu.wait_indirect_dma semaphore(%arg7 : memref<!tpu.dma_semaphore, #tpu.memory_space<semaphore_mem>>) src(%dma_wait3A_32 : memref<6144x128xf32, #tpu.memory_space<hbm>>) dst(%arg6 : memref<768x128xf32, #tpu.memory_space<vmem>>)
    "tpu.region"() ({
      %run_scoped3A = tpu.sem_alloc : memref<!tpu.dma_semaphore, #tpu.memory_space<semaphore_mem>>
      %dma_start3A_33 = arith.constant 0 : i32
      %dma_start3A_34 = tpu.memref_slice %arg4[%add3A_26, %dma_start3A_33] : memref<98304x128xf32, #tpu.memory_space<hbm>> -> memref<768x128xf32, #tpu.memory_space<hbm>>
      %dma_start3A_35 = arith.constant 0 : i32
      %dma_start3A_36 = tpu.memref_slice %arg4[%add3A_26, %dma_start3A_35] : memref<98304x128xf32, #tpu.memory_space<hbm>> -> memref<768x128xf32, #tpu.memory_space<hbm>>
      tpu.enqueue_dma source(%arg6 : memref<768x128xf32, #tpu.memory_space<vmem>>) target(%dma_start3A_36 : memref<768x128xf32, #tpu.memory_space<hbm>>) target_semaphore(%run_scoped3A : memref<!tpu.dma_semaphore, #tpu.memory_space<semaphore_mem>>)
      %dma_wait3A_37 = arith.constant 0 : i32
      %dma_wait3A_38 = tpu.memref_slice %arg4[%add3A_26, %dma_wait3A_37] : memref<98304x128xf32, #tpu.memory_space<hbm>> -> memref<768x128xf32, #tpu.memory_space<hbm>>
      %dma_wait3A_39 = arith.constant 0 : i32
      %dma_wait3A_40 = tpu.memref_slice %arg4[%add3A_26, %dma_wait3A_39] : memref<98304x128xf32, #tpu.memory_space<hbm>> -> memref<768x128xf32, #tpu.memory_space<hbm>>
      tpu.wait_dma2 semaphore(%run_scoped3A : memref<!tpu.dma_semaphore, #tpu.memory_space<semaphore_mem>>) src(%arg6 : memref<768x128xf32, #tpu.memory_space<vmem>>) dst(%dma_wait3A_40 : memref<768x128xf32, #tpu.memory_space<hbm>>)
      tpu.yield
    }) : () -> ()
    return
  }
}

#map = affine_map<(d0, d1) -> (0, 0)>
#map1 = affine_map<(d0, d1) -> (0)>
module attributes {stable_mosaic.version = 14 : i64} {
  func.func @body(%arg0: i32, %arg1: i32, %arg2: memref<24000x128xf32, #tpu.memory_space<hbm>>, %arg3: memref<196608xi32, #tpu.memory_space<hbm>>, %arg4: memref<196608x128xf32, #tpu.memory_space<hbm>>, %arg5: memref<768xi32, #tpu.memory_space<vmem>>, %arg6: memref<768x128xf32, #tpu.memory_space<vmem>>, %arg7: memref<!tpu.dma_semaphore, #tpu.memory_space<semaphore_mem>>) attributes {dimension_semantics = [#tpu.dimension_semantics<core_parallel>, #tpu.dimension_semantics<subcore_parallel>], iteration_bounds = array<i64: 2, 16>, scalar_prefetch = 0 : i64, scratch_operands = 3 : i64, tpu.core_type = #tpu.core_type<sc_vector_subcore>, window_params = [{transform_indices = #map}, {transform_indices = #map1}, {transform_indices = #map}]} {
    %mul3A = arith.constant 2 : i32
    %mul3A_0 = arith.muli %arg1, %mul3A : i32
    %add3A = arith.addi %mul3A_0, %arg0 : i32
    %mul3A_1 = arith.constant 6144 : i32
    %mul3A_2 = arith.muli %add3A, %mul3A_1 : i32
    %add3A_3 = arith.constant 0 : i32
    %add3A_4 = arith.addi %mul3A_2, %add3A_3 : i32
    "tpu.region"() ({
      %run_scoped3A = tpu.sem_alloc : memref<!tpu.dma_semaphore, #tpu.memory_space<semaphore_mem>>
      %dma_start3A_65 = tpu.memref_slice %arg3[%add3A_4] : memref<196608xi32, #tpu.memory_space<hbm>> -> memref<768xi32, #tpu.memory_space<hbm>>
      %dma_start3A_66 = tpu.memref_slice %arg3[%add3A_4] : memref<196608xi32, #tpu.memory_space<hbm>> -> memref<768xi32, #tpu.memory_space<hbm>>
      tpu.enqueue_dma source(%dma_start3A_66 : memref<768xi32, #tpu.memory_space<hbm>>) target(%arg5 : memref<768xi32, #tpu.memory_space<vmem>>) target_semaphore(%run_scoped3A : memref<!tpu.dma_semaphore, #tpu.memory_space<semaphore_mem>>)
      %dma_wait3A_67 = tpu.memref_slice %arg3[%add3A_4] : memref<196608xi32, #tpu.memory_space<hbm>> -> memref<768xi32, #tpu.memory_space<hbm>>
      %dma_wait3A_68 = tpu.memref_slice %arg3[%add3A_4] : memref<196608xi32, #tpu.memory_space<hbm>> -> memref<768xi32, #tpu.memory_space<hbm>>
      tpu.wait_dma2 semaphore(%run_scoped3A : memref<!tpu.dma_semaphore, #tpu.memory_space<semaphore_mem>>) src(%dma_wait3A_68 : memref<768xi32, #tpu.memory_space<hbm>>) dst(%arg5 : memref<768xi32, #tpu.memory_space<vmem>>)
      tpu.yield
    }) : () -> ()
    %dma_start3A = arith.constant 0 : i32
    %dma_start3A_5 = arith.constant 0 : i32
    %dma_start3A_6 = tpu.memref_slice %arg2[%dma_start3A, %dma_start3A_5] : memref<24000x128xf32, #tpu.memory_space<hbm>> -> memref<24000x128xf32, #tpu.memory_space<hbm>>
    tpu.enqueue_indirect_dma source(%dma_start3A_6 : memref<24000x128xf32, #tpu.memory_space<hbm>>) target(%arg6 : memref<768x128xf32, #tpu.memory_space<vmem>>) offsets(%arg5 : memref<768xi32, #tpu.memory_space<vmem>>) semaphore(%arg7 : memref<!tpu.dma_semaphore, #tpu.memory_space<semaphore_mem>>)
    %dma_wait3A = arith.constant 0 : i32
    %dma_wait3A_7 = arith.constant 0 : i32
    %dma_wait3A_8 = tpu.memref_slice %arg2[%dma_wait3A, %dma_wait3A_7] : memref<24000x128xf32, #tpu.memory_space<hbm>> -> memref<24000x128xf32, #tpu.memory_space<hbm>>
    tpu.wait_indirect_dma semaphore(%arg7 : memref<!tpu.dma_semaphore, #tpu.memory_space<semaphore_mem>>) src(%dma_wait3A_8 : memref<24000x128xf32, #tpu.memory_space<hbm>>) dst(%arg6 : memref<768x128xf32, #tpu.memory_space<vmem>>)
    "tpu.region"() ({
      %run_scoped3A = tpu.sem_alloc : memref<!tpu.dma_semaphore, #tpu.memory_space<semaphore_mem>>
      %dma_start3A_65 = arith.constant 0 : i32
      %dma_start3A_66 = tpu.memref_slice %arg4[%add3A_4, %dma_start3A_65] : memref<196608x128xf32, #tpu.memory_space<hbm>> -> memref<768x128xf32, #tpu.memory_space<hbm>>
      %dma_start3A_67 = arith.constant 0 : i32
      %dma_start3A_68 = tpu.memref_slice %arg4[%add3A_4, %dma_start3A_67] : memref<196608x128xf32, #tpu.memory_space<hbm>> -> memref<768x128xf32, #tpu.memory_space<hbm>>
      tpu.enqueue_dma source(%arg6 : memref<768x128xf32, #tpu.memory_space<vmem>>) target(%dma_start3A_68 : memref<768x128xf32, #tpu.memory_space<hbm>>) target_semaphore(%run_scoped3A : memref<!tpu.dma_semaphore, #tpu.memory_space<semaphore_mem>>)
      %dma_wait3A_69 = arith.constant 0 : i32
      %dma_wait3A_70 = tpu.memref_slice %arg4[%add3A_4, %dma_wait3A_69] : memref<196608x128xf32, #tpu.memory_space<hbm>> -> memref<768x128xf32, #tpu.memory_space<hbm>>
      %dma_wait3A_71 = arith.constant 0 : i32
      %dma_wait3A_72 = tpu.memref_slice %arg4[%add3A_4, %dma_wait3A_71] : memref<196608x128xf32, #tpu.memory_space<hbm>> -> memref<768x128xf32, #tpu.memory_space<hbm>>
      tpu.wait_dma2 semaphore(%run_scoped3A : memref<!tpu.dma_semaphore, #tpu.memory_space<semaphore_mem>>) src(%arg6 : memref<768x128xf32, #tpu.memory_space<vmem>>) dst(%dma_wait3A_72 : memref<768x128xf32, #tpu.memory_space<hbm>>)
      tpu.yield
    }) : () -> ()
    %add3A_9 = arith.constant 768 : i32
    %add3A_10 = arith.addi %mul3A_2, %add3A_9 : i32
    "tpu.region"() ({
      %run_scoped3A = tpu.sem_alloc : memref<!tpu.dma_semaphore, #tpu.memory_space<semaphore_mem>>
      %dma_start3A_65 = tpu.memref_slice %arg3[%add3A_10] : memref<196608xi32, #tpu.memory_space<hbm>> -> memref<768xi32, #tpu.memory_space<hbm>>
      %dma_start3A_66 = tpu.memref_slice %arg3[%add3A_10] : memref<196608xi32, #tpu.memory_space<hbm>> -> memref<768xi32, #tpu.memory_space<hbm>>
      tpu.enqueue_dma source(%dma_start3A_66 : memref<768xi32, #tpu.memory_space<hbm>>) target(%arg5 : memref<768xi32, #tpu.memory_space<vmem>>) target_semaphore(%run_scoped3A : memref<!tpu.dma_semaphore, #tpu.memory_space<semaphore_mem>>)
      %dma_wait3A_67 = tpu.memref_slice %arg3[%add3A_10] : memref<196608xi32, #tpu.memory_space<hbm>> -> memref<768xi32, #tpu.memory_space<hbm>>
      %dma_wait3A_68 = tpu.memref_slice %arg3[%add3A_10] : memref<196608xi32, #tpu.memory_space<hbm>> -> memref<768xi32, #tpu.memory_space<hbm>>
      tpu.wait_dma2 semaphore(%run_scoped3A : memref<!tpu.dma_semaphore, #tpu.memory_space<semaphore_mem>>) src(%dma_wait3A_68 : memref<768xi32, #tpu.memory_space<hbm>>) dst(%arg5 : memref<768xi32, #tpu.memory_space<vmem>>)
      tpu.yield
    }) : () -> ()
    %dma_start3A_11 = arith.constant 0 : i32
    %dma_start3A_12 = arith.constant 0 : i32
    %dma_start3A_13 = tpu.memref_slice %arg2[%dma_start3A_11, %dma_start3A_12] : memref<24000x128xf32, #tpu.memory_space<hbm>> -> memref<24000x128xf32, #tpu.memory_space<hbm>>
    tpu.enqueue_indirect_dma source(%dma_start3A_13 : memref<24000x128xf32, #tpu.memory_space<hbm>>) target(%arg6 : memref<768x128xf32, #tpu.memory_space<vmem>>) offsets(%arg5 : memref<768xi32, #tpu.memory_space<vmem>>) semaphore(%arg7 : memref<!tpu.dma_semaphore, #tpu.memory_space<semaphore_mem>>)
    %dma_wait3A_14 = arith.constant 0 : i32
    %dma_wait3A_15 = arith.constant 0 : i32
    %dma_wait3A_16 = tpu.memref_slice %arg2[%dma_wait3A_14, %dma_wait3A_15] : memref<24000x128xf32, #tpu.memory_space<hbm>> -> memref<24000x128xf32, #tpu.memory_space<hbm>>
    tpu.wait_indirect_dma semaphore(%arg7 : memref<!tpu.dma_semaphore, #tpu.memory_space<semaphore_mem>>) src(%dma_wait3A_16 : memref<24000x128xf32, #tpu.memory_space<hbm>>) dst(%arg6 : memref<768x128xf32, #tpu.memory_space<vmem>>)
    "tpu.region"() ({
      %run_scoped3A = tpu.sem_alloc : memref<!tpu.dma_semaphore, #tpu.memory_space<semaphore_mem>>
      %dma_start3A_65 = arith.constant 0 : i32
      %dma_start3A_66 = tpu.memref_slice %arg4[%add3A_10, %dma_start3A_65] : memref<196608x128xf32, #tpu.memory_space<hbm>> -> memref<768x128xf32, #tpu.memory_space<hbm>>
      %dma_start3A_67 = arith.constant 0 : i32
      %dma_start3A_68 = tpu.memref_slice %arg4[%add3A_10, %dma_start3A_67] : memref<196608x128xf32, #tpu.memory_space<hbm>> -> memref<768x128xf32, #tpu.memory_space<hbm>>
      tpu.enqueue_dma source(%arg6 : memref<768x128xf32, #tpu.memory_space<vmem>>) target(%dma_start3A_68 : memref<768x128xf32, #tpu.memory_space<hbm>>) target_semaphore(%run_scoped3A : memref<!tpu.dma_semaphore, #tpu.memory_space<semaphore_mem>>)
      %dma_wait3A_69 = arith.constant 0 : i32
      %dma_wait3A_70 = tpu.memref_slice %arg4[%add3A_10, %dma_wait3A_69] : memref<196608x128xf32, #tpu.memory_space<hbm>> -> memref<768x128xf32, #tpu.memory_space<hbm>>
      %dma_wait3A_71 = arith.constant 0 : i32
      %dma_wait3A_72 = tpu.memref_slice %arg4[%add3A_10, %dma_wait3A_71] : memref<196608x128xf32, #tpu.memory_space<hbm>> -> memref<768x128xf32, #tpu.memory_space<hbm>>
      tpu.wait_dma2 semaphore(%run_scoped3A : memref<!tpu.dma_semaphore, #tpu.memory_space<semaphore_mem>>) src(%arg6 : memref<768x128xf32, #tpu.memory_space<vmem>>) dst(%dma_wait3A_72 : memref<768x128xf32, #tpu.memory_space<hbm>>)
      tpu.yield
    }) : () -> ()
    %add3A_17 = arith.constant 1536 : i32
    %add3A_18 = arith.addi %mul3A_2, %add3A_17 : i32
    "tpu.region"() ({
      %run_scoped3A = tpu.sem_alloc : memref<!tpu.dma_semaphore, #tpu.memory_space<semaphore_mem>>
      %dma_start3A_65 = tpu.memref_slice %arg3[%add3A_18] : memref<196608xi32, #tpu.memory_space<hbm>> -> memref<768xi32, #tpu.memory_space<hbm>>
      %dma_start3A_66 = tpu.memref_slice %arg3[%add3A_18] : memref<196608xi32, #tpu.memory_space<hbm>> -> memref<768xi32, #tpu.memory_space<hbm>>
      tpu.enqueue_dma source(%dma_start3A_66 : memref<768xi32, #tpu.memory_space<hbm>>) target(%arg5 : memref<768xi32, #tpu.memory_space<vmem>>) target_semaphore(%run_scoped3A : memref<!tpu.dma_semaphore, #tpu.memory_space<semaphore_mem>>)
      %dma_wait3A_67 = tpu.memref_slice %arg3[%add3A_18] : memref<196608xi32, #tpu.memory_space<hbm>> -> memref<768xi32, #tpu.memory_space<hbm>>
      %dma_wait3A_68 = tpu.memref_slice %arg3[%add3A_18] : memref<196608xi32, #tpu.memory_space<hbm>> -> memref<768xi32, #tpu.memory_space<hbm>>
      tpu.wait_dma2 semaphore(%run_scoped3A : memref<!tpu.dma_semaphore, #tpu.memory_space<semaphore_mem>>) src(%dma_wait3A_68 : memref<768xi32, #tpu.memory_space<hbm>>) dst(%arg5 : memref<768xi32, #tpu.memory_space<vmem>>)
      tpu.yield
    }) : () -> ()
    %dma_start3A_19 = arith.constant 0 : i32
    %dma_start3A_20 = arith.constant 0 : i32
    %dma_start3A_21 = tpu.memref_slice %arg2[%dma_start3A_19, %dma_start3A_20] : memref<24000x128xf32, #tpu.memory_space<hbm>> -> memref<24000x128xf32, #tpu.memory_space<hbm>>
    tpu.enqueue_indirect_dma source(%dma_start3A_21 : memref<24000x128xf32, #tpu.memory_space<hbm>>) target(%arg6 : memref<768x128xf32, #tpu.memory_space<vmem>>) offsets(%arg5 : memref<768xi32, #tpu.memory_space<vmem>>) semaphore(%arg7 : memref<!tpu.dma_semaphore, #tpu.memory_space<semaphore_mem>>)
    %dma_wait3A_22 = arith.constant 0 : i32
    %dma_wait3A_23 = arith.constant 0 : i32
    %dma_wait3A_24 = tpu.memref_slice %arg2[%dma_wait3A_22, %dma_wait3A_23] : memref<24000x128xf32, #tpu.memory_space<hbm>> -> memref<24000x128xf32, #tpu.memory_space<hbm>>
    tpu.wait_indirect_dma semaphore(%arg7 : memref<!tpu.dma_semaphore, #tpu.memory_space<semaphore_mem>>) src(%dma_wait3A_24 : memref<24000x128xf32, #tpu.memory_space<hbm>>) dst(%arg6 : memref<768x128xf32, #tpu.memory_space<vmem>>)
    "tpu.region"() ({
      %run_scoped3A = tpu.sem_alloc : memref<!tpu.dma_semaphore, #tpu.memory_space<semaphore_mem>>
      %dma_start3A_65 = arith.constant 0 : i32
      %dma_start3A_66 = tpu.memref_slice %arg4[%add3A_18, %dma_start3A_65] : memref<196608x128xf32, #tpu.memory_space<hbm>> -> memref<768x128xf32, #tpu.memory_space<hbm>>
      %dma_start3A_67 = arith.constant 0 : i32
      %dma_start3A_68 = tpu.memref_slice %arg4[%add3A_18, %dma_start3A_67] : memref<196608x128xf32, #tpu.memory_space<hbm>> -> memref<768x128xf32, #tpu.memory_space<hbm>>
      tpu.enqueue_dma source(%arg6 : memref<768x128xf32, #tpu.memory_space<vmem>>) target(%dma_start3A_68 : memref<768x128xf32, #tpu.memory_space<hbm>>) target_semaphore(%run_scoped3A : memref<!tpu.dma_semaphore, #tpu.memory_space<semaphore_mem>>)
      %dma_wait3A_69 = arith.constant 0 : i32
      %dma_wait3A_70 = tpu.memref_slice %arg4[%add3A_18, %dma_wait3A_69] : memref<196608x128xf32, #tpu.memory_space<hbm>> -> memref<768x128xf32, #tpu.memory_space<hbm>>
      %dma_wait3A_71 = arith.constant 0 : i32
      %dma_wait3A_72 = tpu.memref_slice %arg4[%add3A_18, %dma_wait3A_71] : memref<196608x128xf32, #tpu.memory_space<hbm>> -> memref<768x128xf32, #tpu.memory_space<hbm>>
      tpu.wait_dma2 semaphore(%run_scoped3A : memref<!tpu.dma_semaphore, #tpu.memory_space<semaphore_mem>>) src(%arg6 : memref<768x128xf32, #tpu.memory_space<vmem>>) dst(%dma_wait3A_72 : memref<768x128xf32, #tpu.memory_space<hbm>>)
      tpu.yield
    }) : () -> ()
    %add3A_25 = arith.constant 2304 : i32
    %add3A_26 = arith.addi %mul3A_2, %add3A_25 : i32
    "tpu.region"() ({
      %run_scoped3A = tpu.sem_alloc : memref<!tpu.dma_semaphore, #tpu.memory_space<semaphore_mem>>
      %dma_start3A_65 = tpu.memref_slice %arg3[%add3A_26] : memref<196608xi32, #tpu.memory_space<hbm>> -> memref<768xi32, #tpu.memory_space<hbm>>
      %dma_start3A_66 = tpu.memref_slice %arg3[%add3A_26] : memref<196608xi32, #tpu.memory_space<hbm>> -> memref<768xi32, #tpu.memory_space<hbm>>
      tpu.enqueue_dma source(%dma_start3A_66 : memref<768xi32, #tpu.memory_space<hbm>>) target(%arg5 : memref<768xi32, #tpu.memory_space<vmem>>) target_semaphore(%run_scoped3A : memref<!tpu.dma_semaphore, #tpu.memory_space<semaphore_mem>>)
      %dma_wait3A_67 = tpu.memref_slice %arg3[%add3A_26] : memref<196608xi32, #tpu.memory_space<hbm>> -> memref<768xi32, #tpu.memory_space<hbm>>
      %dma_wait3A_68 = tpu.memref_slice %arg3[%add3A_26] : memref<196608xi32, #tpu.memory_space<hbm>> -> memref<768xi32, #tpu.memory_space<hbm>>
      tpu.wait_dma2 semaphore(%run_scoped3A : memref<!tpu.dma_semaphore, #tpu.memory_space<semaphore_mem>>) src(%dma_wait3A_68 : memref<768xi32, #tpu.memory_space<hbm>>) dst(%arg5 : memref<768xi32, #tpu.memory_space<vmem>>)
      tpu.yield
    }) : () -> ()
    %dma_start3A_27 = arith.constant 0 : i32
    %dma_start3A_28 = arith.constant 0 : i32
    %dma_start3A_29 = tpu.memref_slice %arg2[%dma_start3A_27, %dma_start3A_28] : memref<24000x128xf32, #tpu.memory_space<hbm>> -> memref<24000x128xf32, #tpu.memory_space<hbm>>
    tpu.enqueue_indirect_dma source(%dma_start3A_29 : memref<24000x128xf32, #tpu.memory_space<hbm>>) target(%arg6 : memref<768x128xf32, #tpu.memory_space<vmem>>) offsets(%arg5 : memref<768xi32, #tpu.memory_space<vmem>>) semaphore(%arg7 : memref<!tpu.dma_semaphore, #tpu.memory_space<semaphore_mem>>)
    %dma_wait3A_30 = arith.constant 0 : i32
    %dma_wait3A_31 = arith.constant 0 : i32
    %dma_wait3A_32 = tpu.memref_slice %arg2[%dma_wait3A_30, %dma_wait3A_31] : memref<24000x128xf32, #tpu.memory_space<hbm>> -> memref<24000x128xf32, #tpu.memory_space<hbm>>
    tpu.wait_indirect_dma semaphore(%arg7 : memref<!tpu.dma_semaphore, #tpu.memory_space<semaphore_mem>>) src(%dma_wait3A_32 : memref<24000x128xf32, #tpu.memory_space<hbm>>) dst(%arg6 : memref<768x128xf32, #tpu.memory_space<vmem>>)
    "tpu.region"() ({
      %run_scoped3A = tpu.sem_alloc : memref<!tpu.dma_semaphore, #tpu.memory_space<semaphore_mem>>
      %dma_start3A_65 = arith.constant 0 : i32
      %dma_start3A_66 = tpu.memref_slice %arg4[%add3A_26, %dma_start3A_65] : memref<196608x128xf32, #tpu.memory_space<hbm>> -> memref<768x128xf32, #tpu.memory_space<hbm>>
      %dma_start3A_67 = arith.constant 0 : i32
      %dma_start3A_68 = tpu.memref_slice %arg4[%add3A_26, %dma_start3A_67] : memref<196608x128xf32, #tpu.memory_space<hbm>> -> memref<768x128xf32, #tpu.memory_space<hbm>>
      tpu.enqueue_dma source(%arg6 : memref<768x128xf32, #tpu.memory_space<vmem>>) target(%dma_start3A_68 : memref<768x128xf32, #tpu.memory_space<hbm>>) target_semaphore(%run_scoped3A : memref<!tpu.dma_semaphore, #tpu.memory_space<semaphore_mem>>)
      %dma_wait3A_69 = arith.constant 0 : i32
      %dma_wait3A_70 = tpu.memref_slice %arg4[%add3A_26, %dma_wait3A_69] : memref<196608x128xf32, #tpu.memory_space<hbm>> -> memref<768x128xf32, #tpu.memory_space<hbm>>
      %dma_wait3A_71 = arith.constant 0 : i32
      %dma_wait3A_72 = tpu.memref_slice %arg4[%add3A_26, %dma_wait3A_71] : memref<196608x128xf32, #tpu.memory_space<hbm>> -> memref<768x128xf32, #tpu.memory_space<hbm>>
      tpu.wait_dma2 semaphore(%run_scoped3A : memref<!tpu.dma_semaphore, #tpu.memory_space<semaphore_mem>>) src(%arg6 : memref<768x128xf32, #tpu.memory_space<vmem>>) dst(%dma_wait3A_72 : memref<768x128xf32, #tpu.memory_space<hbm>>)
      tpu.yield
    }) : () -> ()
    %add3A_33 = arith.constant 3072 : i32
    %add3A_34 = arith.addi %mul3A_2, %add3A_33 : i32
    "tpu.region"() ({
      %run_scoped3A = tpu.sem_alloc : memref<!tpu.dma_semaphore, #tpu.memory_space<semaphore_mem>>
      %dma_start3A_65 = tpu.memref_slice %arg3[%add3A_34] : memref<196608xi32, #tpu.memory_space<hbm>> -> memref<768xi32, #tpu.memory_space<hbm>>
      %dma_start3A_66 = tpu.memref_slice %arg3[%add3A_34] : memref<196608xi32, #tpu.memory_space<hbm>> -> memref<768xi32, #tpu.memory_space<hbm>>
      tpu.enqueue_dma source(%dma_start3A_66 : memref<768xi32, #tpu.memory_space<hbm>>) target(%arg5 : memref<768xi32, #tpu.memory_space<vmem>>) target_semaphore(%run_scoped3A : memref<!tpu.dma_semaphore, #tpu.memory_space<semaphore_mem>>)
      %dma_wait3A_67 = tpu.memref_slice %arg3[%add3A_34] : memref<196608xi32, #tpu.memory_space<hbm>> -> memref<768xi32, #tpu.memory_space<hbm>>
      %dma_wait3A_68 = tpu.memref_slice %arg3[%add3A_34] : memref<196608xi32, #tpu.memory_space<hbm>> -> memref<768xi32, #tpu.memory_space<hbm>>
      tpu.wait_dma2 semaphore(%run_scoped3A : memref<!tpu.dma_semaphore, #tpu.memory_space<semaphore_mem>>) src(%dma_wait3A_68 : memref<768xi32, #tpu.memory_space<hbm>>) dst(%arg5 : memref<768xi32, #tpu.memory_space<vmem>>)
      tpu.yield
    }) : () -> ()
    %dma_start3A_35 = arith.constant 0 : i32
    %dma_start3A_36 = arith.constant 0 : i32
    %dma_start3A_37 = tpu.memref_slice %arg2[%dma_start3A_35, %dma_start3A_36] : memref<24000x128xf32, #tpu.memory_space<hbm>> -> memref<24000x128xf32, #tpu.memory_space<hbm>>
    tpu.enqueue_indirect_dma source(%dma_start3A_37 : memref<24000x128xf32, #tpu.memory_space<hbm>>) target(%arg6 : memref<768x128xf32, #tpu.memory_space<vmem>>) offsets(%arg5 : memref<768xi32, #tpu.memory_space<vmem>>) semaphore(%arg7 : memref<!tpu.dma_semaphore, #tpu.memory_space<semaphore_mem>>)
    %dma_wait3A_38 = arith.constant 0 : i32
    %dma_wait3A_39 = arith.constant 0 : i32
    %dma_wait3A_40 = tpu.memref_slice %arg2[%dma_wait3A_38, %dma_wait3A_39] : memref<24000x128xf32, #tpu.memory_space<hbm>> -> memref<24000x128xf32, #tpu.memory_space<hbm>>
    tpu.wait_indirect_dma semaphore(%arg7 : memref<!tpu.dma_semaphore, #tpu.memory_space<semaphore_mem>>) src(%dma_wait3A_40 : memref<24000x128xf32, #tpu.memory_space<hbm>>) dst(%arg6 : memref<768x128xf32, #tpu.memory_space<vmem>>)
    "tpu.region"() ({
      %run_scoped3A = tpu.sem_alloc : memref<!tpu.dma_semaphore, #tpu.memory_space<semaphore_mem>>
      %dma_start3A_65 = arith.constant 0 : i32
      %dma_start3A_66 = tpu.memref_slice %arg4[%add3A_34, %dma_start3A_65] : memref<196608x128xf32, #tpu.memory_space<hbm>> -> memref<768x128xf32, #tpu.memory_space<hbm>>
      %dma_start3A_67 = arith.constant 0 : i32
      %dma_start3A_68 = tpu.memref_slice %arg4[%add3A_34, %dma_start3A_67] : memref<196608x128xf32, #tpu.memory_space<hbm>> -> memref<768x128xf32, #tpu.memory_space<hbm>>
      tpu.enqueue_dma source(%arg6 : memref<768x128xf32, #tpu.memory_space<vmem>>) target(%dma_start3A_68 : memref<768x128xf32, #tpu.memory_space<hbm>>) target_semaphore(%run_scoped3A : memref<!tpu.dma_semaphore, #tpu.memory_space<semaphore_mem>>)
      %dma_wait3A_69 = arith.constant 0 : i32
      %dma_wait3A_70 = tpu.memref_slice %arg4[%add3A_34, %dma_wait3A_69] : memref<196608x128xf32, #tpu.memory_space<hbm>> -> memref<768x128xf32, #tpu.memory_space<hbm>>
      %dma_wait3A_71 = arith.constant 0 : i32
      %dma_wait3A_72 = tpu.memref_slice %arg4[%add3A_34, %dma_wait3A_71] : memref<196608x128xf32, #tpu.memory_space<hbm>> -> memref<768x128xf32, #tpu.memory_space<hbm>>
      tpu.wait_dma2 semaphore(%run_scoped3A : memref<!tpu.dma_semaphore, #tpu.memory_space<semaphore_mem>>) src(%arg6 : memref<768x128xf32, #tpu.memory_space<vmem>>) dst(%dma_wait3A_72 : memref<768x128xf32, #tpu.memory_space<hbm>>)
      tpu.yield
    }) : () -> ()
    %add3A_41 = arith.constant 3840 : i32
    %add3A_42 = arith.addi %mul3A_2, %add3A_41 : i32
    "tpu.region"() ({
      %run_scoped3A = tpu.sem_alloc : memref<!tpu.dma_semaphore, #tpu.memory_space<semaphore_mem>>
      %dma_start3A_65 = tpu.memref_slice %arg3[%add3A_42] : memref<196608xi32, #tpu.memory_space<hbm>> -> memref<768xi32, #tpu.memory_space<hbm>>
      %dma_start3A_66 = tpu.memref_slice %arg3[%add3A_42] : memref<196608xi32, #tpu.memory_space<hbm>> -> memref<768xi32, #tpu.memory_space<hbm>>
      tpu.enqueue_dma source(%dma_start3A_66 : memref<768xi32, #tpu.memory_space<hbm>>) target(%arg5 : memref<768xi32, #tpu.memory_space<vmem>>) target_semaphore(%run_scoped3A : memref<!tpu.dma_semaphore, #tpu.memory_space<semaphore_mem>>)
      %dma_wait3A_67 = tpu.memref_slice %arg3[%add3A_42] : memref<196608xi32, #tpu.memory_space<hbm>> -> memref<768xi32, #tpu.memory_space<hbm>>
      %dma_wait3A_68 = tpu.memref_slice %arg3[%add3A_42] : memref<196608xi32, #tpu.memory_space<hbm>> -> memref<768xi32, #tpu.memory_space<hbm>>
      tpu.wait_dma2 semaphore(%run_scoped3A : memref<!tpu.dma_semaphore, #tpu.memory_space<semaphore_mem>>) src(%dma_wait3A_68 : memref<768xi32, #tpu.memory_space<hbm>>) dst(%arg5 : memref<768xi32, #tpu.memory_space<vmem>>)
      tpu.yield
    }) : () -> ()
    %dma_start3A_43 = arith.constant 0 : i32
    %dma_start3A_44 = arith.constant 0 : i32
    %dma_start3A_45 = tpu.memref_slice %arg2[%dma_start3A_43, %dma_start3A_44] : memref<24000x128xf32, #tpu.memory_space<hbm>> -> memref<24000x128xf32, #tpu.memory_space<hbm>>
    tpu.enqueue_indirect_dma source(%dma_start3A_45 : memref<24000x128xf32, #tpu.memory_space<hbm>>) target(%arg6 : memref<768x128xf32, #tpu.memory_space<vmem>>) offsets(%arg5 : memref<768xi32, #tpu.memory_space<vmem>>) semaphore(%arg7 : memref<!tpu.dma_semaphore, #tpu.memory_space<semaphore_mem>>)
    %dma_wait3A_46 = arith.constant 0 : i32
    %dma_wait3A_47 = arith.constant 0 : i32
    %dma_wait3A_48 = tpu.memref_slice %arg2[%dma_wait3A_46, %dma_wait3A_47] : memref<24000x128xf32, #tpu.memory_space<hbm>> -> memref<24000x128xf32, #tpu.memory_space<hbm>>
    tpu.wait_indirect_dma semaphore(%arg7 : memref<!tpu.dma_semaphore, #tpu.memory_space<semaphore_mem>>) src(%dma_wait3A_48 : memref<24000x128xf32, #tpu.memory_space<hbm>>) dst(%arg6 : memref<768x128xf32, #tpu.memory_space<vmem>>)
    "tpu.region"() ({
      %run_scoped3A = tpu.sem_alloc : memref<!tpu.dma_semaphore, #tpu.memory_space<semaphore_mem>>
      %dma_start3A_65 = arith.constant 0 : i32
      %dma_start3A_66 = tpu.memref_slice %arg4[%add3A_42, %dma_start3A_65] : memref<196608x128xf32, #tpu.memory_space<hbm>> -> memref<768x128xf32, #tpu.memory_space<hbm>>
      %dma_start3A_67 = arith.constant 0 : i32
      %dma_start3A_68 = tpu.memref_slice %arg4[%add3A_42, %dma_start3A_67] : memref<196608x128xf32, #tpu.memory_space<hbm>> -> memref<768x128xf32, #tpu.memory_space<hbm>>
      tpu.enqueue_dma source(%arg6 : memref<768x128xf32, #tpu.memory_space<vmem>>) target(%dma_start3A_68 : memref<768x128xf32, #tpu.memory_space<hbm>>) target_semaphore(%run_scoped3A : memref<!tpu.dma_semaphore, #tpu.memory_space<semaphore_mem>>)
      %dma_wait3A_69 = arith.constant 0 : i32
      %dma_wait3A_70 = tpu.memref_slice %arg4[%add3A_42, %dma_wait3A_69] : memref<196608x128xf32, #tpu.memory_space<hbm>> -> memref<768x128xf32, #tpu.memory_space<hbm>>
      %dma_wait3A_71 = arith.constant 0 : i32
      %dma_wait3A_72 = tpu.memref_slice %arg4[%add3A_42, %dma_wait3A_71] : memref<196608x128xf32, #tpu.memory_space<hbm>> -> memref<768x128xf32, #tpu.memory_space<hbm>>
      tpu.wait_dma2 semaphore(%run_scoped3A : memref<!tpu.dma_semaphore, #tpu.memory_space<semaphore_mem>>) src(%arg6 : memref<768x128xf32, #tpu.memory_space<vmem>>) dst(%dma_wait3A_72 : memref<768x128xf32, #tpu.memory_space<hbm>>)
      tpu.yield
    }) : () -> ()
    %add3A_49 = arith.constant 4608 : i32
    %add3A_50 = arith.addi %mul3A_2, %add3A_49 : i32
    "tpu.region"() ({
      %run_scoped3A = tpu.sem_alloc : memref<!tpu.dma_semaphore, #tpu.memory_space<semaphore_mem>>
      %dma_start3A_65 = tpu.memref_slice %arg3[%add3A_50] : memref<196608xi32, #tpu.memory_space<hbm>> -> memref<768xi32, #tpu.memory_space<hbm>>
      %dma_start3A_66 = tpu.memref_slice %arg3[%add3A_50] : memref<196608xi32, #tpu.memory_space<hbm>> -> memref<768xi32, #tpu.memory_space<hbm>>
      tpu.enqueue_dma source(%dma_start3A_66 : memref<768xi32, #tpu.memory_space<hbm>>) target(%arg5 : memref<768xi32, #tpu.memory_space<vmem>>) target_semaphore(%run_scoped3A : memref<!tpu.dma_semaphore, #tpu.memory_space<semaphore_mem>>)
      %dma_wait3A_67 = tpu.memref_slice %arg3[%add3A_50] : memref<196608xi32, #tpu.memory_space<hbm>> -> memref<768xi32, #tpu.memory_space<hbm>>
      %dma_wait3A_68 = tpu.memref_slice %arg3[%add3A_50] : memref<196608xi32, #tpu.memory_space<hbm>> -> memref<768xi32, #tpu.memory_space<hbm>>
      tpu.wait_dma2 semaphore(%run_scoped3A : memref<!tpu.dma_semaphore, #tpu.memory_space<semaphore_mem>>) src(%dma_wait3A_68 : memref<768xi32, #tpu.memory_space<hbm>>) dst(%arg5 : memref<768xi32, #tpu.memory_space<vmem>>)
      tpu.yield
    }) : () -> ()
    %dma_start3A_51 = arith.constant 0 : i32
    %dma_start3A_52 = arith.constant 0 : i32
    %dma_start3A_53 = tpu.memref_slice %arg2[%dma_start3A_51, %dma_start3A_52] : memref<24000x128xf32, #tpu.memory_space<hbm>> -> memref<24000x128xf32, #tpu.memory_space<hbm>>
    tpu.enqueue_indirect_dma source(%dma_start3A_53 : memref<24000x128xf32, #tpu.memory_space<hbm>>) target(%arg6 : memref<768x128xf32, #tpu.memory_space<vmem>>) offsets(%arg5 : memref<768xi32, #tpu.memory_space<vmem>>) semaphore(%arg7 : memref<!tpu.dma_semaphore, #tpu.memory_space<semaphore_mem>>)
    %dma_wait3A_54 = arith.constant 0 : i32
    %dma_wait3A_55 = arith.constant 0 : i32
    %dma_wait3A_56 = tpu.memref_slice %arg2[%dma_wait3A_54, %dma_wait3A_55] : memref<24000x128xf32, #tpu.memory_space<hbm>> -> memref<24000x128xf32, #tpu.memory_space<hbm>>
    tpu.wait_indirect_dma semaphore(%arg7 : memref<!tpu.dma_semaphore, #tpu.memory_space<semaphore_mem>>) src(%dma_wait3A_56 : memref<24000x128xf32, #tpu.memory_space<hbm>>) dst(%arg6 : memref<768x128xf32, #tpu.memory_space<vmem>>)
    "tpu.region"() ({
      %run_scoped3A = tpu.sem_alloc : memref<!tpu.dma_semaphore, #tpu.memory_space<semaphore_mem>>
      %dma_start3A_65 = arith.constant 0 : i32
      %dma_start3A_66 = tpu.memref_slice %arg4[%add3A_50, %dma_start3A_65] : memref<196608x128xf32, #tpu.memory_space<hbm>> -> memref<768x128xf32, #tpu.memory_space<hbm>>
      %dma_start3A_67 = arith.constant 0 : i32
      %dma_start3A_68 = tpu.memref_slice %arg4[%add3A_50, %dma_start3A_67] : memref<196608x128xf32, #tpu.memory_space<hbm>> -> memref<768x128xf32, #tpu.memory_space<hbm>>
      tpu.enqueue_dma source(%arg6 : memref<768x128xf32, #tpu.memory_space<vmem>>) target(%dma_start3A_68 : memref<768x128xf32, #tpu.memory_space<hbm>>) target_semaphore(%run_scoped3A : memref<!tpu.dma_semaphore, #tpu.memory_space<semaphore_mem>>)
      %dma_wait3A_69 = arith.constant 0 : i32
      %dma_wait3A_70 = tpu.memref_slice %arg4[%add3A_50, %dma_wait3A_69] : memref<196608x128xf32, #tpu.memory_space<hbm>> -> memref<768x128xf32, #tpu.memory_space<hbm>>
      %dma_wait3A_71 = arith.constant 0 : i32
      %dma_wait3A_72 = tpu.memref_slice %arg4[%add3A_50, %dma_wait3A_71] : memref<196608x128xf32, #tpu.memory_space<hbm>> -> memref<768x128xf32, #tpu.memory_space<hbm>>
      tpu.wait_dma2 semaphore(%run_scoped3A : memref<!tpu.dma_semaphore, #tpu.memory_space<semaphore_mem>>) src(%arg6 : memref<768x128xf32, #tpu.memory_space<vmem>>) dst(%dma_wait3A_72 : memref<768x128xf32, #tpu.memory_space<hbm>>)
      tpu.yield
    }) : () -> ()
    %add3A_57 = arith.constant 5376 : i32
    %add3A_58 = arith.addi %mul3A_2, %add3A_57 : i32
    "tpu.region"() ({
      %run_scoped3A = tpu.sem_alloc : memref<!tpu.dma_semaphore, #tpu.memory_space<semaphore_mem>>
      %dma_start3A_65 = tpu.memref_slice %arg3[%add3A_58] : memref<196608xi32, #tpu.memory_space<hbm>> -> memref<768xi32, #tpu.memory_space<hbm>>
      %dma_start3A_66 = tpu.memref_slice %arg3[%add3A_58] : memref<196608xi32, #tpu.memory_space<hbm>> -> memref<768xi32, #tpu.memory_space<hbm>>
      tpu.enqueue_dma source(%dma_start3A_66 : memref<768xi32, #tpu.memory_space<hbm>>) target(%arg5 : memref<768xi32, #tpu.memory_space<vmem>>) target_semaphore(%run_scoped3A : memref<!tpu.dma_semaphore, #tpu.memory_space<semaphore_mem>>)
      %dma_wait3A_67 = tpu.memref_slice %arg3[%add3A_58] : memref<196608xi32, #tpu.memory_space<hbm>> -> memref<768xi32, #tpu.memory_space<hbm>>
      %dma_wait3A_68 = tpu.memref_slice %arg3[%add3A_58] : memref<196608xi32, #tpu.memory_space<hbm>> -> memref<768xi32, #tpu.memory_space<hbm>>
      tpu.wait_dma2 semaphore(%run_scoped3A : memref<!tpu.dma_semaphore, #tpu.memory_space<semaphore_mem>>) src(%dma_wait3A_68 : memref<768xi32, #tpu.memory_space<hbm>>) dst(%arg5 : memref<768xi32, #tpu.memory_space<vmem>>)
      tpu.yield
    }) : () -> ()
    %dma_start3A_59 = arith.constant 0 : i32
    %dma_start3A_60 = arith.constant 0 : i32
    %dma_start3A_61 = tpu.memref_slice %arg2[%dma_start3A_59, %dma_start3A_60] : memref<24000x128xf32, #tpu.memory_space<hbm>> -> memref<24000x128xf32, #tpu.memory_space<hbm>>
    tpu.enqueue_indirect_dma source(%dma_start3A_61 : memref<24000x128xf32, #tpu.memory_space<hbm>>) target(%arg6 : memref<768x128xf32, #tpu.memory_space<vmem>>) offsets(%arg5 : memref<768xi32, #tpu.memory_space<vmem>>) semaphore(%arg7 : memref<!tpu.dma_semaphore, #tpu.memory_space<semaphore_mem>>)
    %dma_wait3A_62 = arith.constant 0 : i32
    %dma_wait3A_63 = arith.constant 0 : i32
    %dma_wait3A_64 = tpu.memref_slice %arg2[%dma_wait3A_62, %dma_wait3A_63] : memref<24000x128xf32, #tpu.memory_space<hbm>> -> memref<24000x128xf32, #tpu.memory_space<hbm>>
    tpu.wait_indirect_dma semaphore(%arg7 : memref<!tpu.dma_semaphore, #tpu.memory_space<semaphore_mem>>) src(%dma_wait3A_64 : memref<24000x128xf32, #tpu.memory_space<hbm>>) dst(%arg6 : memref<768x128xf32, #tpu.memory_space<vmem>>)
    "tpu.region"() ({
      %run_scoped3A = tpu.sem_alloc : memref<!tpu.dma_semaphore, #tpu.memory_space<semaphore_mem>>
      %dma_start3A_65 = arith.constant 0 : i32
      %dma_start3A_66 = tpu.memref_slice %arg4[%add3A_58, %dma_start3A_65] : memref<196608x128xf32, #tpu.memory_space<hbm>> -> memref<768x128xf32, #tpu.memory_space<hbm>>
      %dma_start3A_67 = arith.constant 0 : i32
      %dma_start3A_68 = tpu.memref_slice %arg4[%add3A_58, %dma_start3A_67] : memref<196608x128xf32, #tpu.memory_space<hbm>> -> memref<768x128xf32, #tpu.memory_space<hbm>>
      tpu.enqueue_dma source(%arg6 : memref<768x128xf32, #tpu.memory_space<vmem>>) target(%dma_start3A_68 : memref<768x128xf32, #tpu.memory_space<hbm>>) target_semaphore(%run_scoped3A : memref<!tpu.dma_semaphore, #tpu.memory_space<semaphore_mem>>)
      %dma_wait3A_69 = arith.constant 0 : i32
      %dma_wait3A_70 = tpu.memref_slice %arg4[%add3A_58, %dma_wait3A_69] : memref<196608x128xf32, #tpu.memory_space<hbm>> -> memref<768x128xf32, #tpu.memory_space<hbm>>
      %dma_wait3A_71 = arith.constant 0 : i32
      %dma_wait3A_72 = tpu.memref_slice %arg4[%add3A_58, %dma_wait3A_71] : memref<196608x128xf32, #tpu.memory_space<hbm>> -> memref<768x128xf32, #tpu.memory_space<hbm>>
      tpu.wait_dma2 semaphore(%run_scoped3A : memref<!tpu.dma_semaphore, #tpu.memory_space<semaphore_mem>>) src(%arg6 : memref<768x128xf32, #tpu.memory_space<vmem>>) dst(%dma_wait3A_72 : memref<768x128xf32, #tpu.memory_space<hbm>>)
      tpu.yield
    }) : () -> ()
    return
  }
}

#map = affine_map<(d0, d1) -> (0, 0)>
#map1 = affine_map<(d0, d1) -> (0)>
module attributes {stable_mosaic.version = 14 : i64} {
  func.func @body(%arg0: i32, %arg1: i32, %arg2: memref<6144x256xf32, #tpu.memory_space<hbm>>, %arg3: memref<16384xi32, #tpu.memory_space<hbm>>, %arg4: memref<16384x256xf32, #tpu.memory_space<hbm>>, %arg5: memref<256xi32, #tpu.memory_space<vmem>>, %arg6: memref<256x256xf32, #tpu.memory_space<vmem>>, %arg7: memref<!tpu.dma_semaphore, #tpu.memory_space<semaphore_mem>>) attributes {dimension_semantics = [#tpu.dimension_semantics<core_parallel>, #tpu.dimension_semantics<subcore_parallel>], iteration_bounds = array<i64: 2, 16>, scalar_prefetch = 0 : i64, scratch_operands = 3 : i64, tpu.core_type = #tpu.core_type<sc_vector_subcore>, window_params = [{transform_indices = #map}, {transform_indices = #map1}, {transform_indices = #map}]} {
    %mul3A = arith.constant 2 : i32
    %mul3A_0 = arith.muli %arg1, %mul3A : i32
    %add3A = arith.addi %mul3A_0, %arg0 : i32
    %mul3A_1 = arith.constant 512 : i32
    %mul3A_2 = arith.muli %add3A, %mul3A_1 : i32
    %add3A_3 = arith.constant 0 : i32
    %add3A_4 = arith.addi %mul3A_2, %add3A_3 : i32
    "tpu.region"() ({
      %run_scoped3A = tpu.sem_alloc : memref<!tpu.dma_semaphore, #tpu.memory_space<semaphore_mem>>
      %dma_start3A_17 = tpu.memref_slice %arg3[%add3A_4] : memref<16384xi32, #tpu.memory_space<hbm>> -> memref<256xi32, #tpu.memory_space<hbm>>
      %dma_start3A_18 = tpu.memref_slice %arg3[%add3A_4] : memref<16384xi32, #tpu.memory_space<hbm>> -> memref<256xi32, #tpu.memory_space<hbm>>
      tpu.enqueue_dma source(%dma_start3A_18 : memref<256xi32, #tpu.memory_space<hbm>>) target(%arg5 : memref<256xi32, #tpu.memory_space<vmem>>) target_semaphore(%run_scoped3A : memref<!tpu.dma_semaphore, #tpu.memory_space<semaphore_mem>>)
      %dma_wait3A_19 = tpu.memref_slice %arg3[%add3A_4] : memref<16384xi32, #tpu.memory_space<hbm>> -> memref<256xi32, #tpu.memory_space<hbm>>
      %dma_wait3A_20 = tpu.memref_slice %arg3[%add3A_4] : memref<16384xi32, #tpu.memory_space<hbm>> -> memref<256xi32, #tpu.memory_space<hbm>>
      tpu.wait_dma2 semaphore(%run_scoped3A : memref<!tpu.dma_semaphore, #tpu.memory_space<semaphore_mem>>) src(%dma_wait3A_20 : memref<256xi32, #tpu.memory_space<hbm>>) dst(%arg5 : memref<256xi32, #tpu.memory_space<vmem>>)
      tpu.yield
    }) : () -> ()
    %dma_start3A = arith.constant 0 : i32
    %dma_start3A_5 = arith.constant 0 : i32
    %dma_start3A_6 = tpu.memref_slice %arg2[%dma_start3A, %dma_start3A_5] : memref<6144x256xf32, #tpu.memory_space<hbm>> -> memref<6144x256xf32, #tpu.memory_space<hbm>>
    tpu.enqueue_indirect_dma source(%dma_start3A_6 : memref<6144x256xf32, #tpu.memory_space<hbm>>) target(%arg6 : memref<256x256xf32, #tpu.memory_space<vmem>>) offsets(%arg5 : memref<256xi32, #tpu.memory_space<vmem>>) semaphore(%arg7 : memref<!tpu.dma_semaphore, #tpu.memory_space<semaphore_mem>>)
    %dma_wait3A = arith.constant 0 : i32
    %dma_wait3A_7 = arith.constant 0 : i32
    %dma_wait3A_8 = tpu.memref_slice %arg2[%dma_wait3A, %dma_wait3A_7] : memref<6144x256xf32, #tpu.memory_space<hbm>> -> memref<6144x256xf32, #tpu.memory_space<hbm>>
    tpu.wait_indirect_dma semaphore(%arg7 : memref<!tpu.dma_semaphore, #tpu.memory_space<semaphore_mem>>) src(%dma_wait3A_8 : memref<6144x256xf32, #tpu.memory_space<hbm>>) dst(%arg6 : memref<256x256xf32, #tpu.memory_space<vmem>>)
    "tpu.region"() ({
      %run_scoped3A = tpu.sem_alloc : memref<!tpu.dma_semaphore, #tpu.memory_space<semaphore_mem>>
      %dma_start3A_17 = arith.constant 0 : i32
      %dma_start3A_18 = tpu.memref_slice %arg4[%add3A_4, %dma_start3A_17] : memref<16384x256xf32, #tpu.memory_space<hbm>> -> memref<256x256xf32, #tpu.memory_space<hbm>>
      %dma_start3A_19 = arith.constant 0 : i32
      %dma_start3A_20 = tpu.memref_slice %arg4[%add3A_4, %dma_start3A_19] : memref<16384x256xf32, #tpu.memory_space<hbm>> -> memref<256x256xf32, #tpu.memory_space<hbm>>
      tpu.enqueue_dma source(%arg6 : memref<256x256xf32, #tpu.memory_space<vmem>>) target(%dma_start3A_20 : memref<256x256xf32, #tpu.memory_space<hbm>>) target_semaphore(%run_scoped3A : memref<!tpu.dma_semaphore, #tpu.memory_space<semaphore_mem>>)
      %dma_wait3A_21 = arith.constant 0 : i32
      %dma_wait3A_22 = tpu.memref_slice %arg4[%add3A_4, %dma_wait3A_21] : memref<16384x256xf32, #tpu.memory_space<hbm>> -> memref<256x256xf32, #tpu.memory_space<hbm>>
      %dma_wait3A_23 = arith.constant 0 : i32
      %dma_wait3A_24 = tpu.memref_slice %arg4[%add3A_4, %dma_wait3A_23] : memref<16384x256xf32, #tpu.memory_space<hbm>> -> memref<256x256xf32, #tpu.memory_space<hbm>>
      tpu.wait_dma2 semaphore(%run_scoped3A : memref<!tpu.dma_semaphore, #tpu.memory_space<semaphore_mem>>) src(%arg6 : memref<256x256xf32, #tpu.memory_space<vmem>>) dst(%dma_wait3A_24 : memref<256x256xf32, #tpu.memory_space<hbm>>)
      tpu.yield
    }) : () -> ()
    %add3A_9 = arith.constant 256 : i32
    %add3A_10 = arith.addi %mul3A_2, %add3A_9 : i32
    "tpu.region"() ({
      %run_scoped3A = tpu.sem_alloc : memref<!tpu.dma_semaphore, #tpu.memory_space<semaphore_mem>>
      %dma_start3A_17 = tpu.memref_slice %arg3[%add3A_10] : memref<16384xi32, #tpu.memory_space<hbm>> -> memref<256xi32, #tpu.memory_space<hbm>>
      %dma_start3A_18 = tpu.memref_slice %arg3[%add3A_10] : memref<16384xi32, #tpu.memory_space<hbm>> -> memref<256xi32, #tpu.memory_space<hbm>>
      tpu.enqueue_dma source(%dma_start3A_18 : memref<256xi32, #tpu.memory_space<hbm>>) target(%arg5 : memref<256xi32, #tpu.memory_space<vmem>>) target_semaphore(%run_scoped3A : memref<!tpu.dma_semaphore, #tpu.memory_space<semaphore_mem>>)
      %dma_wait3A_19 = tpu.memref_slice %arg3[%add3A_10] : memref<16384xi32, #tpu.memory_space<hbm>> -> memref<256xi32, #tpu.memory_space<hbm>>
      %dma_wait3A_20 = tpu.memref_slice %arg3[%add3A_10] : memref<16384xi32, #tpu.memory_space<hbm>> -> memref<256xi32, #tpu.memory_space<hbm>>
      tpu.wait_dma2 semaphore(%run_scoped3A : memref<!tpu.dma_semaphore, #tpu.memory_space<semaphore_mem>>) src(%dma_wait3A_20 : memref<256xi32, #tpu.memory_space<hbm>>) dst(%arg5 : memref<256xi32, #tpu.memory_space<vmem>>)
      tpu.yield
    }) : () -> ()
    %dma_start3A_11 = arith.constant 0 : i32
    %dma_start3A_12 = arith.constant 0 : i32
    %dma_start3A_13 = tpu.memref_slice %arg2[%dma_start3A_11, %dma_start3A_12] : memref<6144x256xf32, #tpu.memory_space<hbm>> -> memref<6144x256xf32, #tpu.memory_space<hbm>>
    tpu.enqueue_indirect_dma source(%dma_start3A_13 : memref<6144x256xf32, #tpu.memory_space<hbm>>) target(%arg6 : memref<256x256xf32, #tpu.memory_space<vmem>>) offsets(%arg5 : memref<256xi32, #tpu.memory_space<vmem>>) semaphore(%arg7 : memref<!tpu.dma_semaphore, #tpu.memory_space<semaphore_mem>>)
    %dma_wait3A_14 = arith.constant 0 : i32
    %dma_wait3A_15 = arith.constant 0 : i32
    %dma_wait3A_16 = tpu.memref_slice %arg2[%dma_wait3A_14, %dma_wait3A_15] : memref<6144x256xf32, #tpu.memory_space<hbm>> -> memref<6144x256xf32, #tpu.memory_space<hbm>>
    tpu.wait_indirect_dma semaphore(%arg7 : memref<!tpu.dma_semaphore, #tpu.memory_space<semaphore_mem>>) src(%dma_wait3A_16 : memref<6144x256xf32, #tpu.memory_space<hbm>>) dst(%arg6 : memref<256x256xf32, #tpu.memory_space<vmem>>)
    "tpu.region"() ({
      %run_scoped3A = tpu.sem_alloc : memref<!tpu.dma_semaphore, #tpu.memory_space<semaphore_mem>>
      %dma_start3A_17 = arith.constant 0 : i32
      %dma_start3A_18 = tpu.memref_slice %arg4[%add3A_10, %dma_start3A_17] : memref<16384x256xf32, #tpu.memory_space<hbm>> -> memref<256x256xf32, #tpu.memory_space<hbm>>
      %dma_start3A_19 = arith.constant 0 : i32
      %dma_start3A_20 = tpu.memref_slice %arg4[%add3A_10, %dma_start3A_19] : memref<16384x256xf32, #tpu.memory_space<hbm>> -> memref<256x256xf32, #tpu.memory_space<hbm>>
      tpu.enqueue_dma source(%arg6 : memref<256x256xf32, #tpu.memory_space<vmem>>) target(%dma_start3A_20 : memref<256x256xf32, #tpu.memory_space<hbm>>) target_semaphore(%run_scoped3A : memref<!tpu.dma_semaphore, #tpu.memory_space<semaphore_mem>>)
      %dma_wait3A_21 = arith.constant 0 : i32
      %dma_wait3A_22 = tpu.memref_slice %arg4[%add3A_10, %dma_wait3A_21] : memref<16384x256xf32, #tpu.memory_space<hbm>> -> memref<256x256xf32, #tpu.memory_space<hbm>>
      %dma_wait3A_23 = arith.constant 0 : i32
      %dma_wait3A_24 = tpu.memref_slice %arg4[%add3A_10, %dma_wait3A_23] : memref<16384x256xf32, #tpu.memory_space<hbm>> -> memref<256x256xf32, #tpu.memory_space<hbm>>
      tpu.wait_dma2 semaphore(%run_scoped3A : memref<!tpu.dma_semaphore, #tpu.memory_space<semaphore_mem>>) src(%arg6 : memref<256x256xf32, #tpu.memory_space<vmem>>) dst(%dma_wait3A_24 : memref<256x256xf32, #tpu.memory_space<hbm>>)
      tpu.yield
    }) : () -> ()
    return
  }
}

module attributes {stable_mosaic.version = 14 : i64} {
  func.func @_fps_body(%arg0: memref<8x4096xf32, #tpu.memory_space<vmem>>, %arg1: memref<8x4096xf32, #tpu.memory_space<vmem>>, %arg2: memref<8x4096xf32, #tpu.memory_space<vmem>>, %arg3: memref<8x4096xf32, #tpu.memory_space<vmem>>, %arg4: memref<8x1024xi32, #tpu.memory_space<vmem>>) attributes {dimension_semantics = [], scalar_prefetch = 0 : i64, scratch_operands = 0 : i64, tpu.core_type = #tpu.core_type<tc>} {
    %get3A = arith.constant 0 : index
    %get3A_0 = arith.constant 0 : index
    %get3A_1 = vector.load %arg0[%get3A, %get3A_0] : memref<8x4096xf32, #tpu.memory_space<vmem>>, vector<8x4096xf32>
    %get3A_2 = arith.constant 0 : index
    %get3A_3 = arith.constant 0 : index
    %get3A_4 = vector.load %arg1[%get3A_2, %get3A_3] : memref<8x4096xf32, #tpu.memory_space<vmem>>, vector<8x4096xf32>
    %get3A_5 = arith.constant 0 : index
    %get3A_6 = arith.constant 0 : index
    %get3A_7 = vector.load %arg2[%get3A_5, %get3A_6] : memref<8x4096xf32, #tpu.memory_space<vmem>>, vector<8x4096xf32>
    %get3A_8 = arith.constant 0 : index
    %get3A_9 = arith.constant 0 : index
    %get3A_10 = vector.load %arg3[%get3A_8, %get3A_9] : memref<8x4096xf32, #tpu.memory_space<vmem>>, vector<8x4096xf32>
    %iota3A = tpu.iota {dimensions = array<i32: 1>} : vector<8x4096xi32>
    %iota3A_11 = tpu.iota {dimensions = array<i32: 1>} : vector<8x1024xi32>
    %gt3A = arith.constant 5.000000e-01 : f32
    %gt3A_12 = vector.broadcast %gt3A : f32 to vector<8x4096xf32>
    %gt3A_13 = arith.cmpf ogt, %get3A_10, %gt3A_12 : vector<8x4096xf32>
    %jit3A = arith.constant 1.000000e+10 : f32
    %jit3A_14 = arith.constant -1.000000e+00 : f32
    %broadcast_in_dim3A = vector.broadcast %jit3A : f32 to vector<8x4096xf32>
    %broadcast_in_dim3A_15 = vector.broadcast %jit3A_14 : f32 to vector<8x4096xf32>
    %select_n3A = arith.select %gt3A_13, %broadcast_in_dim3A, %broadcast_in_dim3A_15 : vector<8x4096xi1>, vector<8x4096xf32>
    %broadcast_in_dim3A_16 = arith.constant 0 : i32
    %broadcast_in_dim3A_17 = vector.broadcast %broadcast_in_dim3A_16 : i32 to vector<8x1xi32>
    %broadcast_in_dim3A_18 = arith.constant 0 : i32
    %broadcast_in_dim3A_19 = vector.broadcast %broadcast_in_dim3A_18 : i32 to vector<8x1024xi32>
    %swap3A = arith.constant 0 : index
    %swap3A_20 = arith.constant 0 : index
    %swap3A_21 = vector.load %arg4[%swap3A, %swap3A_20] : memref<8x1024xi32, #tpu.memory_space<vmem>>, vector<8x1024xi32>
    tpu.vector_store %arg4[%swap3A, %swap3A_20], %broadcast_in_dim3A_19 {strides = array<i32>} : memref<8x1024xi32, #tpu.memory_space<vmem>>, vector<8x1024xi32>,
    %get3A_22 = arith.constant 0 : index
    %get3A_23 = arith.constant 0 : index
    %get3A_24 = vector.load %arg4[%get3A_22, %get3A_23] : memref<8x1024xi32, #tpu.memory_space<vmem>>, vector<8x1024xi32>
    %scan3A = arith.constant 4097 : i32
    %scan3A_25 = arith.constant 0 : i32
    %scan3A_26 = arith.constant 1024 : i32
    %scan3A_27 = arith.addi %scan3A_25, %scan3A_26 : i32
    %scan3A_28 = arith.constant 1 : i32
    %scan3A_29:3 = scf.for %scan3A_34 = %scan3A_25 to %scan3A_27 step %scan3A_28 iter_args(%scan3A_35 = %select_n3A, %scan3A_36 = %broadcast_in_dim3A_17, %scan3A_37 = %get3A_24) -> (vector<8x4096xf32>, vector<8x1xi32>, vector<8x1024xi32>)  : i32 {
      %eq3A = vector.broadcast %scan3A_34 : i32 to vector<8x1024xi32>
      %eq3A_38 = arith.cmpi eq, %iota3A_11, %eq3A : vector<8x1024xi32>
      %convert_element_type3A = arith.extui %eq3A_38 : vector<8x1024xi1> to vector<8x1024xi32>
      %mul3A = vector.broadcast %scan3A_36 : vector<8x1xi32> to vector<8x1024xi32>
      %mul3A_39 = arith.muli %convert_element_type3A, %mul3A : vector<8x1024xi32>
      %add3A = arith.addi %mul3A_39, %scan3A_37 : vector<8x1024xi32>
      %eq3A_40 = vector.broadcast %scan3A_36 : vector<8x1xi32> to vector<8x4096xi32>
      %eq3A_41 = arith.cmpi eq, %iota3A, %eq3A_40 : vector<8x4096xi32>
      %jit3A_42 = arith.constant 0.000000e+00 : f32
      %broadcast_in_dim3A_43 = vector.broadcast %jit3A_42 : f32 to vector<8x4096xf32>
      %select_n3A_44 = arith.select %eq3A_41, %get3A_1, %broadcast_in_dim3A_43 : vector<8x4096xi1>, vector<8x4096xf32>
      %reduce_sum3A = arith.constant dense<0.000000e+00> : vector<8xf32>
      %reduce_sum3A_45 = vector.multi_reduction <add>, %select_n3A_44, %reduce_sum3A [1] : vector<8x4096xf32> to vector<8xf32>
      %broadcast_in_dim3A_46 = vector.shape_cast %reduce_sum3A_45 : vector<8xf32> to vector<8x1xf32>
      %jit3A_47 = arith.constant 0.000000e+00 : f32
      %broadcast_in_dim3A_48 = vector.broadcast %jit3A_47 : f32 to vector<8x4096xf32>
      %select_n3A_49 = arith.select %eq3A_41, %get3A_4, %broadcast_in_dim3A_48 : vector<8x4096xi1>, vector<8x4096xf32>
      %reduce_sum3A_50 = arith.constant dense<0.000000e+00> : vector<8xf32>
      %reduce_sum3A_51 = vector.multi_reduction <add>, %select_n3A_49, %reduce_sum3A_50 [1] : vector<8x4096xf32> to vector<8xf32>
      %broadcast_in_dim3A_52 = vector.shape_cast %reduce_sum3A_51 : vector<8xf32> to vector<8x1xf32>
      %jit3A_53 = arith.constant 0.000000e+00 : f32
      %broadcast_in_dim3A_54 = vector.broadcast %jit3A_53 : f32 to vector<8x4096xf32>
      %select_n3A_55 = arith.select %eq3A_41, %get3A_7, %broadcast_in_dim3A_54 : vector<8x4096xi1>, vector<8x4096xf32>
      %reduce_sum3A_56 = arith.constant dense<0.000000e+00> : vector<8xf32>
      %reduce_sum3A_57 = vector.multi_reduction <add>, %select_n3A_55, %reduce_sum3A_56 [1] : vector<8x4096xf32> to vector<8xf32>
      %broadcast_in_dim3A_58 = vector.shape_cast %reduce_sum3A_57 : vector<8xf32> to vector<8x1xf32>
      %sub3A = vector.broadcast %broadcast_in_dim3A_46 : vector<8x1xf32> to vector<8x4096xf32>
      %sub3A_59 = arith.subf %get3A_1, %sub3A : vector<8x4096xf32>
      %integer_pow3A = arith.mulf %sub3A_59, %sub3A_59 : vector<8x4096xf32>
      %sub3A_60 = vector.broadcast %broadcast_in_dim3A_52 : vector<8x1xf32> to vector<8x4096xf32>
      %sub3A_61 = arith.subf %get3A_4, %sub3A_60 : vector<8x4096xf32>
      %integer_pow3A_62 = arith.mulf %sub3A_61, %sub3A_61 : vector<8x4096xf32>
      %add3A_63 = arith.addf %integer_pow3A, %integer_pow3A_62 : vector<8x4096xf32>
      %sub3A_64 = vector.broadcast %broadcast_in_dim3A_58 : vector<8x1xf32> to vector<8x4096xf32>
      %sub3A_65 = arith.subf %get3A_7, %sub3A_64 : vector<8x4096xf32>
      %integer_pow3A_66 = arith.mulf %sub3A_65, %sub3A_65 : vector<8x4096xf32>
      %add3A_67 = arith.addf %add3A_63, %integer_pow3A_66 : vector<8x4096xf32>
      %min3A = arith.minimumf %scan3A_35, %add3A_67 : vector<8x4096xf32>
      %reduce_max3A = arith.constant dense<0xFF800000> : vector<8xf32>
      %reduce_max3A_68 = vector.multi_reduction <maximumf>, %min3A, %reduce_max3A [1] : vector<8x4096xf32> to vector<8xf32>
      %broadcast_in_dim3A_69 = vector.shape_cast %reduce_max3A_68 : vector<8xf32> to vector<8x1xf32>
      %eq3A_70 = vector.broadcast %broadcast_in_dim3A_69 : vector<8x1xf32> to vector<8x4096xf32>
      %eq3A_71 = arith.cmpf oeq, %min3A, %eq3A_70 : vector<8x4096xf32>
      %broadcast_in_dim3A_72 = vector.broadcast %scan3A : i32 to vector<8x4096xi32>
      %select_n3A_73 = arith.select %eq3A_71, %iota3A, %broadcast_in_dim3A_72 : vector<8x4096xi1>, vector<8x4096xi32>
      %reduce_min3A = arith.constant dense<2147483647> : vector<8xi32>
      %reduce_min3A_74 = vector.multi_reduction <minsi>, %select_n3A_73, %reduce_min3A [1] : vector<8x4096xi32> to vector<8xi32>
      %broadcast_in_dim3A_75 = vector.shape_cast %reduce_min3A_74 : vector<8xi32> to vector<8x1xi32>
      scf.yield %min3A, %broadcast_in_dim3A_75, %add3A : vector<8x4096xf32>, vector<8x1xi32>, vector<8x1024xi32>
    }
    %scan3A_30 = arith.constant 1024 : i32
    %swap3A_31 = arith.constant 0 : index
    %swap3A_32 = arith.constant 0 : index
    %swap3A_33 = vector.load %arg4[%swap3A_31, %swap3A_32] : memref<8x1024xi32, #tpu.memory_space<vmem>>, vector<8x1024xi32>
    tpu.vector_store %arg4[%swap3A_31, %swap3A_32], %scan3A_29#2 {strides = array<i32>} : memref<8x1024xi32, #tpu.memory_space<vmem>>, vector<8x1024xi32>,
    return
  }
}

module attributes {stable_mosaic.version = 14 : i64} {
  func.func @_ballq_body(%arg0: i32, %arg1: memref<1x512x8xf32, #tpu.memory_space<vmem>>, %arg2: memref<1x8x4096xf32, #tpu.memory_space<vmem>>, %arg3: memref<1x512x128xi32, #tpu.memory_space<vmem>>) attributes {dimension_semantics = [#tpu.dimension_semantics<parallel>], iteration_bounds = array<i64: 12>, scalar_prefetch = 0 : i64, scratch_operands = 0 : i64, tpu.core_type = #tpu.core_type<tc>, window_params = [{transform_indices = @transform_0, window_bounds = array<i64: 1, 512, 8>}, {transform_indices = @transform_1, window_bounds = array<i64: 1, 8, 4096>}, {transform_indices = @transform_2, window_bounds = array<i64: 1, 512, 128>}]} {
    %get3A = arith.constant 0 : index
    %get3A_0 = arith.constant 0 : index
    %get3A_1 = arith.constant 0 : index
    %get3A_2 = vector.load %arg1[%get3A, %get3A_0, %get3A_1] : memref<1x512x8xf32, #tpu.memory_space<vmem>>, vector<1x512x8xf32>
    %get3A_3 = vector.shape_cast %get3A_2 : vector<1x512x8xf32> to vector<512x8xf32>
    %get3A_4 = arith.constant 0 : index
    %get3A_5 = arith.constant 0 : index
    %get3A_6 = arith.constant 0 : index
    %get3A_7 = vector.load %arg2[%get3A_4, %get3A_5, %get3A_6] : memref<1x8x4096xf32, #tpu.memory_space<vmem>>, vector<1x8x4096xf32>
    %get3A_8 = vector.shape_cast %get3A_7 : vector<1x8x4096xf32> to vector<8x4096xf32>
    %slice3A = vector.extract_strided_slice %get3A_3 {offsets = [0, 0], sizes = [512, 1], strides = [1, 1]} : vector<512x8xf32> to vector<512x1xf32>
    %slice3A_9 = vector.extract_strided_slice %get3A_8 {offsets = [0, 0], sizes = [1, 4096], strides = [1, 1]} : vector<8x4096xf32> to vector<1x4096xf32>
    %sub3A = vector.broadcast %slice3A : vector<512x1xf32> to vector<512x4096xf32>
    %sub3A_10 = vector.broadcast %slice3A_9 : vector<1x4096xf32> to vector<512x4096xf32>
    %sub3A_11 = arith.subf %sub3A, %sub3A_10 : vector<512x4096xf32>
    %slice3A_12 = vector.extract_strided_slice %get3A_3 {offsets = [0, 1], sizes = [512, 1], strides = [1, 1]} : vector<512x8xf32> to vector<512x1xf32>
    %slice3A_13 = vector.extract_strided_slice %get3A_8 {offsets = [1, 0], sizes = [1, 4096], strides = [1, 1]} : vector<8x4096xf32> to vector<1x4096xf32>
    %sub3A_14 = vector.broadcast %slice3A_12 : vector<512x1xf32> to vector<512x4096xf32>
    %sub3A_15 = vector.broadcast %slice3A_13 : vector<1x4096xf32> to vector<512x4096xf32>
    %sub3A_16 = arith.subf %sub3A_14, %sub3A_15 : vector<512x4096xf32>
    %slice3A_17 = vector.extract_strided_slice %get3A_3 {offsets = [0, 2], sizes = [512, 1], strides = [1, 1]} : vector<512x8xf32> to vector<512x1xf32>
    %slice3A_18 = vector.extract_strided_slice %get3A_8 {offsets = [2, 0], sizes = [1, 4096], strides = [1, 1]} : vector<8x4096xf32> to vector<1x4096xf32>
    %sub3A_19 = vector.broadcast %slice3A_17 : vector<512x1xf32> to vector<512x4096xf32>
    %sub3A_20 = vector.broadcast %slice3A_18 : vector<1x4096xf32> to vector<512x4096xf32>
    %sub3A_21 = arith.subf %sub3A_19, %sub3A_20 : vector<512x4096xf32>
    %mul3A = arith.mulf %sub3A_11, %sub3A_11 : vector<512x4096xf32>
    %mul3A_22 = arith.mulf %sub3A_16, %sub3A_16 : vector<512x4096xf32>
    %add3A = arith.addf %mul3A, %mul3A_22 : vector<512x4096xf32>
    %mul3A_23 = arith.mulf %sub3A_21, %sub3A_21 : vector<512x4096xf32>
    %add3A_24 = arith.addf %add3A, %mul3A_23 : vector<512x4096xf32>
    %iota3A = tpu.iota {dimensions = array<i32: 1>} : vector<512x4096xi32>
    %iota3A_25 = tpu.iota {dimensions = array<i32: 1>} : vector<512x128xi32>
    %gt3A = arith.constant 4.000000e-02 : f32
    %gt3A_26 = vector.broadcast %gt3A : f32 to vector<512x4096xf32>
    %gt3A_27 = arith.cmpf ogt, %add3A_24, %gt3A_26 : vector<512x4096xf32>
    %jit3A = arith.constant 4000 : i32
    %broadcast_in_dim3A = vector.broadcast %jit3A : i32 to vector<512x4096xi32>
    %select_n3A = arith.select %gt3A_27, %broadcast_in_dim3A, %iota3A : vector<512x4096xi1>, vector<512x4096xi32>
    %broadcast_in_dim3A_28 = arith.constant 0 : i32
    %broadcast_in_dim3A_29 = vector.broadcast %broadcast_in_dim3A_28 : i32 to vector<1x512x128xi32>
    %swap3A = arith.constant 0 : index
    %swap3A_30 = arith.constant 0 : index
    %swap3A_31 = arith.constant 0 : index
    %swap3A_32 = vector.load %arg3[%swap3A, %swap3A_30, %swap3A_31] : memref<1x512x128xi32, #tpu.memory_space<vmem>>, vector<1x512x128xi32>
    tpu.vector_store %arg3[%swap3A, %swap3A_30, %swap3A_31], %broadcast_in_dim3A_29 {strides = array<i32>} : memref<1x512x128xi32, #tpu.memory_space<vmem>>, vector<1x512x128xi32>,
    %get3A_33 = arith.constant 0 : index
    %get3A_34 = arith.constant 0 : index
    %get3A_35 = arith.constant 0 : index
    %get3A_36 = vector.load %arg3[%get3A_33, %get3A_34, %get3A_35] : memref<1x512x128xi32, #tpu.memory_space<vmem>>, vector<1x512x128xi32>
    %get3A_37 = vector.shape_cast %get3A_36 : vector<1x512x128xi32> to vector<512x128xi32>
    %scan3A = arith.constant 4000 : i32
    %scan3A_38 = arith.constant 0 : i32
    %scan3A_39 = arith.constant 32 : i32
    %scan3A_40 = arith.addi %scan3A_38, %scan3A_39 : i32
    %scan3A_41 = arith.constant 1 : i32
    %scan3A_42:2 = scf.for %scan3A_57 = %scan3A_38 to %scan3A_40 step %scan3A_41 iter_args(%scan3A_58 = %select_n3A, %scan3A_59 = %get3A_37) -> (vector<512x4096xi32>, vector<512x128xi32>)  : i32 {
      %reduce_min3A = arith.constant dense<2147483647> : vector<512xi32>
      %reduce_min3A_60 = vector.multi_reduction <minsi>, %scan3A_58, %reduce_min3A [1] : vector<512x4096xi32> to vector<512xi32>
      %broadcast_in_dim3A_61 = vector.shape_cast %reduce_min3A_60 : vector<512xi32> to vector<512x1xi32>
      %eq3A = vector.broadcast %scan3A_57 : i32 to vector<512x128xi32>
      %eq3A_62 = arith.cmpi eq, %iota3A_25, %eq3A : vector<512x128xi32>
      %convert_element_type3A_63 = arith.extui %eq3A_62 : vector<512x128xi1> to vector<512x128xi32>
      %mul3A_64 = vector.broadcast %broadcast_in_dim3A_61 : vector<512x1xi32> to vector<512x128xi32>
      %mul3A_65 = arith.muli %convert_element_type3A_63, %mul3A_64 : vector<512x128xi32>
      %add3A_66 = arith.addi %mul3A_65, %scan3A_59 : vector<512x128xi32>
      %eq3A_67 = vector.broadcast %broadcast_in_dim3A_61 : vector<512x1xi32> to vector<512x4096xi32>
      %eq3A_68 = arith.cmpi eq, %scan3A_58, %eq3A_67 : vector<512x4096xi32>
      %add3A_69 = arith.constant 1 : i32
      %add3A_70 = arith.addi %scan3A, %add3A_69 : i32
      %broadcast_in_dim3A_71 = vector.broadcast %add3A_70 : i32 to vector<512x4096xi32>
      %select_n3A_72 = arith.select %eq3A_68, %broadcast_in_dim3A_71, %scan3A_58 : vector<512x4096xi1>, vector<512x4096xi32>
      scf.yield %select_n3A_72, %add3A_66 : vector<512x4096xi32>, vector<512x128xi32>
    }
    %scan3A_43 = arith.constant 32 : i32
    %slice3A_44 = vector.extract_strided_slice %scan3A_42#1 {offsets = [0, 0], sizes = [512, 1], strides = [1, 1]} : vector<512x128xi32> to vector<512x1xi32>
    %ge3A = arith.constant 4000 : i32
    %ge3A_45 = vector.broadcast %ge3A : i32 to vector<512x128xi32>
    %ge3A_46 = arith.cmpi sge, %scan3A_42#1, %ge3A_45 : vector<512x128xi32>
    %convert_element_type3A = arith.extui %ge3A_46 : vector<512x128xi1> to vector<512x128xi32>
    %sub3A_47 = vector.broadcast %slice3A_44 : vector<512x1xi32> to vector<512x128xi32>
    %sub3A_48 = arith.subi %scan3A_42#1, %sub3A_47 : vector<512x128xi32>
    %mul3A_49 = arith.muli %convert_element_type3A, %sub3A_48 : vector<512x128xi32>
    %sub3A_50 = arith.subi %scan3A_42#1, %mul3A_49 : vector<512x128xi32>
    %swap3A_51 = arith.constant 0 : index
    %swap3A_52 = arith.constant 0 : index
    %swap3A_53 = arith.constant 0 : index
    %swap3A_54 = vector.load %arg3[%swap3A_51, %swap3A_52, %swap3A_53] : memref<1x512x128xi32, #tpu.memory_space<vmem>>, vector<1x512x128xi32>
    %swap3A_55 = vector.shape_cast %swap3A_54 : vector<1x512x128xi32> to vector<512x128xi32>
    %swap3A_56 = vector.shape_cast %sub3A_50 : vector<512x128xi32> to vector<1x512x128xi32>
    tpu.vector_store %arg3[%swap3A_51, %swap3A_52, %swap3A_53], %swap3A_56 {strides = array<i32>} : memref<1x512x128xi32, #tpu.memory_space<vmem>>, vector<1x512x128xi32>,
    return
  }
  func.func @transform_0(%arg0: i32) -> (i32, i32, i32) {
    %c0_i32 = arith.constant 0 : i32
    %c0_i32_0 = arith.constant 0 : i32
    %c0_i32_1 = arith.constant 0 : i32
    return %arg0, %c0_i32, %c0_i32_0 : i32, i32, i32
  }
  func.func @transform_1(%arg0: i32) -> (i32, i32, i32) {
    %jit3A = arith.constant 2 : i32
    %div3A = arith.divsi %arg0, %jit3A : i32
    %sign3A = arith.constant 0 : i32
    %sign3A_0 = arith.cmpi sgt, %arg0, %sign3A : i32
    %sign3A_1 = arith.extui %sign3A_0 : i1 to i32
    %sign3A_2 = arith.constant 0 : i32
    %sign3A_3 = arith.cmpi slt, %arg0, %sign3A_2 : i32
    %sign3A_4 = arith.extui %sign3A_3 : i1 to i32
    %sign3A_5 = arith.subi %sign3A_1, %sign3A_4 : i32
    %sign3A_6 = arith.constant 0 : i32
    %sign3A_7 = arith.cmpi sgt, %jit3A, %sign3A_6 : i32
    %sign3A_8 = arith.extui %sign3A_7 : i1 to i32
    %sign3A_9 = arith.constant 0 : i32
    %sign3A_10 = arith.cmpi slt, %jit3A, %sign3A_9 : i32
    %sign3A_11 = arith.extui %sign3A_10 : i1 to i32
    %sign3A_12 = arith.subi %sign3A_8, %sign3A_11 : i32
    %ne3A = arith.cmpi ne, %sign3A_5, %sign3A_12 : i32
    %rem3A = arith.remsi %arg0, %jit3A : i32
    %ne3A_13 = arith.constant 0 : i32
    %ne3A_14 = arith.cmpi ne, %rem3A, %ne3A_13 : i32
    %and3A = arith.andi %ne3A, %ne3A_14 : i1
    %sub3A = arith.constant 1 : i32
    %sub3A_15 = arith.subi %div3A, %sub3A : i32
    %select_n3A = arith.select %and3A, %sub3A_15, %div3A : i32
    %c0_i32 = arith.constant 0 : i32
    %c0_i32_16 = arith.constant 0 : i32
    %c0_i32_17 = arith.constant 0 : i32
    return %select_n3A, %c0_i32, %c0_i32_16 : i32, i32, i32
  }
  func.func @transform_2(%arg0: i32) -> (i32, i32, i32) {
    %c0_i32 = arith.constant 0 : i32
    %c0_i32_0 = arith.constant 0 : i32
    %c0_i32_1 = arith.constant 0 : i32
    return %arg0, %c0_i32, %c0_i32_0 : i32, i32, i32
  }
}

module attributes {stable_mosaic.version = 14 : i64} {
  func.func @_knn_body(%arg0: i32, %arg1: memref<1x256x8xf32, #tpu.memory_space<vmem>>, %arg2: memref<1x8x3072xf32, #tpu.memory_space<vmem>>, %arg3: memref<1x256x128xi32, #tpu.memory_space<vmem>>) attributes {dimension_semantics = [#tpu.dimension_semantics<parallel>], iteration_bounds = array<i64: 24>, scalar_prefetch = 0 : i64, scratch_operands = 0 : i64, tpu.core_type = #tpu.core_type<tc>, window_params = [{transform_indices = @transform_0, window_bounds = array<i64: 1, 256, 8>}, {transform_indices = @transform_1, window_bounds = array<i64: 1, 8, 3072>}, {transform_indices = @transform_2, window_bounds = array<i64: 1, 256, 128>}]} {
    %get3A = arith.constant 0 : index
    %get3A_0 = arith.constant 0 : index
    %get3A_1 = arith.constant 0 : index
    %get3A_2 = vector.load %arg1[%get3A, %get3A_0, %get3A_1] : memref<1x256x8xf32, #tpu.memory_space<vmem>>, vector<1x256x8xf32>
    %get3A_3 = vector.shape_cast %get3A_2 : vector<1x256x8xf32> to vector<256x8xf32>
    %get3A_4 = arith.constant 0 : index
    %get3A_5 = arith.constant 0 : index
    %get3A_6 = arith.constant 0 : index
    %get3A_7 = vector.load %arg2[%get3A_4, %get3A_5, %get3A_6] : memref<1x8x3072xf32, #tpu.memory_space<vmem>>, vector<1x8x3072xf32>
    %get3A_8 = vector.shape_cast %get3A_7 : vector<1x8x3072xf32> to vector<8x3072xf32>
    %dot_general3A = arith.constant dense<0.000000e+00> : vector<256x3072xf32>
    %dot_general3A_9 = tpu.matmul %get3A_3, %get3A_8, %dot_general3A {dimension_numbers = #tpu.dot_dimension_numbers<[1], [0], [0], [1], [0, 0, 1, 1], [], []>, transpose_lhs_hint = false} : vector<256x8xf32>, vector<8x3072xf32>, vector<256x3072xf32> -> vector<256x3072xf32>
    %mul3A = arith.mulf %get3A_3, %get3A_3 : vector<256x8xf32>
    %reduce_sum3A = arith.constant dense<0.000000e+00> : vector<256xf32>
    %reduce_sum3A_10 = vector.multi_reduction <add>, %mul3A, %reduce_sum3A [1] : vector<256x8xf32> to vector<256xf32>
    %broadcast_in_dim3A = vector.shape_cast %reduce_sum3A_10 : vector<256xf32> to vector<256x1xf32>
    %mul3A_11 = arith.mulf %get3A_8, %get3A_8 : vector<8x3072xf32>
    %reduce_sum3A_12 = arith.constant dense<0.000000e+00> : vector<3072xf32>
    %reduce_sum3A_13 = vector.multi_reduction <add>, %mul3A_11, %reduce_sum3A_12 [0] : vector<8x3072xf32> to vector<3072xf32>
    %broadcast_in_dim3A_14 = vector.shape_cast %reduce_sum3A_13 : vector<3072xf32> to vector<1x3072xf32>
    %add3A = vector.broadcast %broadcast_in_dim3A : vector<256x1xf32> to vector<256x3072xf32>
    %add3A_15 = vector.broadcast %broadcast_in_dim3A_14 : vector<1x3072xf32> to vector<256x3072xf32>
    %add3A_16 = arith.addf %add3A, %add3A_15 : vector<256x3072xf32>
    %mul3A_17 = arith.constant 2.000000e+00 : f32
    %mul3A_18 = vector.broadcast %mul3A_17 : f32 to vector<256x3072xf32>
    %mul3A_19 = arith.mulf %mul3A_18, %dot_general3A_9 : vector<256x3072xf32>
    %sub3A = arith.subf %add3A_16, %mul3A_19 : vector<256x3072xf32>
    %iota3A = tpu.iota {dimensions = array<i32: 1>} : vector<256x3072xi32>
    %iota3A_20 = tpu.iota {dimensions = array<i32: 1>} : vector<256x128xi32>
    %broadcast_in_dim3A_21 = arith.constant 0 : i32
    %broadcast_in_dim3A_22 = vector.broadcast %broadcast_in_dim3A_21 : i32 to vector<1x256x128xi32>
    %swap3A = arith.constant 0 : index
    %swap3A_23 = arith.constant 0 : index
    %swap3A_24 = arith.constant 0 : index
    %swap3A_25 = vector.load %arg3[%swap3A, %swap3A_23, %swap3A_24] : memref<1x256x128xi32, #tpu.memory_space<vmem>>, vector<1x256x128xi32>
    tpu.vector_store %arg3[%swap3A, %swap3A_23, %swap3A_24], %broadcast_in_dim3A_22 {strides = array<i32>} : memref<1x256x128xi32, #tpu.memory_space<vmem>>, vector<1x256x128xi32>,
    %get3A_26 = arith.constant 0 : index
    %get3A_27 = arith.constant 0 : index
    %get3A_28 = arith.constant 0 : index
    %get3A_29 = vector.load %arg3[%get3A_26, %get3A_27, %get3A_28] : memref<1x256x128xi32, #tpu.memory_space<vmem>>, vector<1x256x128xi32>
    %get3A_30 = vector.shape_cast %get3A_29 : vector<1x256x128xi32> to vector<256x128xi32>
    %scan3A = arith.constant 3073 : i32
    %scan3A_31 = arith.constant 0x7F800000 : f32
    %scan3A_32 = arith.constant 0 : i32
    %scan3A_33 = arith.constant 16 : i32
    %scan3A_34 = arith.addi %scan3A_32, %scan3A_33 : i32
    %scan3A_35 = arith.constant 1 : i32
    %scan3A_36:2 = scf.for %scan3A_44 = %scan3A_32 to %scan3A_34 step %scan3A_35 iter_args(%scan3A_45 = %sub3A, %scan3A_46 = %get3A_30) -> (vector<256x3072xf32>, vector<256x128xi32>)  : i32 {
      %reduce_min3A = arith.constant dense<0x7F800000> : vector<256xf32>
      %reduce_min3A_47 = vector.multi_reduction <minimumf>, %scan3A_45, %reduce_min3A [1] : vector<256x3072xf32> to vector<256xf32>
      %broadcast_in_dim3A_48 = vector.shape_cast %reduce_min3A_47 : vector<256xf32> to vector<256x1xf32>
      %eq3A = vector.broadcast %broadcast_in_dim3A_48 : vector<256x1xf32> to vector<256x3072xf32>
      %eq3A_49 = arith.cmpf oeq, %scan3A_45, %eq3A : vector<256x3072xf32>
      %broadcast_in_dim3A_50 = vector.broadcast %scan3A : i32 to vector<256x3072xi32>
      %select_n3A = arith.select %eq3A_49, %iota3A, %broadcast_in_dim3A_50 : vector<256x3072xi1>, vector<256x3072xi32>
      %reduce_min3A_51 = arith.constant dense<2147483647> : vector<256xi32>
      %reduce_min3A_52 = vector.multi_reduction <minsi>, %select_n3A, %reduce_min3A_51 [1] : vector<256x3072xi32> to vector<256xi32>
      %broadcast_in_dim3A_53 = vector.shape_cast %reduce_min3A_52 : vector<256xi32> to vector<256x1xi32>
      %eq3A_54 = vector.broadcast %scan3A_44 : i32 to vector<256x128xi32>
      %eq3A_55 = arith.cmpi eq, %iota3A_20, %eq3A_54 : vector<256x128xi32>
      %convert_element_type3A = arith.extui %eq3A_55 : vector<256x128xi1> to vector<256x128xi32>
      %mul3A_56 = vector.broadcast %broadcast_in_dim3A_53 : vector<256x1xi32> to vector<256x128xi32>
      %mul3A_57 = arith.muli %convert_element_type3A, %mul3A_56 : vector<256x128xi32>
      %add3A_58 = arith.addi %mul3A_57, %scan3A_46 : vector<256x128xi32>
      %eq3A_59 = vector.broadcast %broadcast_in_dim3A_53 : vector<256x1xi32> to vector<256x3072xi32>
      %eq3A_60 = arith.cmpi eq, %iota3A, %eq3A_59 : vector<256x3072xi32>
      %broadcast_in_dim3A_61 = vector.broadcast %scan3A_31 : f32 to vector<256x3072xf32>
      %select_n3A_62 = arith.select %eq3A_60, %broadcast_in_dim3A_61, %scan3A_45 : vector<256x3072xi1>, vector<256x3072xf32>
      scf.yield %select_n3A_62, %add3A_58 : vector<256x3072xf32>, vector<256x128xi32>
    }
    %scan3A_37 = arith.constant 16 : i32
    %swap3A_38 = arith.constant 0 : index
    %swap3A_39 = arith.constant 0 : index
    %swap3A_40 = arith.constant 0 : index
    %swap3A_41 = vector.load %arg3[%swap3A_38, %swap3A_39, %swap3A_40] : memref<1x256x128xi32, #tpu.memory_space<vmem>>, vector<1x256x128xi32>
    %swap3A_42 = vector.shape_cast %swap3A_41 : vector<1x256x128xi32> to vector<256x128xi32>
    %swap3A_43 = vector.shape_cast %scan3A_36#1 : vector<256x128xi32> to vector<1x256x128xi32>
    tpu.vector_store %arg3[%swap3A_38, %swap3A_39, %swap3A_40], %swap3A_43 {strides = array<i32>} : memref<1x256x128xi32, #tpu.memory_space<vmem>>, vector<1x256x128xi32>,
    return
  }
  func.func @transform_0(%arg0: i32) -> (i32, i32, i32) {
    %c0_i32 = arith.constant 0 : i32
    %c0_i32_0 = arith.constant 0 : i32
    %c0_i32_1 = arith.constant 0 : i32
    return %arg0, %c0_i32, %c0_i32_0 : i32, i32, i32
  }
  func.func @transform_1(%arg0: i32) -> (i32, i32, i32) {
    %jit3A = arith.constant 12 : i32
    %div3A = arith.divsi %arg0, %jit3A : i32
    %sign3A = arith.constant 0 : i32
    %sign3A_0 = arith.cmpi sgt, %arg0, %sign3A : i32
    %sign3A_1 = arith.extui %sign3A_0 : i1 to i32
    %sign3A_2 = arith.constant 0 : i32
    %sign3A_3 = arith.cmpi slt, %arg0, %sign3A_2 : i32
    %sign3A_4 = arith.extui %sign3A_3 : i1 to i32
    %sign3A_5 = arith.subi %sign3A_1, %sign3A_4 : i32
    %sign3A_6 = arith.constant 0 : i32
    %sign3A_7 = arith.cmpi sgt, %jit3A, %sign3A_6 : i32
    %sign3A_8 = arith.extui %sign3A_7 : i1 to i32
    %sign3A_9 = arith.constant 0 : i32
    %sign3A_10 = arith.cmpi slt, %jit3A, %sign3A_9 : i32
    %sign3A_11 = arith.extui %sign3A_10 : i1 to i32
    %sign3A_12 = arith.subi %sign3A_8, %sign3A_11 : i32
    %ne3A = arith.cmpi ne, %sign3A_5, %sign3A_12 : i32
    %rem3A = arith.remsi %arg0, %jit3A : i32
    %ne3A_13 = arith.constant 0 : i32
    %ne3A_14 = arith.cmpi ne, %rem3A, %ne3A_13 : i32
    %and3A = arith.andi %ne3A, %ne3A_14 : i1
    %sub3A = arith.constant 1 : i32
    %sub3A_15 = arith.subi %div3A, %sub3A : i32
    %select_n3A = arith.select %and3A, %sub3A_15, %div3A : i32
    %c0_i32 = arith.constant 0 : i32
    %c0_i32_16 = arith.constant 0 : i32
    %c0_i32_17 = arith.constant 0 : i32
    return %select_n3A, %c0_i32, %c0_i32_16 : i32, i32, i32
  }
  func.func @transform_2(%arg0: i32) -> (i32, i32, i32) {
    %c0_i32 = arith.constant 0 : i32
    %c0_i32_0 = arith.constant 0 : i32
    %c0_i32_1 = arith.constant 0 : i32
    return %arg0, %c0_i32, %c0_i32_0 : i32, i32, i32
  }
}

module attributes {stable_mosaic.version = 14 : i64} {
  func.func @_fps_body(%arg0: memref<8x3072xf32, #tpu.memory_space<vmem>>, %arg1: memref<8x3072xf32, #tpu.memory_space<vmem>>, %arg2: memref<8x3072xf32, #tpu.memory_space<vmem>>, %arg3: memref<8x3072xf32, #tpu.memory_space<vmem>>, %arg4: memref<8x128xi32, #tpu.memory_space<vmem>>) attributes {dimension_semantics = [], scalar_prefetch = 0 : i64, scratch_operands = 0 : i64, tpu.core_type = #tpu.core_type<tc>} {
    %get3A = arith.constant 0 : index
    %get3A_0 = arith.constant 0 : index
    %get3A_1 = vector.load %arg0[%get3A, %get3A_0] : memref<8x3072xf32, #tpu.memory_space<vmem>>, vector<8x3072xf32>
    %get3A_2 = arith.constant 0 : index
    %get3A_3 = arith.constant 0 : index
    %get3A_4 = vector.load %arg1[%get3A_2, %get3A_3] : memref<8x3072xf32, #tpu.memory_space<vmem>>, vector<8x3072xf32>
    %get3A_5 = arith.constant 0 : index
    %get3A_6 = arith.constant 0 : index
    %get3A_7 = vector.load %arg2[%get3A_5, %get3A_6] : memref<8x3072xf32, #tpu.memory_space<vmem>>, vector<8x3072xf32>
    %get3A_8 = arith.constant 0 : index
    %get3A_9 = arith.constant 0 : index
    %get3A_10 = vector.load %arg3[%get3A_8, %get3A_9] : memref<8x3072xf32, #tpu.memory_space<vmem>>, vector<8x3072xf32>
    %iota3A = tpu.iota {dimensions = array<i32: 1>} : vector<8x3072xi32>
    %iota3A_11 = tpu.iota {dimensions = array<i32: 1>} : vector<8x128xi32>
    %gt3A = arith.constant 5.000000e-01 : f32
    %gt3A_12 = vector.broadcast %gt3A : f32 to vector<8x3072xf32>
    %gt3A_13 = arith.cmpf ogt, %get3A_10, %gt3A_12 : vector<8x3072xf32>
    %jit3A = arith.constant 1.000000e+10 : f32
    %jit3A_14 = arith.constant -1.000000e+00 : f32
    %broadcast_in_dim3A = vector.broadcast %jit3A : f32 to vector<8x3072xf32>
    %broadcast_in_dim3A_15 = vector.broadcast %jit3A_14 : f32 to vector<8x3072xf32>
    %select_n3A = arith.select %gt3A_13, %broadcast_in_dim3A, %broadcast_in_dim3A_15 : vector<8x3072xi1>, vector<8x3072xf32>
    %broadcast_in_dim3A_16 = arith.constant 0 : i32
    %broadcast_in_dim3A_17 = vector.broadcast %broadcast_in_dim3A_16 : i32 to vector<8x1xi32>
    %broadcast_in_dim3A_18 = arith.constant 0 : i32
    %broadcast_in_dim3A_19 = vector.broadcast %broadcast_in_dim3A_18 : i32 to vector<8x128xi32>
    %swap3A = arith.constant 0 : index
    %swap3A_20 = arith.constant 0 : index
    %swap3A_21 = vector.load %arg4[%swap3A, %swap3A_20] : memref<8x128xi32, #tpu.memory_space<vmem>>, vector<8x128xi32>
    tpu.vector_store %arg4[%swap3A, %swap3A_20], %broadcast_in_dim3A_19 {strides = array<i32>} : memref<8x128xi32, #tpu.memory_space<vmem>>, vector<8x128xi32>,
    %get3A_22 = arith.constant 0 : index
    %get3A_23 = arith.constant 0 : index
    %get3A_24 = vector.load %arg4[%get3A_22, %get3A_23] : memref<8x128xi32, #tpu.memory_space<vmem>>, vector<8x128xi32>
    %scan3A = arith.constant 3073 : i32
    %scan3A_25 = arith.constant 0 : i32
    %scan3A_26 = arith.constant 128 : i32
    %scan3A_27 = arith.addi %scan3A_25, %scan3A_26 : i32
    %scan3A_28 = arith.constant 1 : i32
    %scan3A_29:3 = scf.for %scan3A_34 = %scan3A_25 to %scan3A_27 step %scan3A_28 iter_args(%scan3A_35 = %select_n3A, %scan3A_36 = %broadcast_in_dim3A_17, %scan3A_37 = %get3A_24) -> (vector<8x3072xf32>, vector<8x1xi32>, vector<8x128xi32>)  : i32 {
      %eq3A = vector.broadcast %scan3A_34 : i32 to vector<8x128xi32>
      %eq3A_38 = arith.cmpi eq, %iota3A_11, %eq3A : vector<8x128xi32>
      %convert_element_type3A = arith.extui %eq3A_38 : vector<8x128xi1> to vector<8x128xi32>
      %mul3A = vector.broadcast %scan3A_36 : vector<8x1xi32> to vector<8x128xi32>
      %mul3A_39 = arith.muli %convert_element_type3A, %mul3A : vector<8x128xi32>
      %add3A = arith.addi %mul3A_39, %scan3A_37 : vector<8x128xi32>
      %eq3A_40 = vector.broadcast %scan3A_36 : vector<8x1xi32> to vector<8x3072xi32>
      %eq3A_41 = arith.cmpi eq, %iota3A, %eq3A_40 : vector<8x3072xi32>
      %jit3A_42 = arith.constant 0.000000e+00 : f32
      %broadcast_in_dim3A_43 = vector.broadcast %jit3A_42 : f32 to vector<8x3072xf32>
      %select_n3A_44 = arith.select %eq3A_41, %get3A_1, %broadcast_in_dim3A_43 : vector<8x3072xi1>, vector<8x3072xf32>
      %reduce_sum3A = arith.constant dense<0.000000e+00> : vector<8xf32>
      %reduce_sum3A_45 = vector.multi_reduction <add>, %select_n3A_44, %reduce_sum3A [1] : vector<8x3072xf32> to vector<8xf32>
      %broadcast_in_dim3A_46 = vector.shape_cast %reduce_sum3A_45 : vector<8xf32> to vector<8x1xf32>
      %jit3A_47 = arith.constant 0.000000e+00 : f32
      %broadcast_in_dim3A_48 = vector.broadcast %jit3A_47 : f32 to vector<8x3072xf32>
      %select_n3A_49 = arith.select %eq3A_41, %get3A_4, %broadcast_in_dim3A_48 : vector<8x3072xi1>, vector<8x3072xf32>
      %reduce_sum3A_50 = arith.constant dense<0.000000e+00> : vector<8xf32>
      %reduce_sum3A_51 = vector.multi_reduction <add>, %select_n3A_49, %reduce_sum3A_50 [1] : vector<8x3072xf32> to vector<8xf32>
      %broadcast_in_dim3A_52 = vector.shape_cast %reduce_sum3A_51 : vector<8xf32> to vector<8x1xf32>
      %jit3A_53 = arith.constant 0.000000e+00 : f32
      %broadcast_in_dim3A_54 = vector.broadcast %jit3A_53 : f32 to vector<8x3072xf32>
      %select_n3A_55 = arith.select %eq3A_41, %get3A_7, %broadcast_in_dim3A_54 : vector<8x3072xi1>, vector<8x3072xf32>
      %reduce_sum3A_56 = arith.constant dense<0.000000e+00> : vector<8xf32>
      %reduce_sum3A_57 = vector.multi_reduction <add>, %select_n3A_55, %reduce_sum3A_56 [1] : vector<8x3072xf32> to vector<8xf32>
      %broadcast_in_dim3A_58 = vector.shape_cast %reduce_sum3A_57 : vector<8xf32> to vector<8x1xf32>
      %sub3A = vector.broadcast %broadcast_in_dim3A_46 : vector<8x1xf32> to vector<8x3072xf32>
      %sub3A_59 = arith.subf %get3A_1, %sub3A : vector<8x3072xf32>
      %integer_pow3A = arith.mulf %sub3A_59, %sub3A_59 : vector<8x3072xf32>
      %sub3A_60 = vector.broadcast %broadcast_in_dim3A_52 : vector<8x1xf32> to vector<8x3072xf32>
      %sub3A_61 = arith.subf %get3A_4, %sub3A_60 : vector<8x3072xf32>
      %integer_pow3A_62 = arith.mulf %sub3A_61, %sub3A_61 : vector<8x3072xf32>
      %add3A_63 = arith.addf %integer_pow3A, %integer_pow3A_62 : vector<8x3072xf32>
      %sub3A_64 = vector.broadcast %broadcast_in_dim3A_58 : vector<8x1xf32> to vector<8x3072xf32>
      %sub3A_65 = arith.subf %get3A_7, %sub3A_64 : vector<8x3072xf32>
      %integer_pow3A_66 = arith.mulf %sub3A_65, %sub3A_65 : vector<8x3072xf32>
      %add3A_67 = arith.addf %add3A_63, %integer_pow3A_66 : vector<8x3072xf32>
      %min3A = arith.minimumf %scan3A_35, %add3A_67 : vector<8x3072xf32>
      %reduce_max3A = arith.constant dense<0xFF800000> : vector<8xf32>
      %reduce_max3A_68 = vector.multi_reduction <maximumf>, %min3A, %reduce_max3A [1] : vector<8x3072xf32> to vector<8xf32>
      %broadcast_in_dim3A_69 = vector.shape_cast %reduce_max3A_68 : vector<8xf32> to vector<8x1xf32>
      %eq3A_70 = vector.broadcast %broadcast_in_dim3A_69 : vector<8x1xf32> to vector<8x3072xf32>
      %eq3A_71 = arith.cmpf oeq, %min3A, %eq3A_70 : vector<8x3072xf32>
      %broadcast_in_dim3A_72 = vector.broadcast %scan3A : i32 to vector<8x3072xi32>
      %select_n3A_73 = arith.select %eq3A_71, %iota3A, %broadcast_in_dim3A_72 : vector<8x3072xi1>, vector<8x3072xi32>
      %reduce_min3A = arith.constant dense<2147483647> : vector<8xi32>
      %reduce_min3A_74 = vector.multi_reduction <minsi>, %select_n3A_73, %reduce_min3A [1] : vector<8x3072xi32> to vector<8xi32>
      %broadcast_in_dim3A_75 = vector.shape_cast %reduce_min3A_74 : vector<8xi32> to vector<8x1xi32>
      scf.yield %min3A, %broadcast_in_dim3A_75, %add3A : vector<8x3072xf32>, vector<8x1xi32>, vector<8x128xi32>
    }
    %scan3A_30 = arith.constant 128 : i32
    %swap3A_31 = arith.constant 0 : index
    %swap3A_32 = arith.constant 0 : index
    %swap3A_33 = vector.load %arg4[%swap3A_31, %swap3A_32] : memref<8x128xi32, #tpu.memory_space<vmem>>, vector<8x128xi32>
    tpu.vector_store %arg4[%swap3A_31, %swap3A_32], %scan3A_29#2 {strides = array<i32>} : memref<8x128xi32, #tpu.memory_space<vmem>>, vector<8x128xi32>,
    return
  }
}

module {
  func.func @main(%arg0: i32, %arg1: i32, %arg2: i32, %arg3: i32, %arg4: memref<1x1x1536x1536xf32, #tpu.memory_space<vmem>>, %arg5: memref<1x1x1536x32xf32, #tpu.memory_space<vmem>>, %arg6: memref<1x1x1536x32xf32, #tpu.memory_space<vmem>>, %arg7: memref<1x1x1536x1xf32, #tpu.memory_space<vmem>>, %arg8: memref<1x1x1536x1xf32, #tpu.memory_space<vmem>>) attributes {dimension_semantics = [#tpu.dimension_semantics<parallel>, #tpu.dimension_semantics<parallel>, #tpu.dimension_semantics<parallel>, #tpu.dimension_semantics<arbitrary>], iteration_bounds = array<i64: 2, 4, 2, 2>, scratch_operands = 2 : i64, window_params = [{transform_indices = @qk_fn, window_bounds = array<i64: 1, 1, 1536, 1536>}, {transform_indices = @v_fn, window_bounds = array<i64: 1, 1, 1536, 32>}, {transform_indices = @oi_fn, window_bounds = array<i64: 1, 1, 1536, 32>}]} {
    %c0 = arith.constant 0 : index
    %c0_i32 = arith.constant 0 : i32
    %0 = arith.cmpi eq, %c0_i32, %arg3 : i32
    scf.if %0 {
      %cst_3 = arith.constant dense<0.000000e+00> : vector<1x1x1536x32xf32>
      vector.store %cst_3, %arg6[%c0, %c0, %c0, %c0] : memref<1x1x1536x32xf32, #tpu.memory_space<vmem>>, vector<1x1x1536x32xf32>
      %cst_4 = arith.constant dense<0xFF800000> : vector<1x1x1536x1xf32>
      vector.store %cst_4, %arg7[%c0, %c0, %c0, %c0] : memref<1x1x1536x1xf32, #tpu.memory_space<vmem>>, vector<1x1x1536x1xf32>
      %cst_5 = arith.constant dense<0.000000e+00> : vector<1x1x1536x1xf32>
      vector.store %cst_5, %arg8[%c0, %c0, %c0, %c0] : memref<1x1x1536x1xf32, #tpu.memory_space<vmem>>, vector<1x1x1536x1xf32>
    }
    %1 = vector.load %arg4[%c0, %c0, %c0, %c0] : memref<1x1x1536x1536xf32, #tpu.memory_space<vmem>>, vector<1x1x1536x1536xf32>
    %cst = arith.constant dense<0xFF800000> : vector<1x1x1536xf32>
    %2 = vector.multi_reduction <maximumf>, %1, %cst [3] : vector<1x1x1536x1536xf32> to vector<1x1x1536xf32>
    %3 = vector.shape_cast %2 : vector<1x1x1536xf32> to vector<1x1x1536x1xf32>
    %4 = vector.load %arg7[%c0, %c0, %c0, %c0] : memref<1x1x1536x1xf32, #tpu.memory_space<vmem>>, vector<1x1x1536x1xf32>
    %5 = arith.maximumf %4, %3 : vector<1x1x1536x1xf32>
    %cst_0 = arith.constant dense<0.000000e+00> : vector<1x1x1536x1xf32>
    %6 = arith.cmpf oeq, %4, %5 : vector<1x1x1536x1xf32>
    %7 = arith.subf %4, %5 : vector<1x1x1536x1xf32>
    %8 = arith.select %6, %cst_0, %7 : vector<1x1x1536x1xi1>, vector<1x1x1536x1xf32>
    %9 = vector.broadcast %5 : vector<1x1x1536x1xf32> to vector<1x1x1536x1536xf32>
    %10 = arith.subf %1, %9 : vector<1x1x1536x1536xf32>
    %11 = math.exp %10 : vector<1x1x1536x1536xf32>
    %cst_1 = arith.constant dense<0.000000e+00> : vector<1x1x1536xf32>
    %12 = vector.multi_reduction <add>, %11, %cst_1 [3] : vector<1x1x1536x1536xf32> to vector<1x1x1536xf32>
    %13 = vector.shape_cast %12 : vector<1x1x1536xf32> to vector<1x1x1536x1xf32>
    %14 = vector.load %arg8[%c0, %c0, %c0, %c0] : memref<1x1x1536x1xf32, #tpu.memory_space<vmem>>, vector<1x1x1536x1xf32>
    %15 = math.exp %8 : vector<1x1x1536x1xf32>
    %16 = arith.mulf %15, %14 : vector<1x1x1536x1xf32>
    %17 = arith.addf %16, %13 : vector<1x1x1536x1xf32>
    %18 = vector.load %arg6[%c0, %c0, %c0, %c0] : memref<1x1x1536x32xf32, #tpu.memory_space<vmem>>, vector<1x1x1536x32xf32>
    %19 = math.exp %8 : vector<1x1x1536x1xf32>
    %20 = arith.mulf %19, %14 : vector<1x1x1536x1xf32>
    %21 = vector.broadcast %20 : vector<1x1x1536x1xf32> to vector<1x1x1536x32xf32>
    %22 = arith.mulf %21, %18 : vector<1x1x1536x32xf32>
    %23 = vector.load %arg5[%c0, %c0, %c0, %c0] : memref<1x1x1536x32xf32, #tpu.memory_space<vmem>>, vector<1x1x1536x32xf32>
    %24 = vector.shape_cast %23 : vector<1x1x1536x32xf32> to vector<1536x32xf32>
    %25 = vector.shape_cast %11 : vector<1x1x1536x1536xf32> to vector<1536x1536xf32>
    %26 = vector.shape_cast %22 : vector<1x1x1536x32xf32> to vector<1536x32xf32>
    %27 = tpu.matmul %25, %24, %26 {dimension_numbers = #tpu.dot_dimension_numbers<[1], [0], [0], [1], [0, 0, 1, 1], [], []>, precision = #tpu.contract_precision<bf16>, transpose_lhs_hint = false} : vector<1536x1536xf32>, vector<1536x32xf32>, vector<1536x32xf32> -> vector<1536x32xf32>
    %28 = vector.shape_cast %27 : vector<1536x32xf32> to vector<1x1x1536x32xf32>
    %cst_2 = arith.constant dense<1.000000e+00> : vector<1x1x1536x1xf32>
    %29 = arith.divf %cst_2, %17 : vector<1x1x1536x1xf32>
    %30 = vector.broadcast %29 : vector<1x1x1536x1xf32> to vector<1x1x1536x32xf32>
    %31 = arith.mulf %28, %30 : vector<1x1x1536x32xf32>
    %32 = vector.shape_cast %31 : vector<1x1x1536x32xf32> to vector<1x1x1536x32xf32>
    vector.store %32, %arg6[%c0, %c0, %c0, %c0] : memref<1x1x1536x32xf32, #tpu.memory_space<vmem>>, vector<1x1x1536x32xf32>
    vector.store %5, %arg7[%c0, %c0, %c0, %c0] : memref<1x1x1536x1xf32, #tpu.memory_space<vmem>>, vector<1x1x1536x1xf32>
    vector.store %17, %arg8[%c0, %c0, %c0, %c0] : memref<1x1x1536x1xf32, #tpu.memory_space<vmem>>, vector<1x1x1536x1xf32>
    return
  }
  func.func @qk_fn(%arg0: i32, %arg1: i32, %arg2: i32, %arg3: i32) -> (i32, i32, i32, i32) {
    return %arg0, %arg1, %arg2, %arg3 : i32, i32, i32, i32
  }
  func.func @v_fn(%arg0: i32, %arg1: i32, %arg2: i32, %arg3: i32) -> (i32, i32, i32, i32) {
    %c0_i32 = arith.constant 0 : i32
    return %arg0, %arg1, %arg3, %c0_i32 : i32, i32, i32, i32
  }
  func.func @oi_fn(%arg0: i32, %arg1: i32, %arg2: i32, %arg3: i32) -> (i32, i32, i32, i32) {
    %c0_i32 = arith.constant 0 : i32
    return %arg0, %arg1, %arg2, %c0_i32 : i32, i32, i32, i32
  }
}

module attributes {stable_mosaic.version = 14 : i64} {
  func.func @_ballq_body(%arg0: i32, %arg1: memref<1x128x8xf32, #tpu.memory_space<vmem>>, %arg2: memref<1x8x3072xf32, #tpu.memory_space<vmem>>, %arg3: memref<1x128x128xi32, #tpu.memory_space<vmem>>) attributes {dimension_semantics = [#tpu.dimension_semantics<parallel>], iteration_bounds = array<i64: 2>, scalar_prefetch = 0 : i64, scratch_operands = 0 : i64, tpu.core_type = #tpu.core_type<tc>, window_params = [{transform_indices = @transform_0, window_bounds = array<i64: 1, 128, 8>}, {transform_indices = @transform_1, window_bounds = array<i64: 1, 8, 3072>}, {transform_indices = @transform_2, window_bounds = array<i64: 1, 128, 128>}]} {
    %get3A = arith.constant 0 : index
    %get3A_0 = arith.constant 0 : index
    %get3A_1 = arith.constant 0 : index
    %get3A_2 = vector.load %arg1[%get3A, %get3A_0, %get3A_1] : memref<1x128x8xf32, #tpu.memory_space<vmem>>, vector<1x128x8xf32>
    %get3A_3 = vector.shape_cast %get3A_2 : vector<1x128x8xf32> to vector<128x8xf32>
    %get3A_4 = arith.constant 0 : index
    %get3A_5 = arith.constant 0 : index
    %get3A_6 = arith.constant 0 : index
    %get3A_7 = vector.load %arg2[%get3A_4, %get3A_5, %get3A_6] : memref<1x8x3072xf32, #tpu.memory_space<vmem>>, vector<1x8x3072xf32>
    %get3A_8 = vector.shape_cast %get3A_7 : vector<1x8x3072xf32> to vector<8x3072xf32>
    %slice3A = vector.extract_strided_slice %get3A_3 {offsets = [0, 0], sizes = [128, 1], strides = [1, 1]} : vector<128x8xf32> to vector<128x1xf32>
    %slice3A_9 = vector.extract_strided_slice %get3A_8 {offsets = [0, 0], sizes = [1, 3072], strides = [1, 1]} : vector<8x3072xf32> to vector<1x3072xf32>
    %sub3A = vector.broadcast %slice3A : vector<128x1xf32> to vector<128x3072xf32>
    %sub3A_10 = vector.broadcast %slice3A_9 : vector<1x3072xf32> to vector<128x3072xf32>
    %sub3A_11 = arith.subf %sub3A, %sub3A_10 : vector<128x3072xf32>
    %slice3A_12 = vector.extract_strided_slice %get3A_3 {offsets = [0, 1], sizes = [128, 1], strides = [1, 1]} : vector<128x8xf32> to vector<128x1xf32>
    %slice3A_13 = vector.extract_strided_slice %get3A_8 {offsets = [1, 0], sizes = [1, 3072], strides = [1, 1]} : vector<8x3072xf32> to vector<1x3072xf32>
    %sub3A_14 = vector.broadcast %slice3A_12 : vector<128x1xf32> to vector<128x3072xf32>
    %sub3A_15 = vector.broadcast %slice3A_13 : vector<1x3072xf32> to vector<128x3072xf32>
    %sub3A_16 = arith.subf %sub3A_14, %sub3A_15 : vector<128x3072xf32>
    %slice3A_17 = vector.extract_strided_slice %get3A_3 {offsets = [0, 2], sizes = [128, 1], strides = [1, 1]} : vector<128x8xf32> to vector<128x1xf32>
    %slice3A_18 = vector.extract_strided_slice %get3A_8 {offsets = [2, 0], sizes = [1, 3072], strides = [1, 1]} : vector<8x3072xf32> to vector<1x3072xf32>
    %sub3A_19 = vector.broadcast %slice3A_17 : vector<128x1xf32> to vector<128x3072xf32>
    %sub3A_20 = vector.broadcast %slice3A_18 : vector<1x3072xf32> to vector<128x3072xf32>
    %sub3A_21 = arith.subf %sub3A_19, %sub3A_20 : vector<128x3072xf32>
    %mul3A = arith.mulf %sub3A_11, %sub3A_11 : vector<128x3072xf32>
    %mul3A_22 = arith.mulf %sub3A_16, %sub3A_16 : vector<128x3072xf32>
    %add3A = arith.addf %mul3A, %mul3A_22 : vector<128x3072xf32>
    %mul3A_23 = arith.mulf %sub3A_21, %sub3A_21 : vector<128x3072xf32>
    %add3A_24 = arith.addf %add3A, %mul3A_23 : vector<128x3072xf32>
    %iota3A = tpu.iota {dimensions = array<i32: 1>} : vector<128x3072xi32>
    %iota3A_25 = tpu.iota {dimensions = array<i32: 1>} : vector<128x128xi32>
    %gt3A = arith.constant 1.600000e-01 : f32
    %gt3A_26 = vector.broadcast %gt3A : f32 to vector<128x3072xf32>
    %gt3A_27 = arith.cmpf ogt, %add3A_24, %gt3A_26 : vector<128x3072xf32>
    %jit3A = arith.constant 3072 : i32
    %broadcast_in_dim3A = vector.broadcast %jit3A : i32 to vector<128x3072xi32>
    %select_n3A = arith.select %gt3A_27, %broadcast_in_dim3A, %iota3A : vector<128x3072xi1>, vector<128x3072xi32>
    %broadcast_in_dim3A_28 = arith.constant 0 : i32
    %broadcast_in_dim3A_29 = vector.broadcast %broadcast_in_dim3A_28 : i32 to vector<1x128x128xi32>
    %swap3A = arith.constant 0 : index
    %swap3A_30 = arith.constant 0 : index
    %swap3A_31 = arith.constant 0 : index
    %swap3A_32 = vector.load %arg3[%swap3A, %swap3A_30, %swap3A_31] : memref<1x128x128xi32, #tpu.memory_space<vmem>>, vector<1x128x128xi32>
    tpu.vector_store %arg3[%swap3A, %swap3A_30, %swap3A_31], %broadcast_in_dim3A_29 {strides = array<i32>} : memref<1x128x128xi32, #tpu.memory_space<vmem>>, vector<1x128x128xi32>,
    %get3A_33 = arith.constant 0 : index
    %get3A_34 = arith.constant 0 : index
    %get3A_35 = arith.constant 0 : index
    %get3A_36 = vector.load %arg3[%get3A_33, %get3A_34, %get3A_35] : memref<1x128x128xi32, #tpu.memory_space<vmem>>, vector<1x128x128xi32>
    %get3A_37 = vector.shape_cast %get3A_36 : vector<1x128x128xi32> to vector<128x128xi32>
    %scan3A = arith.constant 3072 : i32
    %scan3A_38 = arith.constant 0 : i32
    %scan3A_39 = arith.constant 64 : i32
    %scan3A_40 = arith.addi %scan3A_38, %scan3A_39 : i32
    %scan3A_41 = arith.constant 1 : i32
    %scan3A_42:2 = scf.for %scan3A_57 = %scan3A_38 to %scan3A_40 step %scan3A_41 iter_args(%scan3A_58 = %select_n3A, %scan3A_59 = %get3A_37) -> (vector<128x3072xi32>, vector<128x128xi32>)  : i32 {
      %reduce_min3A = arith.constant dense<2147483647> : vector<128xi32>
      %reduce_min3A_60 = vector.multi_reduction <minsi>, %scan3A_58, %reduce_min3A [1] : vector<128x3072xi32> to vector<128xi32>
      %broadcast_in_dim3A_61 = vector.shape_cast %reduce_min3A_60 : vector<128xi32> to vector<128x1xi32>
      %eq3A = vector.broadcast %scan3A_57 : i32 to vector<128x128xi32>
      %eq3A_62 = arith.cmpi eq, %iota3A_25, %eq3A : vector<128x128xi32>
      %convert_element_type3A_63 = arith.extui %eq3A_62 : vector<128x128xi1> to vector<128x128xi32>
      %mul3A_64 = vector.broadcast %broadcast_in_dim3A_61 : vector<128x1xi32> to vector<128x128xi32>
      %mul3A_65 = arith.muli %convert_element_type3A_63, %mul3A_64 : vector<128x128xi32>
      %add3A_66 = arith.addi %mul3A_65, %scan3A_59 : vector<128x128xi32>
      %eq3A_67 = vector.broadcast %broadcast_in_dim3A_61 : vector<128x1xi32> to vector<128x3072xi32>
      %eq3A_68 = arith.cmpi eq, %scan3A_58, %eq3A_67 : vector<128x3072xi32>
      %add3A_69 = arith.constant 1 : i32
      %add3A_70 = arith.addi %scan3A, %add3A_69 : i32
      %broadcast_in_dim3A_71 = vector.broadcast %add3A_70 : i32 to vector<128x3072xi32>
      %select_n3A_72 = arith.select %eq3A_68, %broadcast_in_dim3A_71, %scan3A_58 : vector<128x3072xi1>, vector<128x3072xi32>
      scf.yield %select_n3A_72, %add3A_66 : vector<128x3072xi32>, vector<128x128xi32>
    }
    %scan3A_43 = arith.constant 64 : i32
    %slice3A_44 = vector.extract_strided_slice %scan3A_42#1 {offsets = [0, 0], sizes = [128, 1], strides = [1, 1]} : vector<128x128xi32> to vector<128x1xi32>
    %ge3A = arith.constant 3072 : i32
    %ge3A_45 = vector.broadcast %ge3A : i32 to vector<128x128xi32>
    %ge3A_46 = arith.cmpi sge, %scan3A_42#1, %ge3A_45 : vector<128x128xi32>
    %convert_element_type3A = arith.extui %ge3A_46 : vector<128x128xi1> to vector<128x128xi32>
    %sub3A_47 = vector.broadcast %slice3A_44 : vector<128x1xi32> to vector<128x128xi32>
    %sub3A_48 = arith.subi %scan3A_42#1, %sub3A_47 : vector<128x128xi32>
    %mul3A_49 = arith.muli %convert_element_type3A, %sub3A_48 : vector<128x128xi32>
    %sub3A_50 = arith.subi %scan3A_42#1, %mul3A_49 : vector<128x128xi32>
    %swap3A_51 = arith.constant 0 : index
    %swap3A_52 = arith.constant 0 : index
    %swap3A_53 = arith.constant 0 : index
    %swap3A_54 = vector.load %arg3[%swap3A_51, %swap3A_52, %swap3A_53] : memref<1x128x128xi32, #tpu.memory_space<vmem>>, vector<1x128x128xi32>
    %swap3A_55 = vector.shape_cast %swap3A_54 : vector<1x128x128xi32> to vector<128x128xi32>
    %swap3A_56 = vector.shape_cast %sub3A_50 : vector<128x128xi32> to vector<1x128x128xi32>
    tpu.vector_store %arg3[%swap3A_51, %swap3A_52, %swap3A_53], %swap3A_56 {strides = array<i32>} : memref<1x128x128xi32, #tpu.memory_space<vmem>>, vector<1x128x128xi32>,
    return
  }
  func.func @transform_0(%arg0: i32) -> (i32, i32, i32) {
    %c0_i32 = arith.constant 0 : i32
    %c0_i32_0 = arith.constant 0 : i32
    %c0_i32_1 = arith.constant 0 : i32
    return %arg0, %c0_i32, %c0_i32_0 : i32, i32, i32
  }
  func.func @transform_1(%arg0: i32) -> (i32, i32, i32) {
    %jit3A = arith.constant 1 : i32
    %div3A = arith.divsi %arg0, %jit3A : i32
    %sign3A = arith.constant 0 : i32
    %sign3A_0 = arith.cmpi sgt, %arg0, %sign3A : i32
    %sign3A_1 = arith.extui %sign3A_0 : i1 to i32
    %sign3A_2 = arith.constant 0 : i32
    %sign3A_3 = arith.cmpi slt, %arg0, %sign3A_2 : i32
    %sign3A_4 = arith.extui %sign3A_3 : i1 to i32
    %sign3A_5 = arith.subi %sign3A_1, %sign3A_4 : i32
    %sign3A_6 = arith.constant 0 : i32
    %sign3A_7 = arith.cmpi sgt, %jit3A, %sign3A_6 : i32
    %sign3A_8 = arith.extui %sign3A_7 : i1 to i32
    %sign3A_9 = arith.constant 0 : i32
    %sign3A_10 = arith.cmpi slt, %jit3A, %sign3A_9 : i32
    %sign3A_11 = arith.extui %sign3A_10 : i1 to i32
    %sign3A_12 = arith.subi %sign3A_8, %sign3A_11 : i32
    %ne3A = arith.cmpi ne, %sign3A_5, %sign3A_12 : i32
    %rem3A = arith.remsi %arg0, %jit3A : i32
    %ne3A_13 = arith.constant 0 : i32
    %ne3A_14 = arith.cmpi ne, %rem3A, %ne3A_13 : i32
    %and3A = arith.andi %ne3A, %ne3A_14 : i1
    %sub3A = arith.constant 1 : i32
    %sub3A_15 = arith.subi %div3A, %sub3A : i32
    %select_n3A = arith.select %and3A, %sub3A_15, %div3A : i32
    %c0_i32 = arith.constant 0 : i32
    %c0_i32_16 = arith.constant 0 : i32
    %c0_i32_17 = arith.constant 0 : i32
    return %select_n3A, %c0_i32, %c0_i32_16 : i32, i32, i32
  }
  func.func @transform_2(%arg0: i32) -> (i32, i32, i32) {
    %c0_i32 = arith.constant 0 : i32
    %c0_i32_0 = arith.constant 0 : i32
    %c0_i32_1 = arith.constant 0 : i32
    return %arg0, %c0_i32, %c0_i32_0 : i32, i32, i32
  }
}

</mosaic_0001>

<sc_bundles>
// kernel: kernel.12.cloned.1.call-start
scs
__scs_entry_jumppad:
0x0: {  	(pc) =	sbr.rel $0x88, $3  }
0x1: {  	(tag) =	ssettag $0x0;
	lr =	simm.s32 $0x1  }
0x2: {  	[smem:$0x3F4E] =	sst lr;
	_ =	strace $0xD0000000  }
0x3: {  	_ = 	snop  }
0x4: {  	_ = 	snop  }
0x5: {  	_ = 	snop  }
0x6: {  	_ = 	snop  }
0x7: {  	_ = 	snop  }
__scs_overlays_trampoline_lowered:
0x8: {  	[smem:$0x3F5D] =	sst s0  }
0x9: {  	[smem:$0x3F5E] =	sst s1  }
0xa: {  	[smem:$0x3F5F] =	sst s2  }
0xb: {  	[smem:$0x3F60] =	sst s3  }
0xc: {  	[smem:$0x3F61] =	sst s4  }
0xd: {  	[smem:$0x3F62] =	sst s5  }
0xe: {  	[smem:$0x3F63] =	sst s6  }
0xf: {  	[smem:$0x3F64] =	sst s7  }
0x10: {  	[smem:$0x3F65] =	sst s8  }
0x11: {  	[smem:$0x3F66] =	sst s9;
	s0 =	simm.s32 @!p0 $0x0  }
0x12: {  	s1 =	sld [smem:$0x3F4C];
	s0 =	simm.s32 @p0 $0x1  }
0x13: {  	[smem:$0x3F67] =	sst s0;
	s0 =	simm.s32 @!p1 $0x0  }
0x14: {  	s2 =	sld [smem:$0x3F4B];
	s0 =	simm.s32 @p1 $0x1  }
0x15: {  	[smem:$0x3F68] =	sst s0;
	s0 =	simm.s32 @!p2 $0x0  }
0x16: {  	s3 =	sld [smem:$0x3FDB];
	s0 =	simm.s32 @p2 $0x1  }
0x17: {  	s4 =	simm.s32 $0x1BF5;
	[smem:$0x3F6A] =	sst s0  }
0x18: {  	s0 =	sld [smem:$0x3F4D];
	_ =	swait.ge [sflag:s4], $0x0  }
0x19: {  	s7 =	sld [smem:$0x3F4E]  }
0x1a: {  	s8 =	sadd.s32 $0xFFFFE003, lr  }
0x1b: {  	s9 =	sadd.s32 $0xFFFFFEF7, lr;
	s5 =	simm.s32 $0xFFFFFFFF;
	p2 =	slt.u32 s8, $0xFFFFF086  }
0x1c: {  	p1 =	slt.u32 s9, $0xF7A;
	s5 =	simm.s32 @!p2 $0x0  }
0x1d: {  	s5 =	simm.s32 @p1 $0x1;
	p0 =	seq.s32 s7, s2  }
0x1e: {  	s7 =	smul.u32 @!p0 $0xF7A, s2;
	p2 =	seq.s32 @!p0 s5, $0x0  }
0x1f: {  	s9 =	smul.u32 $0xF7A, s1;
	s8 =	simm.s32 @!p0 $0x1BF5;
	p2 =	por !p2, p0  }
0x20: {  	[sflag:s8] =	ssyncset.s32 @!p0 $0xFFFFF086;
	s6 =	sadd.s32 @!p0 s3, s7;
	s7 =	simm.s32 @!p0 $0x108  }
0x21: {  	s3 =	sadd.s32 s3, s9;
	s6 =	sadd.s32 @!p0 $0x88, s6;
	s7 =	simm.s32 @p2 $0x1082  }
0x22: {  	[simem:s7], [sflag:s8] =	dma.local @!p0 [hbm:s6], $0xF7A  }
0x23: {  	s9 =	sor.u32 $0xD0000000, s2;
	s6 =	simm.s32 $0x108;
	_ =	swait.ge @!p0 [sflag:s8], $0x0  }
0x24: {  	s3 =	sadd.s32 $0x88, s3;
	s6 =	simm.s32 @!p1 $0x1082;
	[sflag:s4] =	ssyncset.s32 $0xFFFFF086  }
0x25: {  	[simem:s6], [sflag:s4] =	dma.local [hbm:s3], $0xF7A  }
0x26: {  	[smem:$0x3F4E] =	sst s1;
	(tag) =	ssettag s2;
	_ =	strace s9  }
0x27: {  	s1 =	sld [smem:$0x3F5E]  }
0x28: {  	s2 =	sld [smem:$0x3F5F]  }
0x29: {  	s4 =	sld [smem:$0x3F61]  }
0x2a: {  	p0 =	seq.s32 s5, $0x0;
	s5 =	sld [smem:$0x3F62]  }
0x2b: {  	s6 =	sld [smem:$0x3F63]  }
0x2c: {  	s7 =	sld [smem:$0x3F64]  }
0x2d: {  	s3 =	simm.s32 $0x108;
	s8 =	sld [smem:$0x3F65]  }
0x2e: {  	s3 =	simm.s32 @!p0 $0x1082;
	s9 =	sld [smem:$0x3F66]  }
0x2f: {  	lr =	sadd.s32 s0, s3;
	s0 =	sld [smem:$0x3F5D]  }
0x30: {  	s3 =	sld [smem:$0x3F60]  }
0x31: {  	[smem:$0x3F69] =	sst s10  }
0x32: {  	s10 =	sld [smem:$0x3F67];
	_ =	sdelay $0x3  }
0x33: {  	p0 =	seq.s32 s10, $0x1;
	s10 =	sld [smem:$0x3F69];
	_ =	sdelay $0x3  }
0x34: {  	[smem:$0x3F69] =	sst s10  }
0x35: {  	s10 =	sld [smem:$0x3F68];
	_ =	sdelay $0x3  }
0x36: {  	p1 =	seq.s32 s10, $0x1;
	s10 =	sld [smem:$0x3F69];
	_ =	sdelay $0x3  }
0x37: {  	[smem:$0x3F69] =	sst s10  }
0x38: {  	s10 =	sld [smem:$0x3F6A]  }
0x39: {  	_ = 	snop;
	(pc) =	sbr.ind lr, $3  }
0x3a: {  	_ = 	snop  }
0x3b: {  	_ = 	snop  }
0x3c: {  	p2 =	seq.s32 s10, $0x1;
	s10 =	sld [smem:$0x3F69]  }
0x3d: {  	_ =	shalt  }
0x3e: {  	_ =	shalt  }
0x3f: {  	_ =	shalt  }
0x40: {  	_ =	shalt  }
0x41: {  	_ =	shalt  }
0x42: {  	_ =	shalt  }
0x43: {  	_ =	shalt  }
0x44: {  	_ =	shalt  }
0x45: {  	_ =	shalt  }
0x46: {  	_ =	shalt  }
0x47: {  	_ =	shalt  }
0x48: {  	_ =	shalt  }
0x49: {  	_ =	shalt  }
0x4a: {  	_ =	shalt  }
0x4b: {  	_ =	shalt  }
0x4c: {  	_ =	shalt  }
0x4d: {  	_ =	shalt  }
0x4e: {  	_ =	shalt  }
0x4f: {  	_ =	shalt  }
0x50: {  	_ =	shalt  }
0x51: {  	_ =	shalt  }
0x52: {  	_ =	shalt  }
0x53: {  	_ =	shalt  }
0x54: {  	_ =	shalt  }
0x55: {  	_ =	shalt  }
0x56: {  	_ =	shalt  }
0x57: {  	_ =	shalt  }
0x58: {  	_ =	shalt  }
0x59: {  	_ =	shalt  }
0x5a: {  	_ =	shalt  }
0x5b: {  	_ =	shalt  }
0x5c: {  	_ =	shalt  }
0x5d: {  	_ =	shalt  }
0x5e: {  	_ =	shalt  }
0x5f: {  	_ =	shalt  }
0x60: {  	_ =	shalt  }
0x61: {  	_ =	shalt  }
0x62: {  	_ =	shalt  }
0x63: {  	_ =	shalt  }
0x64: {  	_ =	shalt  }
0x65: {  	_ =	shalt  }
0x66: {  	_ =	shalt  }
0x67: {  	_ =	shalt  }
0x68: {  	_ =	shalt  }
0x69: {  	_ =	shalt  }
0x6a: {  	_ =	shalt  }
0x6b: {  	_ =	shalt  }
0x6c: {  	_ =	shalt  }
0x6d: {  	_ =	shalt  }
0x6e: {  	_ =	shalt  }
0x6f: {  	_ =	shalt  }
0x70: {  	_ =	shalt  }
0x71: {  	_ =	shalt  }
0x72: {  	_ =	shalt  }
0x73: {  	_ =	shalt  }
0x74: {  	_ =	shalt  }
0x75: {  	_ =	shalt  }
0x76: {  	_ =	shalt  }
0x77: {  	_ =	shalt  }
0x78: {  	_ =	shalt  }
0x79: {  	_ =	shalt  }
0x7a: {  	_ =	shalt  }
0x7b: {  	_ =	shalt  }
0x7c: {  	_ =	shalt  }
0x7d: {  	_ =	shalt  }
0x7e: {  	_ =	shalt  }
0x7f: {  	_ =	shalt  }
0x80: {  	_ =	shalt  }
0x81: {  	_ =	shalt  }
0x82: {  	_ =	shalt  }
0x83: {  	_ =	shalt  }
0x84: {  	_ =	shalt  }
0x85: {  	_ =	shalt  }
0x86: {  	_ =	shalt  }
0x87: {  	_ =	shalt  }
.Lfunc_end0:
.L_simem_size_0:
called_computation_lowered:
.L_overlay_start_0:
0x88: {  	s2 =	sld [smem:$0x3FD9]  }
0x89: {  	s3 =	sld [smem:$0x3FFE];
	_ =	sdelay $0x1  }
0x8a: {  	s1 =	srdreg.scid  }
0x8b: {  	s0 =	sand.u32 $0x1, s1  }
0x8c: {  	s16 =	sshll.u32 s0, $0xA;
	s2 =	sadd.s32 s3, s2  }
0x8d: {  	s2 =	sadd.s32 s2, s16  }
0x8e: {  	[smem:$0x3F75] =	sst s2  }
0x8f: {  	_ = 	snop  }
0x90: {  	(tm) =	ssettm $0x1  }
0x91: {  	s17 =	sld [smem:$0x3FFB];
	_ =	sdelay $0x3  }
0x92: {  	_ =	strace s17  }
0x93: {  	s2 =	sld [smem:$0x3FFC];
	_ =	sdelay $0x3  }
0x94: {  	_ =	strace s2  }
0x95: {  	s2 =	sld [smem:$0x3FFD];
	_ =	sdelay $0x3  }
0x96: {  	_ =	strace s2  }
0x97: {  	_ =	strace $0x8FFFFFFF  }
0x98: {  	s18 =	sld [smem:$0x3FDB];
	_ =	sdelay $0x1  }
0x99: {  	s19 =	simm.s32 $_scs_section_size  }
0x9a: {  	s4 =	simm.s32 $_size__tile_overlayer_lowered;
	s5 =	simm.s32 $_tile_overlayer_lowered  }
0x9b: {  	s22 =	simm.s32 $0x1BFF;
	s21 =	sshll.u32 s5, $0x1;
	s2 =	sadd.s32 s19, s18  }
0x9c: {  	s6 =	simm.s32 $0x0;
	s20 =	sshll.u32 s4, $0x1;
	s4 =	sadd.s32 s21, s2  }
0x9d: {  	[timem:s6], [sflag:s22] =	dma.local [hbm:s4], s20  }
0x9e: {  	_ =	swait.ge [sflag:s22], s20  }
0x9f: {  	s3 =	ssub.s32 $0x0, s20;
	[sflag:s22] =	ssyncset.done $0x0  }
0xa0: {  	[sflag:s22] =	ssyncadd.s32 s3;
	_ =	sdelay $0x1  }
0xa1: {  	s23 =	simm.s32 $0x1B8B  }
0xa2: {  	_ =	swait.ge [sflag:s23], $0x1  }
0xa3: {  	[sflag:s23] =	ssyncset.done $0x0  }
0xa4: {  	s25 =	simm.s32 $0x1B8E;
	s24 =	sld [smem:$0x3FFE];
	[sflag:s23] =	ssyncadd.s32 $0xFFFFFFFF  }
0xa5: {  	s26 =	simm.s32 $execute0_lowered;
	[smem:$0x3FD2] =	sst s25  }
0xa6: {  	s4 =	sshll.u32 s26, $0x1;
	_ =	strace $0x80000046;
	[dreg:$0x1] =	wrdreg $0xFFFFFFFF  }
0xa7: {  	s28 =	simm.s32 $_size_execute0_lowered;
	s2 =	sadd.s32 s2, s4;
	[dreg:$0x0] =	wrdreg $0x0  }
0xa8: {  	s4 =	sshll.u32 s28, $0x1;
	[dreg:$0x2] =	wrdreg s2  }
0xa9: {  	[dreg:$0x3] =	wrdreg s4  }
0xaa: {  	[dreg:$0x4] =	wrdreg $0xC0  }
0xab: {  	_ =	task [dreg:s6], $0x5FFFF  }
0xac: {  	[dreg:$0x1] =	wrdreg $0xFFFFFFFF  }
0xad: {  	[dreg:$0x0] =	wrdreg $0x60  }
0xae: {  	[dreg:$0x2] =	wrdreg s24  }
0xaf: {  	[dreg:$0x3] =	wrdreg $0x9  }
0xb0: {  	_ =	task.clear_ibuf [dreg:s6], $0x4FFFF;
	_ =	strace $0x90000046  }
0xb1: {  	s29 =	simm.s32 $0x9;
	_ =	strace $0x80000048  }
0xb2: {  	_ =	swait.ge [sflag:s29], $0x1  }
0xb3: {  	[sflag:s29] =	ssyncadd.s32 $0xFFFFFFFF  }
0xb4: {  	_ =	strace $0x90000048  }
0xb5: {  	_ =	sfence  }
0xb6: {  	s30 =	sld [smem:$0x0];
	_ =	sdelay $0x2  }
0xb7: {  	s31 =	sshll.u32 s1, $0xD;
	s1 =	sshrl.u32 s1, $0x2  }
0xb8: {  	s3 =	sand.u32 $0x4000, s31;
	s1 =	sadd.s32 s1, s30  }
0xb9: {  	s0 =	sor.u32 s3, s0;
	s1 =	sshll.u32 s1, $0x11  }
0xba: {  	s0 =	sor.u32 s1, s0  }
0xbb: {  	s0 =	sadd.s32 $0x8F2B, s0  }
0xbc: {  	[sflag:s0] =	ssyncadd.remote.s32 $0x1  }
0xbd: {  	_ =	sfence.sel $0xFFFF  }
0xbe: {  	[dreg:$0x0] =	wrdreg $0xFFFFFFFF;
	(pc) =	sbr.abs _section_cstart, $3  }
0xbf: {  	[dreg:$0x1] =	wrdreg $0xFFFFFFFF  }
0xc0: {  	_ =	task.clear_ibuf [dreg:s6], $0x2FFFF;
	_ =	strace $0x9FFFFFFF  }
0xc1: {  	(tm) =	ssettm $0x7FFFFFFF  }
tec
execute0_lowered:
.L_overlay_start_1:
0x0: {  	(tag) =	ssettag $0x1  }
0x1: {  	s1 =	srdreg.scid;
	s0 =	stileid.u32  }
0x2: {  	s6 =	sand.u32 $0x1, s1;
	s31 =	sshll.u32 s0, $0x1  }
0x3: {  	s7 =	sor.u32 s6, s31  }
0x4: {  	s2 =	rddreg [dreg:$0x0];
	s3 =	simm.s32 $0x0;
	s4 =	smul.u32 $0x18, s7  }
0x5: {  	s8 =	simm.s32 $0x1;
	[smem:$0x7FF] =	sst s3  }
0x6: {  	s1 =	rddreg [dreg:$0x1];
	_ =	strace $0x80000047;
	s4 =	sadd.s32 s4, s2  }
0x7: {  	s10 =	ssub.s32 $0x2, s6;
	s5 =	sadd.s32 $0x5DC00, s4;
	s4 =	simm.s32 $0x2  }
0x8: {  	[tilespmem:s3], [sflag:$0x2] =	stream.linear.gather [hbm4b:s5+s3], $0xC0, $0x38;
	[tilespmem:$0x6100] =	vst v63  }
0x9: {  	s6 =	simm.s32 $0xC0;
	s11 =	sshrl.u32 s10, $0x1;
	_ =	swait.ge [sflag:s4], $0xC0  }
0xa: {  	s9 =	smul.u32 $0xC00, s7;
	s10 =	ssub.s32 s10, s11;
	[sflag:s4] =	ssyncset.done $0x0  }
0xb: {  	s7 =	simm.s32 $0x100;
	s10 =	smax.u32 s10, $0x1;
	[sflag:s4] =	ssyncadd.s32 $0xFFFFFF40  }
0xc: {  	[tilespmem:s7], [sflag:$0x1] =	stream.indirect.gather [hbm4b:s2+s6], $0x80, s3, s6, $0xb8;
	[tilespmem:$0x6100] =	vst v63  }
0xd: {  	p0 =	sne.s32 s10, $0x1;
	_ =	swait.ge [sflag:s8], $0x6000  }
.Ltmp0:
0xe: {  	s9 =	sadd.s32 s9, s2;
	[sflag:s8] =	ssyncset.done $0x0;
	(pc) =	sbr.rel @!p0 .LBB2_2-.Ltmp0, $4  }
0xf: {  	s9 =	sadd.s32 $0x5E000, s9;
	[sflag:s8] =	ssyncadd.s32 $0xFFFFA000  }
0x10: {  	[hbm4b:s9+s3] =	stream.linear.scatter [tilespmem:s7], [sflag:$0x2], $0x6000, $0x38;
	[tilespmem:$0x6100] =	vst v63  }
0x11: {  	_ =	swait.ge [sflag:s4], $0x6000  }
0x12: {  	s10 =	sadd.s32 $0xFFFFFFFF, s10;
	[sflag:s4] =	ssyncset.done $0x0  }
.LBB2_1:
0x13: {  	p0 =	sne.s32 s10, $0x1;
	s10 =	sadd.s32 $0xFFFFFFFF, s10;
	[sflag:s4] =	ssyncadd.s32 $0xFFFFA000  }
0x14: {  	[tilespmem:s3], [sflag:$0x2] =	stream.linear.gather [hbm4b:s5+s3], $0xC0, $0x38;
	[tilespmem:$0x6100] =	vst v63  }
0x15: {  	_ =	swait.ge [sflag:s4], $0xC0  }
0x16: {  	[sflag:s4] =	ssyncset.done $0x0  }
0x17: {  	[sflag:s4] =	ssyncadd.s32 $0xFFFFFF40  }
0x18: {  	[tilespmem:s7], [sflag:$0x1] =	stream.indirect.gather [hbm4b:s2+s6], $0x80, s3, s6, $0xb8;
	[tilespmem:$0x6100] =	vst v63  }
0x19: {  	_ =	swait.ge [sflag:s8], $0x6000  }
.Ltmp1:
0x1a: {  	[sflag:s8] =	ssyncset.done $0x0;
	(pc) =	sbr.rel @p0 .LBB2_1-.Ltmp1, $4  }
0x1b: {  	[sflag:s8] =	ssyncadd.s32 $0xFFFFA000  }
0x1c: {  	[hbm4b:s9+s3] =	stream.linear.scatter [tilespmem:s7], [sflag:$0x2], $0x6000, $0x38;
	[tilespmem:$0x6100] =	vst v63  }
0x1d: {  	_ =	swait.ge [sflag:s4], $0x6000  }
0x1e: {  	[sflag:s4] =	ssyncset.done $0x0  }
.LBB2_2:
0x1f: {  	[sflag:s4] =	ssyncadd.s32 $0xFFFFA000  }
0x20: {  	_ =	sfence.sel $0x180000  }
0x21: {  	[bflag:$0x0] =	sbarrier.arrive $0xFFFF  }
0x22: {  	p0 =	sne.s32 s0, $0x0;
	_ =	strace $0x90000047  }
0x23: {  	s0 =	sadd.s32 @!p0 $0x100000, s1;
	[bflag:$0x2] =	sbarrier.arrive $0xFFFF  }
0x24: {  	[sflag:s0] =	ssyncadd.tile.s32 @!p0 $0x1;
	_ =	shalt  }
.Lfunc_end2:
_tile_overlayer_lowered:
.L_overlay_start_2:
0x25: {  	(tag) =	ssettag $0x2  }
0x26: {  	s0 =	rddreg [dreg:$0x0];
	s2 =	stileid.u32  }
0x27: {  	s1 =	rddreg [dreg:$0x1];
	p0 =	sne.s32 s2, $0x0  }
0x28: {  	s3 =	rddreg [dreg:$0x2];
	[bflag:$0x3] =	sbarrier.arrive $0xFFFF;
	s2 =	simm.s32 @!p0 $0x1C02  }
0x29: {  	[timem:s3], [sflag:s2] =	dma.local @!p0 [hbm:s0], s1  }
0x2a: {  	s0 =	simm.s32 @!p0 $0x2  }
0x2b: {  	_ =	swait.ge @!p0 [sflag:s0], s1  }
0x2c: {  	s1 =	ssub.s32 @!p0 $0x0, s1;
	[sflag:s0] =	ssyncset.done @!p0 $0x0  }
0x2d: {  	[sflag:s0] =	ssyncadd.s32 @!p0 s1  }
0x2e: {  	[bflag:$0x3] =	sbarrier.arrive $0xFFFF  }
0x2f: {  	_ =	shalt  }

// kernel: kernel.15.cloned.1.call-start
scs
__scs_entry_jumppad:
0x0: {  	(pc) =	sbr.rel $0x88, $3  }
0x1: {  	(tag) =	ssettag $0x0;
	lr =	simm.s32 $0x1  }
0x2: {  	[smem:$0x3F4E] =	sst lr;
	_ =	strace $0xD0000000  }
0x3: {  	_ = 	snop  }
0x4: {  	_ = 	snop  }
0x5: {  	_ = 	snop  }
0x6: {  	_ = 	snop  }
0x7: {  	_ = 	snop  }
__scs_overlays_trampoline_lowered:
0x8: {  	[smem:$0x3F5D] =	sst s0  }
0x9: {  	[smem:$0x3F5E] =	sst s1  }
0xa: {  	[smem:$0x3F5F] =	sst s2  }
0xb: {  	[smem:$0x3F60] =	sst s3  }
0xc: {  	[smem:$0x3F61] =	sst s4  }
0xd: {  	[smem:$0x3F62] =	sst s5  }
0xe: {  	[smem:$0x3F63] =	sst s6  }
0xf: {  	[smem:$0x3F64] =	sst s7  }
0x10: {  	[smem:$0x3F65] =	sst s8  }
0x11: {  	[smem:$0x3F66] =	sst s9;
	s0 =	simm.s32 @!p0 $0x0  }
0x12: {  	s1 =	sld [smem:$0x3F4C];
	s0 =	simm.s32 @p0 $0x1  }
0x13: {  	[smem:$0x3F67] =	sst s0;
	s0 =	simm.s32 @!p1 $0x0  }
0x14: {  	s2 =	sld [smem:$0x3F4B];
	s0 =	simm.s32 @p1 $0x1  }
0x15: {  	[smem:$0x3F68] =	sst s0;
	s0 =	simm.s32 @!p2 $0x0  }
0x16: {  	s3 =	sld [smem:$0x3FDB];
	s0 =	simm.s32 @p2 $0x1  }
0x17: {  	s4 =	simm.s32 $0x1BF5;
	[smem:$0x3F6A] =	sst s0  }
0x18: {  	s0 =	sld [smem:$0x3F4D];
	_ =	swait.ge [sflag:s4], $0x0  }
0x19: {  	s7 =	sld [smem:$0x3F4E]  }
0x1a: {  	s8 =	sadd.s32 $0xFFFFE003, lr  }
0x1b: {  	s9 =	sadd.s32 $0xFFFFFEF7, lr;
	s5 =	simm.s32 $0xFFFFFFFF;
	p2 =	slt.u32 s8, $0xFFFFF086  }
0x1c: {  	p1 =	slt.u32 s9, $0xF7A;
	s5 =	simm.s32 @!p2 $0x0  }
0x1d: {  	s5 =	simm.s32 @p1 $0x1;
	p0 =	seq.s32 s7, s2  }
0x1e: {  	s7 =	smul.u32 @!p0 $0xF7A, s2;
	p2 =	seq.s32 @!p0 s5, $0x0  }
0x1f: {  	s9 =	smul.u32 $0xF7A, s1;
	s8 =	simm.s32 @!p0 $0x1BF5;
	p2 =	por !p2, p0  }
0x20: {  	[sflag:s8] =	ssyncset.s32 @!p0 $0xFFFFF086;
	s6 =	sadd.s32 @!p0 s3, s7;
	s7 =	simm.s32 @!p0 $0x108  }
0x21: {  	s3 =	sadd.s32 s3, s9;
	s6 =	sadd.s32 @!p0 $0x88, s6;
	s7 =	simm.s32 @p2 $0x1082  }
0x22: {  	[simem:s7], [sflag:s8] =	dma.local @!p0 [hbm:s6], $0xF7A  }
0x23: {  	s9 =	sor.u32 $0xD0000000, s2;
	s6 =	simm.s32 $0x108;
	_ =	swait.ge @!p0 [sflag:s8], $0x0  }
0x24: {  	s3 =	sadd.s32 $0x88, s3;
	s6 =	simm.s32 @!p1 $0x1082;
	[sflag:s4] =	ssyncset.s32 $0xFFFFF086  }
0x25: {  	[simem:s6], [sflag:s4] =	dma.local [hbm:s3], $0xF7A  }
0x26: {  	[smem:$0x3F4E] =	sst s1;
	(tag) =	ssettag s2;
	_ =	strace s9  }
0x27: {  	s1 =	sld [smem:$0x3F5E]  }
0x28: {  	s2 =	sld [smem:$0x3F5F]  }
0x29: {  	s4 =	sld [smem:$0x3F61]  }
0x2a: {  	p0 =	seq.s32 s5, $0x0;
	s5 =	sld [smem:$0x3F62]  }
0x2b: {  	s6 =	sld [smem:$0x3F63]  }
0x2c: {  	s7 =	sld [smem:$0x3F64]  }
0x2d: {  	s3 =	simm.s32 $0x108;
	s8 =	sld [smem:$0x3F65]  }
0x2e: {  	s3 =	simm.s32 @!p0 $0x1082;
	s9 =	sld [smem:$0x3F66]  }
0x2f: {  	lr =	sadd.s32 s0, s3;
	s0 =	sld [smem:$0x3F5D]  }
0x30: {  	s3 =	sld [smem:$0x3F60]  }
0x31: {  	[smem:$0x3F69] =	sst s10  }
0x32: {  	s10 =	sld [smem:$0x3F67];
	_ =	sdelay $0x3  }
0x33: {  	p0 =	seq.s32 s10, $0x1;
	s10 =	sld [smem:$0x3F69];
	_ =	sdelay $0x3  }
0x34: {  	[smem:$0x3F69] =	sst s10  }
0x35: {  	s10 =	sld [smem:$0x3F68];
	_ =	sdelay $0x3  }
0x36: {  	p1 =	seq.s32 s10, $0x1;
	s10 =	sld [smem:$0x3F69];
	_ =	sdelay $0x3  }
0x37: {  	[smem:$0x3F69] =	sst s10  }
0x38: {  	s10 =	sld [smem:$0x3F6A]  }
0x39: {  	_ = 	snop;
	(pc) =	sbr.ind lr, $3  }
0x3a: {  	_ = 	snop  }
0x3b: {  	_ = 	snop  }
0x3c: {  	p2 =	seq.s32 s10, $0x1;
	s10 =	sld [smem:$0x3F69]  }
0x3d: {  	_ =	shalt  }
0x3e: {  	_ =	shalt  }
0x3f: {  	_ =	shalt  }
0x40: {  	_ =	shalt  }
0x41: {  	_ =	shalt  }
0x42: {  	_ =	shalt  }
0x43: {  	_ =	shalt  }
0x44: {  	_ =	shalt  }
0x45: {  	_ =	shalt  }
0x46: {  	_ =	shalt  }
0x47: {  	_ =	shalt  }
0x48: {  	_ =	shalt  }
0x49: {  	_ =	shalt  }
0x4a: {  	_ =	shalt  }
0x4b: {  	_ =	shalt  }
0x4c: {  	_ =	shalt  }
0x4d: {  	_ =	shalt  }
0x4e: {  	_ =	shalt  }
0x4f: {  	_ =	shalt  }
0x50: {  	_ =	shalt  }
0x51: {  	_ =	shalt  }
0x52: {  	_ =	shalt  }
0x53: {  	_ =	shalt  }
0x54: {  	_ =	shalt  }
0x55: {  	_ =	shalt  }
0x56: {  	_ =	shalt  }
0x57: {  	_ =	shalt  }
0x58: {  	_ =	shalt  }
0x59: {  	_ =	shalt  }
0x5a: {  	_ =	shalt  }
0x5b: {  	_ =	shalt  }
0x5c: {  	_ =	shalt  }
0x5d: {  	_ =	shalt  }
0x5e: {  	_ =	shalt  }
0x5f: {  	_ =	shalt  }
0x60: {  	_ =	shalt  }
0x61: {  	_ =	shalt  }
0x62: {  	_ =	shalt  }
0x63: {  	_ =	shalt  }
0x64: {  	_ =	shalt  }
0x65: {  	_ =	shalt  }
0x66: {  	_ =	shalt  }
0x67: {  	_ =	shalt  }
0x68: {  	_ =	shalt  }
0x69: {  	_ =	shalt  }
0x6a: {  	_ =	shalt  }
0x6b: {  	_ =	shalt  }
0x6c: {  	_ =	shalt  }
0x6d: {  	_ =	shalt  }
0x6e: {  	_ =	shalt  }
0x6f: {  	_ =	shalt  }
0x70: {  	_ =	shalt  }
0x71: {  	_ =	shalt  }
0x72: {  	_ =	shalt  }
0x73: {  	_ =	shalt  }
0x74: {  	_ =	shalt  }
0x75: {  	_ =	shalt  }
0x76: {  	_ =	shalt  }
0x77: {  	_ =	shalt  }
0x78: {  	_ =	shalt  }
0x79: {  	_ =	shalt  }
0x7a: {  	_ =	shalt  }
0x7b: {  	_ =	shalt  }
0x7c: {  	_ =	shalt  }
0x7d: {  	_ =	shalt  }
0x7e: {  	_ =	shalt  }
0x7f: {  	_ =	shalt  }
0x80: {  	_ =	shalt  }
0x81: {  	_ =	shalt  }
0x82: {  	_ =	shalt  }
0x83: {  	_ =	shalt  }
0x84: {  	_ =	shalt  }
0x85: {  	_ =	shalt  }
0x86: {  	_ =	shalt  }
0x87: {  	_ =	shalt  }
.Lfunc_end0:
.L_simem_size_0:
called_computation.1_lowered:
.L_overlay_start_0:
0x88: {  	s2 =	sld [smem:$0x3FD9]  }
0x89: {  	s3 =	sld [smem:$0x3FFE];
	_ =	sdelay $0x1  }
0x8a: {  	s1 =	srdreg.scid  }
0x8b: {  	s0 =	sand.u32 $0x1, s1  }
0x8c: {  	s16 =	sshll.u32 s0, $0xA;
	s2 =	sadd.s32 s3, s2  }
0x8d: {  	s2 =	sadd.s32 s2, s16  }
0x8e: {  	[smem:$0x3F75] =	sst s2  }
0x8f: {  	_ = 	snop  }
0x90: {  	(tm) =	ssettm $0x1  }
0x91: {  	s17 =	sld [smem:$0x3FFB];
	_ =	sdelay $0x3  }
0x92: {  	_ =	strace s17  }
0x93: {  	s2 =	sld [smem:$0x3FFC];
	_ =	sdelay $0x3  }
0x94: {  	_ =	strace s2  }
0x95: {  	s2 =	sld [smem:$0x3FFD];
	_ =	sdelay $0x3  }
0x96: {  	_ =	strace s2  }
0x97: {  	_ =	strace $0x8FFFFFFF  }
0x98: {  	s18 =	sld [smem:$0x3FDB];
	_ =	sdelay $0x1  }
0x99: {  	s19 =	simm.s32 $_scs_section_size  }
0x9a: {  	s4 =	simm.s32 $_size__tile_overlayer_lowered;
	s5 =	simm.s32 $_tile_overlayer_lowered  }
0x9b: {  	s22 =	simm.s32 $0x1BFF;
	s21 =	sshll.u32 s5, $0x1;
	s2 =	sadd.s32 s19, s18  }
0x9c: {  	s6 =	simm.s32 $0x0;
	s20 =	sshll.u32 s4, $0x1;
	s4 =	sadd.s32 s21, s2  }
0x9d: {  	[timem:s6], [sflag:s22] =	dma.local [hbm:s4], s20  }
0x9e: {  	_ =	swait.ge [sflag:s22], s20  }
0x9f: {  	s3 =	ssub.s32 $0x0, s20;
	[sflag:s22] =	ssyncset.done $0x0  }
0xa0: {  	[sflag:s22] =	ssyncadd.s32 s3;
	_ =	sdelay $0x1  }
0xa1: {  	s23 =	simm.s32 $0x1B8B  }
0xa2: {  	_ =	swait.ge [sflag:s23], $0x1  }
0xa3: {  	[sflag:s23] =	ssyncset.done $0x0  }
0xa4: {  	s25 =	simm.s32 $0x1B8E;
	s24 =	sld [smem:$0x3FFE];
	[sflag:s23] =	ssyncadd.s32 $0xFFFFFFFF  }
0xa5: {  	s26 =	simm.s32 $execute0_lowered;
	[smem:$0x3FD2] =	sst s25  }
0xa6: {  	s4 =	sshll.u32 s26, $0x1;
	_ =	strace $0x80000049;
	[dreg:$0x1] =	wrdreg $0xFFFFFFFF  }
0xa7: {  	s28 =	simm.s32 $_size_execute0_lowered;
	s2 =	sadd.s32 s2, s4;
	[dreg:$0x0] =	wrdreg $0x0  }
0xa8: {  	s4 =	sshll.u32 s28, $0x1;
	[dreg:$0x2] =	wrdreg s2  }
0xa9: {  	[dreg:$0x3] =	wrdreg s4  }
0xaa: {  	[dreg:$0x4] =	wrdreg $0xC0  }
0xab: {  	_ =	task [dreg:s6], $0x5FFFF  }
0xac: {  	[dreg:$0x1] =	wrdreg $0xFFFFFFFF  }
0xad: {  	[dreg:$0x0] =	wrdreg $0x60  }
0xae: {  	[dreg:$0x2] =	wrdreg s24  }
0xaf: {  	[dreg:$0x3] =	wrdreg $0x9  }
0xb0: {  	_ =	task.clear_ibuf [dreg:s6], $0x4FFFF;
	_ =	strace $0x90000049  }
0xb1: {  	s29 =	simm.s32 $0x9;
	_ =	strace $0x8000004B  }
0xb2: {  	_ =	swait.ge [sflag:s29], $0x1  }
0xb3: {  	[sflag:s29] =	ssyncadd.s32 $0xFFFFFFFF  }
0xb4: {  	_ =	strace $0x9000004B  }
0xb5: {  	_ =	sfence  }
0xb6: {  	s30 =	sld [smem:$0x0];
	_ =	sdelay $0x2  }
0xb7: {  	s31 =	sshll.u32 s1, $0xD;
	s1 =	sshrl.u32 s1, $0x2  }
0xb8: {  	s3 =	sand.u32 $0x4000, s31;
	s1 =	sadd.s32 s1, s30  }
0xb9: {  	s0 =	sor.u32 s3, s0;
	s1 =	sshll.u32 s1, $0x11  }
0xba: {  	s0 =	sor.u32 s1, s0  }
0xbb: {  	s0 =	sadd.s32 $0x8F2B, s0  }
0xbc: {  	[sflag:s0] =	ssyncadd.remote.s32 $0x1  }
0xbd: {  	_ =	sfence.sel $0xFFFF  }
0xbe: {  	[dreg:$0x0] =	wrdreg $0xFFFFFFFF;
	(pc) =	sbr.abs _section_cstart, $3  }
0xbf: {  	[dreg:$0x1] =	wrdreg $0xFFFFFFFF  }
0xc0: {  	_ =	task.clear_ibuf [dreg:s6], $0x2FFFF;
	_ =	strace $0x9FFFFFFF  }
0xc1: {  	(tm) =	ssettm $0x7FFFFFFF  }
tec
execute0_lowered:
.L_overlay_start_1:
0x0: {  	(tag) =	ssettag $0x1  }
0x1: {  	s1 =	srdreg.scid;
	s0 =	stileid.u32  }
0x2: {  	s22 =	sand.u32 $0x1, s1;
	s28 =	sshll.u32 s0, $0x1  }
0x3: {  	s8 =	sor.u32 s22, s28  }
0x4: {  	s2 =	rddreg [dreg:$0x0];
	s23 =	smul.u32 $0x1800, s8  }
0x5: {  	s3 =	simm.s32 $0x0;
	s1 =	rddreg [dreg:$0x1]  }
0x6: {  	[smem:$0x7FF] =	sst s3;
	s21 =	sadd.s32 $0x76000, s2;
	s4 =	sshrl.u32 s23, $0x3  }
0x7: {  	_ =	strace $0x8000004A;
	s5 =	sadd.s32 s21, s4;
	s4 =	simm.s32 $0x2  }
0x8: {  	[tilespmem:s3], [sflag:$0x2] =	stream.linear.gather [hbm4b:s5+s3], $0x300, $0x38;
	[tilespmem:$0x18300] =	vst v63  }
0x9: {  	_ =	swait.ge [sflag:s4], $0x300  }
0xa: {  	[sflag:s4] =	ssyncset.done $0x0  }
0xb: {  	s6 =	simm.s32 $0x300;
	s7 =	simm.s32 $0x1;
	[sflag:s4] =	ssyncadd.s32 $0xFFFFFD00  }
0xc: {  	[tilespmem:s6], [sflag:$0x1] =	stream.indirect.gather [hbm4b:s2+s6], $0x80, s3, s6, $0xb8;
	[tilespmem:$0x18300] =	vst v63  }
0xd: {  	s8 =	smul.u32 $0x18000, s8;
	_ =	swait.ge [sflag:s7], $0x18000  }
0xe: {  	s24 =	sadd.s32 $0x7C000, s2;
	[sflag:s7] =	ssyncset.done $0x0  }
0xf: {  	s8 =	sadd.s32 s24, s8;
	[sflag:s7] =	ssyncadd.s32 $0xFFFE8000  }
0x10: {  	[hbm4b:s8+s3] =	stream.linear.scatter [tilespmem:s6], [sflag:$0x2], $0x18000, $0x38;
	[tilespmem:$0x18300] =	vst v63  }
0x11: {  	s10 =	sor.u32 $0x300, s23;
	_ =	swait.ge [sflag:s4], $0x18000  }
0x12: {  	s9 =	sshrl.u32 s10, $0x3;
	[sflag:s4] =	ssyncset.done $0x0  }
0x13: {  	s9 =	sadd.s32 s21, s9;
	[sflag:s4] =	ssyncadd.s32 $0xFFFE8000  }
0x14: {  	[tilespmem:s3], [sflag:$0x2] =	stream.linear.gather [hbm4b:s9+s3], $0x300, $0x38;
	[tilespmem:$0x18300] =	vst v63  }
0x15: {  	_ =	swait.ge [sflag:s4], $0x300  }
0x16: {  	[sflag:s4] =	ssyncset.done $0x0  }
0x17: {  	[sflag:s4] =	ssyncadd.s32 $0xFFFFFD00  }
0x18: {  	[tilespmem:s6], [sflag:$0x1] =	stream.indirect.gather [hbm4b:s2+s6], $0x80, s3, s6, $0xb8;
	[tilespmem:$0x18300] =	vst v63  }
0x19: {  	_ =	swait.ge [sflag:s7], $0x18000  }
0x1a: {  	s10 =	sshll.u32 s10, $0x4;
	[sflag:s7] =	ssyncset.done $0x0  }
0x1b: {  	s10 =	sadd.s32 s24, s10;
	[sflag:s7] =	ssyncadd.s32 $0xFFFE8000  }
0x1c: {  	[hbm4b:s10+s3] =	stream.linear.scatter [tilespmem:s6], [sflag:$0x2], $0x18000, $0x38;
	[tilespmem:$0x18300] =	vst v63  }
0x1d: {  	s12 =	sor.u32 $0x600, s23;
	_ =	swait.ge [sflag:s4], $0x18000  }
0x1e: {  	s11 =	sshrl.u32 s12, $0x3;
	[sflag:s4] =	ssyncset.done $0x0  }
0x1f: {  	s11 =	sadd.s32 s21, s11;
	[sflag:s4] =	ssyncadd.s32 $0xFFFE8000  }
0x20: {  	[tilespmem:s3], [sflag:$0x2] =	stream.linear.gather [hbm4b:s11+s3], $0x300, $0x38;
	[tilespmem:$0x18300] =	vst v63  }
0x21: {  	_ =	swait.ge [sflag:s4], $0x300  }
0x22: {  	[sflag:s4] =	ssyncset.done $0x0  }
0x23: {  	[sflag:s4] =	ssyncadd.s32 $0xFFFFFD00  }
0x24: {  	[tilespmem:s6], [sflag:$0x1] =	stream.indirect.gather [hbm4b:s2+s6], $0x80, s3, s6, $0xb8;
	[tilespmem:$0x18300] =	vst v63  }
0x25: {  	_ =	swait.ge [sflag:s7], $0x18000  }
0x26: {  	s12 =	sshll.u32 s12, $0x4;
	[sflag:s7] =	ssyncset.done $0x0  }
0x27: {  	s12 =	sadd.s32 s24, s12;
	[sflag:s7] =	ssyncadd.s32 $0xFFFE8000  }
0x28: {  	[hbm4b:s12+s3] =	stream.linear.scatter [tilespmem:s6], [sflag:$0x2], $0x18000, $0x38;
	[tilespmem:$0x18300] =	vst v63  }
0x29: {  	s14 =	sadd.s32 $0x900, s23;
	_ =	swait.ge [sflag:s4], $0x18000  }
0x2a: {  	s13 =	sshrl.u32 s14, $0x3;
	[sflag:s4] =	ssyncset.done $0x0  }
0x2b: {  	s13 =	sadd.s32 s21, s13;
	[sflag:s4] =	ssyncadd.s32 $0xFFFE8000  }
0x2c: {  	[tilespmem:s3], [sflag:$0x2] =	stream.linear.gather [hbm4b:s13+s3], $0x300, $0x38;
	[tilespmem:$0x18300] =	vst v63  }
0x2d: {  	_ =	swait.ge [sflag:s4], $0x300  }
0x2e: {  	[sflag:s4] =	ssyncset.done $0x0  }
0x2f: {  	[sflag:s4] =	ssyncadd.s32 $0xFFFFFD00  }
0x30: {  	[tilespmem:s6], [sflag:$0x1] =	stream.indirect.gather [hbm4b:s2+s6], $0x80, s3, s6, $0xb8;
	[tilespmem:$0x18300] =	vst v63  }
0x31: {  	_ =	swait.ge [sflag:s7], $0x18000  }
0x32: {  	s14 =	sshll.u32 s14, $0x4;
	[sflag:s7] =	ssyncset.done $0x0  }
0x33: {  	s14 =	sadd.s32 s24, s14;
	[sflag:s7] =	ssyncadd.s32 $0xFFFE8000  }
0x34: {  	[hbm4b:s14+s3] =	stream.linear.scatter [tilespmem:s6], [sflag:$0x2], $0x18000, $0x38;
	[tilespmem:$0x18300] =	vst v63  }
0x35: {  	s16 =	sadd.s32 $0xC00, s23;
	_ =	swait.ge [sflag:s4], $0x18000  }
0x36: {  	s15 =	sshrl.u32 s16, $0x3;
	[sflag:s4] =	ssyncset.done $0x0  }
0x37: {  	s15 =	sadd.s32 s21, s15;
	[sflag:s4] =	ssyncadd.s32 $0xFFFE8000  }
0x38: {  	[tilespmem:s3], [sflag:$0x2] =	stream.linear.gather [hbm4b:s15+s3], $0x300, $0x38;
	[tilespmem:$0x18300] =	vst v63  }
0x39: {  	_ =	swait.ge [sflag:s4], $0x300  }
0x3a: {  	[sflag:s4] =	ssyncset.done $0x0  }
0x3b: {  	[sflag:s4] =	ssyncadd.s32 $0xFFFFFD00  }
0x3c: {  	[tilespmem:s6], [sflag:$0x1] =	stream.indirect.gather [hbm4b:s2+s6], $0x80, s3, s6, $0xb8;
	[tilespmem:$0x18300] =	vst v63  }
0x3d: {  	_ =	swait.ge [sflag:s7], $0x18000  }
0x3e: {  	s16 =	sshll.u32 s16, $0x4;
	[sflag:s7] =	ssyncset.done $0x0  }
0x3f: {  	s16 =	sadd.s32 s24, s16;
	[sflag:s7] =	ssyncadd.s32 $0xFFFE8000  }
0x40: {  	[hbm4b:s16+s3] =	stream.linear.scatter [tilespmem:s6], [sflag:$0x2], $0x18000, $0x38;
	[tilespmem:$0x18300] =	vst v63  }
0x41: {  	s18 =	sadd.s32 $0xF00, s23;
	_ =	swait.ge [sflag:s4], $0x18000  }
0x42: {  	s17 =	sshrl.u32 s18, $0x3;
	[sflag:s4] =	ssyncset.done $0x0  }
0x43: {  	s17 =	sadd.s32 s21, s17;
	[sflag:s4] =	ssyncadd.s32 $0xFFFE8000  }
0x44: {  	[tilespmem:s3], [sflag:$0x2] =	stream.linear.gather [hbm4b:s17+s3], $0x300, $0x38;
	[tilespmem:$0x18300] =	vst v63  }
0x45: {  	_ =	swait.ge [sflag:s4], $0x300  }
0x46: {  	[sflag:s4] =	ssyncset.done $0x0  }
0x47: {  	[sflag:s4] =	ssyncadd.s32 $0xFFFFFD00  }
0x48: {  	[tilespmem:s6], [sflag:$0x1] =	stream.indirect.gather [hbm4b:s2+s6], $0x80, s3, s6, $0xb8;
	[tilespmem:$0x18300] =	vst v63  }
0x49: {  	_ =	swait.ge [sflag:s7], $0x18000  }
0x4a: {  	s18 =	sshll.u32 s18, $0x4;
	[sflag:s7] =	ssyncset.done $0x0  }
0x4b: {  	s18 =	sadd.s32 s24, s18;
	[sflag:s7] =	ssyncadd.s32 $0xFFFE8000  }
0x4c: {  	[hbm4b:s18+s3] =	stream.linear.scatter [tilespmem:s6], [sflag:$0x2], $0x18000, $0x38;
	[tilespmem:$0x18300] =	vst v63  }
0x4d: {  	s20 =	sadd.s32 $0x1200, s23;
	_ =	swait.ge [sflag:s4], $0x18000  }
0x4e: {  	s19 =	sshrl.u32 s20, $0x3;
	[sflag:s4] =	ssyncset.done $0x0  }
0x4f: {  	s19 =	sadd.s32 s21, s19;
	[sflag:s4] =	ssyncadd.s32 $0xFFFE8000  }
0x50: {  	[tilespmem:s3], [sflag:$0x2] =	stream.linear.gather [hbm4b:s19+s3], $0x300, $0x38;
	[tilespmem:$0x18300] =	vst v63  }
0x51: {  	_ =	swait.ge [sflag:s4], $0x300  }
0x52: {  	[sflag:s4] =	ssyncset.done $0x0  }
0x53: {  	[sflag:s4] =	ssyncadd.s32 $0xFFFFFD00  }
0x54: {  	[tilespmem:s6], [sflag:$0x1] =	stream.indirect.gather [hbm4b:s2+s6], $0x80, s3, s6, $0xb8;
	[tilespmem:$0x18300] =	vst v63  }
0x55: {  	_ =	swait.ge [sflag:s7], $0x18000  }
0x56: {  	s20 =	sshll.u32 s20, $0x4;
	[sflag:s7] =	ssyncset.done $0x0  }
0x57: {  	s20 =	sadd.s32 s24, s20;
	[sflag:s7] =	ssyncadd.s32 $0xFFFE8000  }
0x58: {  	[hbm4b:s20+s3] =	stream.linear.scatter [tilespmem:s6], [sflag:$0x2], $0x18000, $0x38;
	[tilespmem:$0x18300] =	vst v63  }
0x59: {  	s23 =	sadd.s32 $0x1500, s23;
	_ =	swait.ge [sflag:s4], $0x18000  }
0x5a: {  	s25 =	sshrl.u32 s23, $0x3;
	[sflag:s4] =	ssyncset.done $0x0  }
0x5b: {  	s22 =	ssub.s32 $0x2, s22;
	s21 =	sadd.s32 s21, s25;
	[sflag:s4] =	ssyncadd.s32 $0xFFFE8000  }
0x5c: {  	[tilespmem:s3], [sflag:$0x2] =	stream.linear.gather [hbm4b:s21+s3], $0x300, $0x38;
	[tilespmem:$0x18300] =	vst v63  }
0x5d: {  	s29 =	sshrl.u32 s22, $0x1;
	_ =	swait.ge [sflag:s4], $0x300  }
0x5e: {  	s25 =	ssub.s32 s22, s29;
	[sflag:s4] =	ssyncset.done $0x0  }
0x5f: {  	s31 =	smax.u32 s25, $0x1;
	[sflag:s4] =	ssyncadd.s32 $0xFFFFFD00  }
0x60: {  	[tilespmem:s6], [sflag:$0x1] =	stream.indirect.gather [hbm4b:s2+s6], $0x80, s3, s6, $0xb8;
	[tilespmem:$0x18300] =	vst v63  }
0x61: {  	p0 =	sne.s32 s31, $0x1;
	_ =	swait.ge [sflag:s7], $0x18000  }
.Ltmp0:
0x62: {  	s30 =	sshll.u32 s23, $0x4;
	[sflag:s7] =	ssyncset.done $0x0;
	(pc) =	sbr.rel @!p0 .LBB2_2-.Ltmp0, $4  }
0x63: {  	s22 =	sadd.s32 s24, s30;
	[sflag:s7] =	ssyncadd.s32 $0xFFFE8000  }
0x64: {  	[hbm4b:s22+s3] =	stream.linear.scatter [tilespmem:s6], [sflag:$0x2], $0x18000, $0x38;
	[tilespmem:$0x18300] =	vst v63  }
0x65: {  	_ =	swait.ge [sflag:s4], $0x18000  }
0x66: {  	s23 =	sadd.s32 $0xFFFFFFFF, s31;
	[sflag:s4] =	ssyncset.done $0x0  }
.LBB2_1:
0x67: {  	p0 =	sne.s32 s23, $0x1;
	s23 =	sadd.s32 $0xFFFFFFFF, s23;
	[sflag:s4] =	ssyncadd.s32 $0xFFFE8000  }
0x68: {  	[tilespmem:s3], [sflag:$0x2] =	stream.linear.gather [hbm4b:s5+s3], $0x300, $0x38;
	[tilespmem:$0x18300] =	vst v63  }
0x69: {  	_ =	swait.ge [sflag:s4], $0x300  }
0x6a: {  	[sflag:s4] =	ssyncset.done $0x0  }
0x6b: {  	[sflag:s4] =	ssyncadd.s32 $0xFFFFFD00  }
0x6c: {  	[tilespmem:s6], [sflag:$0x1] =	stream.indirect.gather [hbm4b:s2+s6], $0x80, s3, s6, $0xb8;
	[tilespmem:$0x18300] =	vst v63  }
0x6d: {  	_ =	swait.ge [sflag:s7], $0x18000  }
0x6e: {  	[sflag:s7] =	ssyncset.done $0x0  }
0x6f: {  	[sflag:s7] =	ssyncadd.s32 $0xFFFE8000  }
0x70: {  	[hbm4b:s8+s3] =	stream.linear.scatter [tilespmem:s6], [sflag:$0x2], $0x18000, $0x38;
	[tilespmem:$0x18300] =	vst v63  }
0x71: {  	_ =	swait.ge [sflag:s4], $0x18000  }
0x72: {  	[sflag:s4] =	ssyncset.done $0x0  }
0x73: {  	[sflag:s4] =	ssyncadd.s32 $0xFFFE8000  }
0x74: {  	[tilespmem:s3], [sflag:$0x2] =	stream.linear.gather [hbm4b:s9+s3], $0x300, $0x38;
	[tilespmem:$0x18300] =	vst v63  }
0x75: {  	_ =	swait.ge [sflag:s4], $0x300  }
0x76: {  	[sflag:s4] =	ssyncset.done $0x0  }
0x77: {  	[sflag:s4] =	ssyncadd.s32 $0xFFFFFD00  }
0x78: {  	[tilespmem:s6], [sflag:$0x1] =	stream.indirect.gather [hbm4b:s2+s6], $0x80, s3, s6, $0xb8;
	[tilespmem:$0x18300] =	vst v63  }
0x79: {  	_ =	swait.ge [sflag:s7], $0x18000  }
0x7a: {  	[sflag:s7] =	ssyncset.done $0x0  }
0x7b: {  	[sflag:s7] =	ssyncadd.s32 $0xFFFE8000  }
0x7c: {  	[hbm4b:s10+s3] =	stream.linear.scatter [tilespmem:s6], [sflag:$0x2], $0x18000, $0x38;
	[tilespmem:$0x18300] =	vst v63  }
0x7d: {  	_ =	swait.ge [sflag:s4], $0x18000  }
0x7e: {  	[sflag:s4] =	ssyncset.done $0x0  }
0x7f: {  	[sflag:s4] =	ssyncadd.s32 $0xFFFE8000  }
0x80: {  	[tilespmem:s3], [sflag:$0x2] =	stream.linear.gather [hbm4b:s11+s3], $0x300, $0x38;
	[tilespmem:$0x18300] =	vst v63  }
0x81: {  	_ =	swait.ge [sflag:s4], $0x300  }
0x82: {  	[sflag:s4] =	ssyncset.done $0x0  }
0x83: {  	[sflag:s4] =	ssyncadd.s32 $0xFFFFFD00  }
0x84: {  	[tilespmem:s6], [sflag:$0x1] =	stream.indirect.gather [hbm4b:s2+s6], $0x80, s3, s6, $0xb8;
	[tilespmem:$0x18300] =	vst v63  }
0x85: {  	_ =	swait.ge [sflag:s7], $0x18000  }
0x86: {  	[sflag:s7] =	ssyncset.done $0x0  }
0x87: {  	[sflag:s7] =	ssyncadd.s32 $0xFFFE8000  }
0x88: {  	[hbm4b:s12+s3] =	stream.linear.scatter [tilespmem:s6], [sflag:$0x2], $0x18000, $0x38;
	[tilespmem:$0x18300] =	vst v63  }
0x89: {  	_ =	swait.ge [sflag:s4], $0x18000  }
0x8a: {  	[sflag:s4] =	ssyncset.done $0x0  }
0x8b: {  	[sflag:s4] =	ssyncadd.s32 $0xFFFE8000  }
0x8c: {  	[tilespmem:s3], [sflag:$0x2] =	stream.linear.gather [hbm4b:s13+s3], $0x300, $0x38;
	[tilespmem:$0x18300] =	vst v63  }
0x8d: {  	_ =	swait.ge [sflag:s4], $0x300  }
0x8e: {  	[sflag:s4] =	ssyncset.done $0x0  }
0x8f: {  	[sflag:s4] =	ssyncadd.s32 $0xFFFFFD00  }
0x90: {  	[tilespmem:s6], [sflag:$0x1] =	stream.indirect.gather [hbm4b:s2+s6], $0x80, s3, s6, $0xb8;
	[tilespmem:$0x18300] =	vst v63  }
0x91: {  	_ =	swait.ge [sflag:s7], $0x18000  }
0x92: {  	[sflag:s7] =	ssyncset.done $0x0  }
0x93: {  	[sflag:s7] =	ssyncadd.s32 $0xFFFE8000  }
0x94: {  	[hbm4b:s14+s3] =	stream.linear.scatter [tilespmem:s6], [sflag:$0x2], $0x18000, $0x38;
	[tilespmem:$0x18300] =	vst v63  }
0x95: {  	_ =	swait.ge [sflag:s4], $0x18000  }
0x96: {  	[sflag:s4] =	ssyncset.done $0x0  }
0x97: {  	[sflag:s4] =	ssyncadd.s32 $0xFFFE8000  }
0x98: {  	[tilespmem:s3], [sflag:$0x2] =	stream.linear.gather [hbm4b:s15+s3], $0x300, $0x38;
	[tilespmem:$0x18300] =	vst v63  }
0x99: {  	_ =	swait.ge [sflag:s4], $0x300  }
0x9a: {  	[sflag:s4] =	ssyncset.done $0x0  }
0x9b: {  	[sflag:s4] =	ssyncadd.s32 $0xFFFFFD00  }
0x9c: {  	[tilespmem:s6], [sflag:$0x1] =	stream.indirect.gather [hbm4b:s2+s6], $0x80, s3, s6, $0xb8;
	[tilespmem:$0x18300] =	vst v63  }
0x9d: {  	_ =	swait.ge [sflag:s7], $0x18000  }
0x9e: {  	[sflag:s7] =	ssyncset.done $0x0  }
0x9f: {  	[sflag:s7] =	ssyncadd.s32 $0xFFFE8000  }
0xa0: {  	[hbm4b:s16+s3] =	stream.linear.scatter [tilespmem:s6], [sflag:$0x2], $0x18000, $0x38;
	[tilespmem:$0x18300] =	vst v63  }
0xa1: {  	_ =	swait.ge [sflag:s4], $0x18000  }
0xa2: {  	[sflag:s4] =	ssyncset.done $0x0  }
0xa3: {  	[sflag:s4] =	ssyncadd.s32 $0xFFFE8000  }
0xa4: {  	[tilespmem:s3], [sflag:$0x2] =	stream.linear.gather [hbm4b:s17+s3], $0x300, $0x38;
	[tilespmem:$0x18300] =	vst v63  }
0xa5: {  	_ =	swait.ge [sflag:s4], $0x300  }
0xa6: {  	[sflag:s4] =	ssyncset.done $0x0  }
0xa7: {  	[sflag:s4] =	ssyncadd.s32 $0xFFFFFD00  }
0xa8: {  	[tilespmem:s6], [sflag:$0x1] =	stream.indirect.gather [hbm4b:s2+s6], $0x80, s3, s6, $0xb8;
	[tilespmem:$0x18300] =	vst v63  }
0xa9: {  	_ =	swait.ge [sflag:s7], $0x18000  }
0xaa: {  	[sflag:s7] =	ssyncset.done $0x0  }
0xab: {  	[sflag:s7] =	ssyncadd.s32 $0xFFFE8000  }
0xac: {  	[hbm4b:s18+s3] =	stream.linear.scatter [tilespmem:s6], [sflag:$0x2], $0x18000, $0x38;
	[tilespmem:$0x18300] =	vst v63  }
0xad: {  	_ =	swait.ge [sflag:s4], $0x18000  }
0xae: {  	[sflag:s4] =	ssyncset.done $0x0  }
0xaf: {  	[sflag:s4] =	ssyncadd.s32 $0xFFFE8000  }
0xb0: {  	[tilespmem:s3], [sflag:$0x2] =	stream.linear.gather [hbm4b:s19+s3], $0x300, $0x38;
	[tilespmem:$0x18300] =	vst v63  }
0xb1: {  	_ =	swait.ge [sflag:s4], $0x300  }
0xb2: {  	[sflag:s4] =	ssyncset.done $0x0  }
0xb3: {  	[sflag:s4] =	ssyncadd.s32 $0xFFFFFD00  }
0xb4: {  	[tilespmem:s6], [sflag:$0x1] =	stream.indirect.gather [hbm4b:s2+s6], $0x80, s3, s6, $0xb8;
	[tilespmem:$0x18300] =	vst v63  }
0xb5: {  	_ =	swait.ge [sflag:s7], $0x18000  }
0xb6: {  	[sflag:s7] =	ssyncset.done $0x0  }
0xb7: {  	[sflag:s7] =	ssyncadd.s32 $0xFFFE8000  }
0xb8: {  	[hbm4b:s20+s3] =	stream.linear.scatter [tilespmem:s6], [sflag:$0x2], $0x18000, $0x38;
	[tilespmem:$0x18300] =	vst v63  }
0xb9: {  	_ =	swait.ge [sflag:s4], $0x18000  }
0xba: {  	[sflag:s4] =	ssyncset.done $0x0  }
0xbb: {  	[sflag:s4] =	ssyncadd.s32 $0xFFFE8000  }
0xbc: {  	[tilespmem:s3], [sflag:$0x2] =	stream.linear.gather [hbm4b:s21+s3], $0x300, $0x38;
	[tilespmem:$0x18300] =	vst v63  }
0xbd: {  	_ =	swait.ge [sflag:s4], $0x300  }
0xbe: {  	[sflag:s4] =	ssyncset.done $0x0  }
0xbf: {  	[sflag:s4] =	ssyncadd.s32 $0xFFFFFD00  }
0xc0: {  	[tilespmem:s6], [sflag:$0x1] =	stream.indirect.gather [hbm4b:s2+s6], $0x80, s3, s6, $0xb8;
	[tilespmem:$0x18300] =	vst v63  }
0xc1: {  	_ =	swait.ge [sflag:s7], $0x18000  }
.Ltmp1:
0xc2: {  	[sflag:s7] =	ssyncset.done $0x0;
	(pc) =	sbr.rel @p0 .LBB2_1-.Ltmp1, $4  }
0xc3: {  	[sflag:s7] =	ssyncadd.s32 $0xFFFE8000  }
0xc4: {  	[hbm4b:s22+s3] =	stream.linear.scatter [tilespmem:s6], [sflag:$0x2], $0x18000, $0x38;
	[tilespmem:$0x18300] =	vst v63  }
0xc5: {  	_ =	swait.ge [sflag:s4], $0x18000  }
0xc6: {  	[sflag:s4] =	ssyncset.done $0x0  }
.LBB2_2:
0xc7: {  	[sflag:s4] =	ssyncadd.s32 $0xFFFE8000  }
0xc8: {  	_ =	sfence.sel $0x180000  }
0xc9: {  	[bflag:$0x0] =	sbarrier.arrive $0xFFFF  }
0xca: {  	p0 =	sne.s32 s0, $0x0;
	_ =	strace $0x9000004A  }
0xcb: {  	s0 =	sadd.s32 @!p0 $0x100000, s1;
	[bflag:$0x2] =	sbarrier.arrive $0xFFFF  }
0xcc: {  	[sflag:s0] =	ssyncadd.tile.s32 @!p0 $0x1;
	_ =	shalt  }
.Lfunc_end2:
_tile_overlayer_lowered:
.L_overlay_start_2:
0xcd: {  	(tag) =	ssettag $0x2  }
0xce: {  	s0 =	rddreg [dreg:$0x0];
	s2 =	stileid.u32  }
0xcf: {  	s1 =	rddreg [dreg:$0x1];
	p0 =	sne.s32 s2, $0x0  }
0xd0: {  	s3 =	rddreg [dreg:$0x2];
	[bflag:$0x3] =	sbarrier.arrive $0xFFFF;
	s2 =	simm.s32 @!p0 $0x1C02  }
0xd1: {  	[timem:s3], [sflag:s2] =	dma.local @!p0 [hbm:s0], s1  }
0xd2: {  	s0 =	simm.s32 @!p0 $0x2  }
0xd3: {  	_ =	swait.ge @!p0 [sflag:s0], s1  }
0xd4: {  	s1 =	ssub.s32 @!p0 $0x0, s1;
	[sflag:s0] =	ssyncset.done @!p0 $0x0  }
0xd5: {  	[sflag:s0] =	ssyncadd.s32 @!p0 s1  }
0xd6: {  	[bflag:$0x3] =	sbarrier.arrive $0xFFFF  }
0xd7: {  	_ =	shalt  }

// kernel: kernel.18.cloned.1.call-start
scs
__scs_entry_jumppad:
0x0: {  	(pc) =	sbr.rel $0x88, $3  }
0x1: {  	(tag) =	ssettag $0x0;
	lr =	simm.s32 $0x1  }
0x2: {  	[smem:$0x3F4E] =	sst lr;
	_ =	strace $0xD0000000  }
0x3: {  	_ = 	snop  }
0x4: {  	_ = 	snop  }
0x5: {  	_ = 	snop  }
0x6: {  	_ = 	snop  }
0x7: {  	_ = 	snop  }
__scs_overlays_trampoline_lowered:
0x8: {  	[smem:$0x3F5D] =	sst s0  }
0x9: {  	[smem:$0x3F5E] =	sst s1  }
0xa: {  	[smem:$0x3F5F] =	sst s2  }
0xb: {  	[smem:$0x3F60] =	sst s3  }
0xc: {  	[smem:$0x3F61] =	sst s4  }
0xd: {  	[smem:$0x3F62] =	sst s5  }
0xe: {  	[smem:$0x3F63] =	sst s6  }
0xf: {  	[smem:$0x3F64] =	sst s7  }
0x10: {  	[smem:$0x3F65] =	sst s8  }
0x11: {  	[smem:$0x3F66] =	sst s9;
	s0 =	simm.s32 @!p0 $0x0  }
0x12: {  	s1 =	sld [smem:$0x3F4C];
	s0 =	simm.s32 @p0 $0x1  }
0x13: {  	[smem:$0x3F67] =	sst s0;
	s0 =	simm.s32 @!p1 $0x0  }
0x14: {  	s2 =	sld [smem:$0x3F4B];
	s0 =	simm.s32 @p1 $0x1  }
0x15: {  	[smem:$0x3F68] =	sst s0;
	s0 =	simm.s32 @!p2 $0x0  }
0x16: {  	s3 =	sld [smem:$0x3FDB];
	s0 =	simm.s32 @p2 $0x1  }
0x17: {  	s4 =	simm.s32 $0x1BF5;
	[smem:$0x3F6A] =	sst s0  }
0x18: {  	s0 =	sld [smem:$0x3F4D];
	_ =	swait.ge [sflag:s4], $0x0  }
0x19: {  	s7 =	sld [smem:$0x3F4E]  }
0x1a: {  	s8 =	sadd.s32 $0xFFFFE003, lr  }
0x1b: {  	s9 =	sadd.s32 $0xFFFFFEF7, lr;
	s5 =	simm.s32 $0xFFFFFFFF;
	p2 =	slt.u32 s8, $0xFFFFF086  }
0x1c: {  	p1 =	slt.u32 s9, $0xF7A;
	s5 =	simm.s32 @!p2 $0x0  }
0x1d: {  	s5 =	simm.s32 @p1 $0x1;
	p0 =	seq.s32 s7, s2  }
0x1e: {  	s7 =	smul.u32 @!p0 $0xF7A, s2;
	p2 =	seq.s32 @!p0 s5, $0x0  }
0x1f: {  	s9 =	smul.u32 $0xF7A, s1;
	s8 =	simm.s32 @!p0 $0x1BF5;
	p2 =	por !p2, p0  }
0x20: {  	[sflag:s8] =	ssyncset.s32 @!p0 $0xFFFFF086;
	s6 =	sadd.s32 @!p0 s3, s7;
	s7 =	simm.s32 @!p0 $0x108  }
0x21: {  	s3 =	sadd.s32 s3, s9;
	s6 =	sadd.s32 @!p0 $0x88, s6;
	s7 =	simm.s32 @p2 $0x1082  }
0x22: {  	[simem:s7], [sflag:s8] =	dma.local @!p0 [hbm:s6], $0xF7A  }
0x23: {  	s9 =	sor.u32 $0xD0000000, s2;
	s6 =	simm.s32 $0x108;
	_ =	swait.ge @!p0 [sflag:s8], $0x0  }
0x24: {  	s3 =	sadd.s32 $0x88, s3;
	s6 =	simm.s32 @!p1 $0x1082;
	[sflag:s4] =	ssyncset.s32 $0xFFFFF086  }
0x25: {  	[simem:s6], [sflag:s4] =	dma.local [hbm:s3], $0xF7A  }
0x26: {  	[smem:$0x3F4E] =	sst s1;
	(tag) =	ssettag s2;
	_ =	strace s9  }
0x27: {  	s1 =	sld [smem:$0x3F5E]  }
0x28: {  	s2 =	sld [smem:$0x3F5F]  }
0x29: {  	s4 =	sld [smem:$0x3F61]  }
0x2a: {  	p0 =	seq.s32 s5, $0x0;
	s5 =	sld [smem:$0x3F62]  }
0x2b: {  	s6 =	sld [smem:$0x3F63]  }
0x2c: {  	s7 =	sld [smem:$0x3F64]  }
0x2d: {  	s3 =	simm.s32 $0x108;
	s8 =	sld [smem:$0x3F65]  }
0x2e: {  	s3 =	simm.s32 @!p0 $0x1082;
	s9 =	sld [smem:$0x3F66]  }
0x2f: {  	lr =	sadd.s32 s0, s3;
	s0 =	sld [smem:$0x3F5D]  }
0x30: {  	s3 =	sld [smem:$0x3F60]  }
0x31: {  	[smem:$0x3F69] =	sst s10  }
0x32: {  	s10 =	sld [smem:$0x3F67];
	_ =	sdelay $0x3  }
0x33: {  	p0 =	seq.s32 s10, $0x1;
	s10 =	sld [smem:$0x3F69];
	_ =	sdelay $0x3  }
0x34: {  	[smem:$0x3F69] =	sst s10  }
0x35: {  	s10 =	sld [smem:$0x3F68];
	_ =	sdelay $0x3  }
0x36: {  	p1 =	seq.s32 s10, $0x1;
	s10 =	sld [smem:$0x3F69];
	_ =	sdelay $0x3  }
0x37: {  	[smem:$0x3F69] =	sst s10  }
0x38: {  	s10 =	sld [smem:$0x3F6A]  }
0x39: {  	_ = 	snop;
	(pc) =	sbr.ind lr, $3  }
0x3a: {  	_ = 	snop  }
0x3b: {  	_ = 	snop  }
0x3c: {  	p2 =	seq.s32 s10, $0x1;
	s10 =	sld [smem:$0x3F69]  }
0x3d: {  	_ =	shalt  }
0x3e: {  	_ =	shalt  }
0x3f: {  	_ =	shalt  }
0x40: {  	_ =	shalt  }
0x41: {  	_ =	shalt  }
0x42: {  	_ =	shalt  }
0x43: {  	_ =	shalt  }
0x44: {  	_ =	shalt  }
0x45: {  	_ =	shalt  }
0x46: {  	_ =	shalt  }
0x47: {  	_ =	shalt  }
0x48: {  	_ =	shalt  }
0x49: {  	_ =	shalt  }
0x4a: {  	_ =	shalt  }
0x4b: {  	_ =	shalt  }
0x4c: {  	_ =	shalt  }
0x4d: {  	_ =	shalt  }
0x4e: {  	_ =	shalt  }
0x4f: {  	_ =	shalt  }
0x50: {  	_ =	shalt  }
0x51: {  	_ =	shalt  }
0x52: {  	_ =	shalt  }
0x53: {  	_ =	shalt  }
0x54: {  	_ =	shalt  }
0x55: {  	_ =	shalt  }
0x56: {  	_ =	shalt  }
0x57: {  	_ =	shalt  }
0x58: {  	_ =	shalt  }
0x59: {  	_ =	shalt  }
0x5a: {  	_ =	shalt  }
0x5b: {  	_ =	shalt  }
0x5c: {  	_ =	shalt  }
0x5d: {  	_ =	shalt  }
0x5e: {  	_ =	shalt  }
0x5f: {  	_ =	shalt  }
0x60: {  	_ =	shalt  }
0x61: {  	_ =	shalt  }
0x62: {  	_ =	shalt  }
0x63: {  	_ =	shalt  }
0x64: {  	_ =	shalt  }
0x65: {  	_ =	shalt  }
0x66: {  	_ =	shalt  }
0x67: {  	_ =	shalt  }
0x68: {  	_ =	shalt  }
0x69: {  	_ =	shalt  }
0x6a: {  	_ =	shalt  }
0x6b: {  	_ =	shalt  }
0x6c: {  	_ =	shalt  }
0x6d: {  	_ =	shalt  }
0x6e: {  	_ =	shalt  }
0x6f: {  	_ =	shalt  }
0x70: {  	_ =	shalt  }
0x71: {  	_ =	shalt  }
0x72: {  	_ =	shalt  }
0x73: {  	_ =	shalt  }
0x74: {  	_ =	shalt  }
0x75: {  	_ =	shalt  }
0x76: {  	_ =	shalt  }
0x77: {  	_ =	shalt  }
0x78: {  	_ =	shalt  }
0x79: {  	_ =	shalt  }
0x7a: {  	_ =	shalt  }
0x7b: {  	_ =	shalt  }
0x7c: {  	_ =	shalt  }
0x7d: {  	_ =	shalt  }
0x7e: {  	_ =	shalt  }
0x7f: {  	_ =	shalt  }
0x80: {  	_ =	shalt  }
0x81: {  	_ =	shalt  }
0x82: {  	_ =	shalt  }
0x83: {  	_ =	shalt  }
0x84: {  	_ =	shalt  }
0x85: {  	_ =	shalt  }
0x86: {  	_ =	shalt  }
0x87: {  	_ =	shalt  }
.Lfunc_end0:
.L_simem_size_0:
called_computation.2_lowered:
.L_overlay_start_0:
0x88: {  	s2 =	sld [smem:$0x3FD9]  }
0x89: {  	s3 =	sld [smem:$0x3FFE];
	_ =	sdelay $0x1  }
0x8a: {  	s1 =	srdreg.scid  }
0x8b: {  	s0 =	sand.u32 $0x1, s1  }
0x8c: {  	s16 =	sshll.u32 s0, $0xA;
	s2 =	sadd.s32 s3, s2  }
0x8d: {  	s2 =	sadd.s32 s2, s16  }
0x8e: {  	[smem:$0x3F75] =	sst s2  }
0x8f: {  	_ = 	snop  }
0x90: {  	(tm) =	ssettm $0x1  }
0x91: {  	s17 =	sld [smem:$0x3FFB];
	_ =	sdelay $0x3  }
0x92: {  	_ =	strace s17  }
0x93: {  	s2 =	sld [smem:$0x3FFC];
	_ =	sdelay $0x3  }
0x94: {  	_ =	strace s2  }
0x95: {  	s2 =	sld [smem:$0x3FFD];
	_ =	sdelay $0x3  }
0x96: {  	_ =	strace s2  }
0x97: {  	_ =	strace $0x8FFFFFFF  }
0x98: {  	s18 =	sld [smem:$0x3FDB];
	_ =	sdelay $0x1  }
0x99: {  	s19 =	simm.s32 $_scs_section_size  }
0x9a: {  	s4 =	simm.s32 $_size__tile_overlayer_lowered;
	s5 =	simm.s32 $_tile_overlayer_lowered  }
0x9b: {  	s22 =	simm.s32 $0x1BFF;
	s21 =	sshll.u32 s5, $0x1;
	s2 =	sadd.s32 s19, s18  }
0x9c: {  	s6 =	simm.s32 $0x0;
	s20 =	sshll.u32 s4, $0x1;
	s4 =	sadd.s32 s21, s2  }
0x9d: {  	[timem:s6], [sflag:s22] =	dma.local [hbm:s4], s20  }
0x9e: {  	_ =	swait.ge [sflag:s22], s20  }
0x9f: {  	s3 =	ssub.s32 $0x0, s20;
	[sflag:s22] =	ssyncset.done $0x0  }
0xa0: {  	[sflag:s22] =	ssyncadd.s32 s3;
	_ =	sdelay $0x1  }
0xa1: {  	s23 =	simm.s32 $0x1B8B  }
0xa2: {  	_ =	swait.ge [sflag:s23], $0x1  }
0xa3: {  	[sflag:s23] =	ssyncset.done $0x0  }
0xa4: {  	s25 =	simm.s32 $0x1B8E;
	s24 =	sld [smem:$0x3FFE];
	[sflag:s23] =	ssyncadd.s32 $0xFFFFFFFF  }
0xa5: {  	s26 =	simm.s32 $execute0_lowered;
	[smem:$0x3FD2] =	sst s25  }
0xa6: {  	s4 =	sshll.u32 s26, $0x1;
	_ =	strace $0x8000004C;
	[dreg:$0x1] =	wrdreg $0xFFFFFFFF  }
0xa7: {  	s28 =	simm.s32 $_size_execute0_lowered;
	s2 =	sadd.s32 s2, s4;
	[dreg:$0x0] =	wrdreg $0x0  }
0xa8: {  	s4 =	sshll.u32 s28, $0x1;
	[dreg:$0x2] =	wrdreg s2  }
0xa9: {  	[dreg:$0x3] =	wrdreg s4  }
0xaa: {  	[dreg:$0x4] =	wrdreg $0xC0  }
0xab: {  	_ =	task [dreg:s6], $0x5FFFF  }
0xac: {  	[dreg:$0x1] =	wrdreg $0xFFFFFFFF  }
0xad: {  	[dreg:$0x0] =	wrdreg $0x60  }
0xae: {  	[dreg:$0x2] =	wrdreg s24  }
0xaf: {  	[dreg:$0x3] =	wrdreg $0x9  }
0xb0: {  	_ =	task.clear_ibuf [dreg:s6], $0x4FFFF;
	_ =	strace $0x9000004C  }
0xb1: {  	s29 =	simm.s32 $0x9;
	_ =	strace $0x8000004E  }
0xb2: {  	_ =	swait.ge [sflag:s29], $0x1  }
0xb3: {  	[sflag:s29] =	ssyncadd.s32 $0xFFFFFFFF  }
0xb4: {  	_ =	strace $0x9000004E  }
0xb5: {  	_ =	sfence  }
0xb6: {  	s30 =	sld [smem:$0x0];
	_ =	sdelay $0x2  }
0xb7: {  	s31 =	sshll.u32 s1, $0xD;
	s1 =	sshrl.u32 s1, $0x2  }
0xb8: {  	s3 =	sand.u32 $0x4000, s31;
	s1 =	sadd.s32 s1, s30  }
0xb9: {  	s0 =	sor.u32 s3, s0;
	s1 =	sshll.u32 s1, $0x11  }
0xba: {  	s0 =	sor.u32 s1, s0  }
0xbb: {  	s0 =	sadd.s32 $0x8F2B, s0  }
0xbc: {  	[sflag:s0] =	ssyncadd.remote.s32 $0x1  }
0xbd: {  	_ =	sfence.sel $0xFFFF  }
0xbe: {  	[dreg:$0x0] =	wrdreg $0xFFFFFFFF;
	(pc) =	sbr.abs _section_cstart, $3  }
0xbf: {  	[dreg:$0x1] =	wrdreg $0xFFFFFFFF  }
0xc0: {  	_ =	task.clear_ibuf [dreg:s6], $0x2FFFF;
	_ =	strace $0x9FFFFFFF  }
0xc1: {  	(tm) =	ssettm $0x7FFFFFFF  }
tec
execute0_lowered:
.L_overlay_start_1:
0x0: {  	(tag) =	ssettag $0x1  }
0x1: {  	s1 =	srdreg.scid;
	s0 =	stileid.u32  }
0x2: {  	s14 =	sand.u32 $0x1, s1;
	s28 =	sshll.u32 s0, $0x1  }
0x3: {  	s8 =	sor.u32 s14, s28  }
0x4: {  	s9 =	rddreg [dreg:$0x0];
	s13 =	smul.u32 $0xC00, s8  }
0x5: {  	s2 =	simm.s32 $0x0;
	s1 =	rddreg [dreg:$0x1]  }
0x6: {  	[smem:$0x7FF] =	sst s2;
	s15 =	sadd.s32 $0x60E00, s9;
	s3 =	sshrl.u32 s13, $0x3  }
0x7: {  	_ =	strace $0x8000004D;
	s4 =	sadd.s32 s15, s3;
	s3 =	simm.s32 $0x2  }
0x8: {  	[tilespmem:s2], [sflag:$0x2] =	stream.linear.gather [hbm4b:s4+s2], $0x300, $0x38;
	[tilespmem:$0x18300] =	vst v63  }
0x9: {  	_ =	swait.ge [sflag:s3], $0x300  }
0xa: {  	s6 =	simm.s32 $0x300;
	[sflag:s3] =	ssyncset.done $0x0  }
0xb: {  	s7 =	simm.s32 $0x1;
	s5 =	sadd.s32 $0x18000, s9;
	[sflag:s3] =	ssyncadd.s32 $0xFFFFFD00  }
0xc: {  	[tilespmem:s6], [sflag:$0x1] =	stream.indirect.gather [hbm4b:s5+s6], $0x80, s2, s6, $0xb8;
	[tilespmem:$0x18300] =	vst v63  }
0xd: {  	s8 =	smul.u32 $0xC000, s8;
	_ =	swait.ge [sflag:s7], $0x18000  }
0xe: {  	s16 =	sadd.s32 $0x63E00, s9;
	[sflag:s7] =	ssyncset.done $0x0  }
0xf: {  	s8 =	sadd.s32 s16, s8;
	[sflag:s7] =	ssyncadd.s32 $0xFFFE8000  }
0x10: {  	[hbm4b:s8+s2] =	stream.linear.scatter [tilespmem:s6], [sflag:$0x2], $0x18000, $0x38;
	[tilespmem:$0x18300] =	vst v63  }
0x11: {  	s10 =	sor.u32 $0x300, s13;
	_ =	swait.ge [sflag:s3], $0x18000  }
0x12: {  	s29 =	sshrl.u32 s10, $0x3;
	[sflag:s3] =	ssyncset.done $0x0  }
0x13: {  	s9 =	sadd.s32 s15, s29;
	[sflag:s3] =	ssyncadd.s32 $0xFFFE8000  }
0x14: {  	[tilespmem:s2], [sflag:$0x2] =	stream.linear.gather [hbm4b:s9+s2], $0x300, $0x38;
	[tilespmem:$0x18300] =	vst v63  }
0x15: {  	_ =	swait.ge [sflag:s3], $0x300  }
0x16: {  	[sflag:s3] =	ssyncset.done $0x0  }
0x17: {  	[sflag:s3] =	ssyncadd.s32 $0xFFFFFD00  }
0x18: {  	[tilespmem:s6], [sflag:$0x1] =	stream.indirect.gather [hbm4b:s5+s6], $0x80, s2, s6, $0xb8;
	[tilespmem:$0x18300] =	vst v63  }
0x19: {  	_ =	swait.ge [sflag:s7], $0x18000  }
0x1a: {  	s10 =	sshll.u32 s10, $0x4;
	[sflag:s7] =	ssyncset.done $0x0  }
0x1b: {  	s10 =	sadd.s32 s16, s10;
	[sflag:s7] =	ssyncadd.s32 $0xFFFE8000  }
0x1c: {  	[hbm4b:s10+s2] =	stream.linear.scatter [tilespmem:s6], [sflag:$0x2], $0x18000, $0x38;
	[tilespmem:$0x18300] =	vst v63  }
0x1d: {  	s12 =	sadd.s32 $0x600, s13;
	_ =	swait.ge [sflag:s3], $0x18000  }
0x1e: {  	s11 =	sshrl.u32 s12, $0x3;
	[sflag:s3] =	ssyncset.done $0x0  }
0x1f: {  	s11 =	sadd.s32 s15, s11;
	[sflag:s3] =	ssyncadd.s32 $0xFFFE8000  }
0x20: {  	[tilespmem:s2], [sflag:$0x2] =	stream.linear.gather [hbm4b:s11+s2], $0x300, $0x38;
	[tilespmem:$0x18300] =	vst v63  }
0x21: {  	_ =	swait.ge [sflag:s3], $0x300  }
0x22: {  	[sflag:s3] =	ssyncset.done $0x0  }
0x23: {  	[sflag:s3] =	ssyncadd.s32 $0xFFFFFD00  }
0x24: {  	[tilespmem:s6], [sflag:$0x1] =	stream.indirect.gather [hbm4b:s5+s6], $0x80, s2, s6, $0xb8;
	[tilespmem:$0x18300] =	vst v63  }
0x25: {  	_ =	swait.ge [sflag:s7], $0x18000  }
0x26: {  	s12 =	sshll.u32 s12, $0x4;
	[sflag:s7] =	ssyncset.done $0x0  }
0x27: {  	s12 =	sadd.s32 s16, s12;
	[sflag:s7] =	ssyncadd.s32 $0xFFFE8000  }
0x28: {  	[hbm4b:s12+s2] =	stream.linear.scatter [tilespmem:s6], [sflag:$0x2], $0x18000, $0x38;
	[tilespmem:$0x18300] =	vst v63  }
0x29: {  	s17 =	sadd.s32 $0x900, s13;
	_ =	swait.ge [sflag:s3], $0x18000  }
0x2a: {  	s13 =	sshrl.u32 s17, $0x3;
	[sflag:s3] =	ssyncset.done $0x0  }
0x2b: {  	s14 =	ssub.s32 $0x2, s14;
	s13 =	sadd.s32 s15, s13;
	[sflag:s3] =	ssyncadd.s32 $0xFFFE8000  }
0x2c: {  	[tilespmem:s2], [sflag:$0x2] =	stream.linear.gather [hbm4b:s13+s2], $0x300, $0x38;
	[tilespmem:$0x18300] =	vst v63  }
0x2d: {  	s30 =	sshrl.u32 s14, $0x1;
	_ =	swait.ge [sflag:s3], $0x300  }
0x2e: {  	s15 =	ssub.s32 s14, s30;
	[sflag:s3] =	ssyncset.done $0x0  }
0x2f: {  	s15 =	smax.u32 s15, $0x1;
	[sflag:s3] =	ssyncadd.s32 $0xFFFFFD00  }
0x30: {  	[tilespmem:s6], [sflag:$0x1] =	stream.indirect.gather [hbm4b:s5+s6], $0x80, s2, s6, $0xb8;
	[tilespmem:$0x18300] =	vst v63  }
0x31: {  	p0 =	sne.s32 s15, $0x1;
	_ =	swait.ge [sflag:s7], $0x18000  }
.Ltmp0:
0x32: {  	s31 =	sshll.u32 s17, $0x4;
	[sflag:s7] =	ssyncset.done $0x0;
	(pc) =	sbr.rel @!p0 .LBB2_2-.Ltmp0, $4  }
0x33: {  	s14 =	sadd.s32 s16, s31;
	[sflag:s7] =	ssyncadd.s32 $0xFFFE8000  }
0x34: {  	[hbm4b:s14+s2] =	stream.linear.scatter [tilespmem:s6], [sflag:$0x2], $0x18000, $0x38;
	[tilespmem:$0x18300] =	vst v63  }
0x35: {  	_ =	swait.ge [sflag:s3], $0x18000  }
0x36: {  	s15 =	sadd.s32 $0xFFFFFFFF, s15;
	[sflag:s3] =	ssyncset.done $0x0  }
.LBB2_1:
0x37: {  	p0 =	sne.s32 s15, $0x1;
	s15 =	sadd.s32 $0xFFFFFFFF, s15;
	[sflag:s3] =	ssyncadd.s32 $0xFFFE8000  }
0x38: {  	[tilespmem:s2], [sflag:$0x2] =	stream.linear.gather [hbm4b:s4+s2], $0x300, $0x38;
	[tilespmem:$0x18300] =	vst v63  }
0x39: {  	_ =	swait.ge [sflag:s3], $0x300  }
0x3a: {  	[sflag:s3] =	ssyncset.done $0x0  }
0x3b: {  	[sflag:s3] =	ssyncadd.s32 $0xFFFFFD00  }
0x3c: {  	[tilespmem:s6], [sflag:$0x1] =	stream.indirect.gather [hbm4b:s5+s6], $0x80, s2, s6, $0xb8;
	[tilespmem:$0x18300] =	vst v63  }
0x3d: {  	_ =	swait.ge [sflag:s7], $0x18000  }
0x3e: {  	[sflag:s7] =	ssyncset.done $0x0  }
0x3f: {  	[sflag:s7] =	ssyncadd.s32 $0xFFFE8000  }
0x40: {  	[hbm4b:s8+s2] =	stream.linear.scatter [tilespmem:s6], [sflag:$0x2], $0x18000, $0x38;
	[tilespmem:$0x18300] =	vst v63  }
0x41: {  	_ =	swait.ge [sflag:s3], $0x18000  }
0x42: {  	[sflag:s3] =	ssyncset.done $0x0  }
0x43: {  	[sflag:s3] =	ssyncadd.s32 $0xFFFE8000  }
0x44: {  	[tilespmem:s2], [sflag:$0x2] =	stream.linear.gather [hbm4b:s9+s2], $0x300, $0x38;
	[tilespmem:$0x18300] =	vst v63  }
0x45: {  	_ =	swait.ge [sflag:s3], $0x300  }
0x46: {  	[sflag:s3] =	ssyncset.done $0x0  }
0x47: {  	[sflag:s3] =	ssyncadd.s32 $0xFFFFFD00  }
0x48: {  	[tilespmem:s6], [sflag:$0x1] =	stream.indirect.gather [hbm4b:s5+s6], $0x80, s2, s6, $0xb8;
	[tilespmem:$0x18300] =	vst v63  }
0x49: {  	_ =	swait.ge [sflag:s7], $0x18000  }
0x4a: {  	[sflag:s7] =	ssyncset.done $0x0  }
0x4b: {  	[sflag:s7] =	ssyncadd.s32 $0xFFFE8000  }
0x4c: {  	[hbm4b:s10+s2] =	stream.linear.scatter [tilespmem:s6], [sflag:$0x2], $0x18000, $0x38;
	[tilespmem:$0x18300] =	vst v63  }
0x4d: {  	_ =	swait.ge [sflag:s3], $0x18000  }
0x4e: {  	[sflag:s3] =	ssyncset.done $0x0  }
0x4f: {  	[sflag:s3] =	ssyncadd.s32 $0xFFFE8000  }
0x50: {  	[tilespmem:s2], [sflag:$0x2] =	stream.linear.gather [hbm4b:s11+s2], $0x300, $0x38;
	[tilespmem:$0x18300] =	vst v63  }
0x51: {  	_ =	swait.ge [sflag:s3], $0x300  }
0x52: {  	[sflag:s3] =	ssyncset.done $0x0  }
0x53: {  	[sflag:s3] =	ssyncadd.s32 $0xFFFFFD00  }
0x54: {  	[tilespmem:s6], [sflag:$0x1] =	stream.indirect.gather [hbm4b:s5+s6], $0x80, s2, s6, $0xb8;
	[tilespmem:$0x18300] =	vst v63  }
0x55: {  	_ =	swait.ge [sflag:s7], $0x18000  }
0x56: {  	[sflag:s7] =	ssyncset.done $0x0  }
0x57: {  	[sflag:s7] =	ssyncadd.s32 $0xFFFE8000  }
0x58: {  	[hbm4b:s12+s2] =	stream.linear.scatter [tilespmem:s6], [sflag:$0x2], $0x18000, $0x38;
	[tilespmem:$0x18300] =	vst v63  }
0x59: {  	_ =	swait.ge [sflag:s3], $0x18000  }
0x5a: {  	[sflag:s3] =	ssyncset.done $0x0  }
0x5b: {  	[sflag:s3] =	ssyncadd.s32 $0xFFFE8000  }
0x5c: {  	[tilespmem:s2], [sflag:$0x2] =	stream.linear.gather [hbm4b:s13+s2], $0x300, $0x38;
	[tilespmem:$0x18300] =	vst v63  }
0x5d: {  	_ =	swait.ge [sflag:s3], $0x300  }
0x5e: {  	[sflag:s3] =	ssyncset.done $0x0  }
0x5f: {  	[sflag:s3] =	ssyncadd.s32 $0xFFFFFD00  }
0x60: {  	[tilespmem:s6], [sflag:$0x1] =	stream.indirect.gather [hbm4b:s5+s6], $0x80, s2, s6, $0xb8;
	[tilespmem:$0x18300] =	vst v63  }
0x61: {  	_ =	swait.ge [sflag:s7], $0x18000  }
.Ltmp1:
0x62: {  	[sflag:s7] =	ssyncset.done $0x0;
	(pc) =	sbr.rel @p0 .LBB2_1-.Ltmp1, $4  }
0x63: {  	[sflag:s7] =	ssyncadd.s32 $0xFFFE8000  }
0x64: {  	[hbm4b:s14+s2] =	stream.linear.scatter [tilespmem:s6], [sflag:$0x2], $0x18000, $0x38;
	[tilespmem:$0x18300] =	vst v63  }
0x65: {  	_ =	swait.ge [sflag:s3], $0x18000  }
0x66: {  	[sflag:s3] =	ssyncset.done $0x0  }
.LBB2_2:
0x67: {  	[sflag:s3] =	ssyncadd.s32 $0xFFFE8000  }
0x68: {  	_ =	sfence.sel $0x180000  }
0x69: {  	[bflag:$0x0] =	sbarrier.arrive $0xFFFF  }
0x6a: {  	p0 =	sne.s32 s0, $0x0;
	_ =	strace $0x9000004D  }
0x6b: {  	s0 =	sadd.s32 @!p0 $0x100000, s1;
	[bflag:$0x2] =	sbarrier.arrive $0xFFFF  }
0x6c: {  	[sflag:s0] =	ssyncadd.tile.s32 @!p0 $0x1;
	_ =	shalt  }
.Lfunc_end2:
_tile_overlayer_lowered:
.L_overlay_start_2:
0x6d: {  	(tag) =	ssettag $0x2  }
0x6e: {  	s0 =	rddreg [dreg:$0x0];
	s2 =	stileid.u32  }
0x6f: {  	s1 =	rddreg [dreg:$0x1];
	p0 =	sne.s32 s2, $0x0  }
0x70: {  	s3 =	rddreg [dreg:$0x2];
	[bflag:$0x3] =	sbarrier.arrive $0xFFFF;
	s2 =	simm.s32 @!p0 $0x1C02  }
0x71: {  	[timem:s3], [sflag:s2] =	dma.local @!p0 [hbm:s0], s1  }
0x72: {  	s0 =	simm.s32 @!p0 $0x2  }
0x73: {  	_ =	swait.ge @!p0 [sflag:s0], s1  }
0x74: {  	s1 =	ssub.s32 @!p0 $0x0, s1;
	[sflag:s0] =	ssyncset.done @!p0 $0x0  }
0x75: {  	[sflag:s0] =	ssyncadd.s32 @!p0 s1  }
0x76: {  	[bflag:$0x3] =	sbarrier.arrive $0xFFFF  }
0x77: {  	_ =	shalt  }

// kernel: kernel.21.cloned.1.call-start
scs
__scs_entry_jumppad:
0x0: {  	(pc) =	sbr.rel $0x88, $3  }
0x1: {  	(tag) =	ssettag $0x0;
	lr =	simm.s32 $0x1  }
0x2: {  	[smem:$0x3F4E] =	sst lr;
	_ =	strace $0xD0000000  }
0x3: {  	_ = 	snop  }
0x4: {  	_ = 	snop  }
0x5: {  	_ = 	snop  }
0x6: {  	_ = 	snop  }
0x7: {  	_ = 	snop  }
__scs_overlays_trampoline_lowered:
0x8: {  	[smem:$0x3F5D] =	sst s0  }
0x9: {  	[smem:$0x3F5E] =	sst s1  }
0xa: {  	[smem:$0x3F5F] =	sst s2  }
0xb: {  	[smem:$0x3F60] =	sst s3  }
0xc: {  	[smem:$0x3F61] =	sst s4  }
0xd: {  	[smem:$0x3F62] =	sst s5  }
0xe: {  	[smem:$0x3F63] =	sst s6  }
0xf: {  	[smem:$0x3F64] =	sst s7  }
0x10: {  	[smem:$0x3F65] =	sst s8  }
0x11: {  	[smem:$0x3F66] =	sst s9;
	s0 =	simm.s32 @!p0 $0x0  }
0x12: {  	s1 =	sld [smem:$0x3F4C];
	s0 =	simm.s32 @p0 $0x1  }
0x13: {  	[smem:$0x3F67] =	sst s0;
	s0 =	simm.s32 @!p1 $0x0  }
0x14: {  	s2 =	sld [smem:$0x3F4B];
	s0 =	simm.s32 @p1 $0x1  }
0x15: {  	[smem:$0x3F68] =	sst s0;
	s0 =	simm.s32 @!p2 $0x0  }
0x16: {  	s3 =	sld [smem:$0x3FDB];
	s0 =	simm.s32 @p2 $0x1  }
0x17: {  	s4 =	simm.s32 $0x1BF5;
	[smem:$0x3F6A] =	sst s0  }
0x18: {  	s0 =	sld [smem:$0x3F4D];
	_ =	swait.ge [sflag:s4], $0x0  }
0x19: {  	s7 =	sld [smem:$0x3F4E]  }
0x1a: {  	s8 =	sadd.s32 $0xFFFFE003, lr  }
0x1b: {  	s9 =	sadd.s32 $0xFFFFFEF7, lr;
	s5 =	simm.s32 $0xFFFFFFFF;
	p2 =	slt.u32 s8, $0xFFFFF086  }
0x1c: {  	p1 =	slt.u32 s9, $0xF7A;
	s5 =	simm.s32 @!p2 $0x0  }
0x1d: {  	s5 =	simm.s32 @p1 $0x1;
	p0 =	seq.s32 s7, s2  }
0x1e: {  	s7 =	smul.u32 @!p0 $0xF7A, s2;
	p2 =	seq.s32 @!p0 s5, $0x0  }
0x1f: {  	s9 =	smul.u32 $0xF7A, s1;
	s8 =	simm.s32 @!p0 $0x1BF5;
	p2 =	por !p2, p0  }
0x20: {  	[sflag:s8] =	ssyncset.s32 @!p0 $0xFFFFF086;
	s6 =	sadd.s32 @!p0 s3, s7;
	s7 =	simm.s32 @!p0 $0x108  }
0x21: {  	s3 =	sadd.s32 s3, s9;
	s6 =	sadd.s32 @!p0 $0x88, s6;
	s7 =	simm.s32 @p2 $0x1082  }
0x22: {  	[simem:s7], [sflag:s8] =	dma.local @!p0 [hbm:s6], $0xF7A  }
0x23: {  	s9 =	sor.u32 $0xD0000000, s2;
	s6 =	simm.s32 $0x108;
	_ =	swait.ge @!p0 [sflag:s8], $0x0  }
0x24: {  	s3 =	sadd.s32 $0x88, s3;
	s6 =	simm.s32 @!p1 $0x1082;
	[sflag:s4] =	ssyncset.s32 $0xFFFFF086  }
0x25: {  	[simem:s6], [sflag:s4] =	dma.local [hbm:s3], $0xF7A  }
0x26: {  	[smem:$0x3F4E] =	sst s1;
	(tag) =	ssettag s2;
	_ =	strace s9  }
0x27: {  	s1 =	sld [smem:$0x3F5E]  }
0x28: {  	s2 =	sld [smem:$0x3F5F]  }
0x29: {  	s4 =	sld [smem:$0x3F61]  }
0x2a: {  	p0 =	seq.s32 s5, $0x0;
	s5 =	sld [smem:$0x3F62]  }
0x2b: {  	s6 =	sld [smem:$0x3F63]  }
0x2c: {  	s7 =	sld [smem:$0x3F64]  }
0x2d: {  	s3 =	simm.s32 $0x108;
	s8 =	sld [smem:$0x3F65]  }
0x2e: {  	s3 =	simm.s32 @!p0 $0x1082;
	s9 =	sld [smem:$0x3F66]  }
0x2f: {  	lr =	sadd.s32 s0, s3;
	s0 =	sld [smem:$0x3F5D]  }
0x30: {  	s3 =	sld [smem:$0x3F60]  }
0x31: {  	[smem:$0x3F69] =	sst s10  }
0x32: {  	s10 =	sld [smem:$0x3F67];
	_ =	sdelay $0x3  }
0x33: {  	p0 =	seq.s32 s10, $0x1;
	s10 =	sld [smem:$0x3F69];
	_ =	sdelay $0x3  }
0x34: {  	[smem:$0x3F69] =	sst s10  }
0x35: {  	s10 =	sld [smem:$0x3F68];
	_ =	sdelay $0x3  }
0x36: {  	p1 =	seq.s32 s10, $0x1;
	s10 =	sld [smem:$0x3F69];
	_ =	sdelay $0x3  }
0x37: {  	[smem:$0x3F69] =	sst s10  }
0x38: {  	s10 =	sld [smem:$0x3F6A]  }
0x39: {  	_ = 	snop;
	(pc) =	sbr.ind lr, $3  }
0x3a: {  	_ = 	snop  }
0x3b: {  	_ = 	snop  }
0x3c: {  	p2 =	seq.s32 s10, $0x1;
	s10 =	sld [smem:$0x3F69]  }
0x3d: {  	_ =	shalt  }
0x3e: {  	_ =	shalt  }
0x3f: {  	_ =	shalt  }
0x40: {  	_ =	shalt  }
0x41: {  	_ =	shalt  }
0x42: {  	_ =	shalt  }
0x43: {  	_ =	shalt  }
0x44: {  	_ =	shalt  }
0x45: {  	_ =	shalt  }
0x46: {  	_ =	shalt  }
0x47: {  	_ =	shalt  }
0x48: {  	_ =	shalt  }
0x49: {  	_ =	shalt  }
0x4a: {  	_ =	shalt  }
0x4b: {  	_ =	shalt  }
0x4c: {  	_ =	shalt  }
0x4d: {  	_ =	shalt  }
0x4e: {  	_ =	shalt  }
0x4f: {  	_ =	shalt  }
0x50: {  	_ =	shalt  }
0x51: {  	_ =	shalt  }
0x52: {  	_ =	shalt  }
0x53: {  	_ =	shalt  }
0x54: {  	_ =	shalt  }
0x55: {  	_ =	shalt  }
0x56: {  	_ =	shalt  }
0x57: {  	_ =	shalt  }
0x58: {  	_ =	shalt  }
0x59: {  	_ =	shalt  }
0x5a: {  	_ =	shalt  }
0x5b: {  	_ =	shalt  }
0x5c: {  	_ =	shalt  }
0x5d: {  	_ =	shalt  }
0x5e: {  	_ =	shalt  }
0x5f: {  	_ =	shalt  }
0x60: {  	_ =	shalt  }
0x61: {  	_ =	shalt  }
0x62: {  	_ =	shalt  }
0x63: {  	_ =	shalt  }
0x64: {  	_ =	shalt  }
0x65: {  	_ =	shalt  }
0x66: {  	_ =	shalt  }
0x67: {  	_ =	shalt  }
0x68: {  	_ =	shalt  }
0x69: {  	_ =	shalt  }
0x6a: {  	_ =	shalt  }
0x6b: {  	_ =	shalt  }
0x6c: {  	_ =	shalt  }
0x6d: {  	_ =	shalt  }
0x6e: {  	_ =	shalt  }
0x6f: {  	_ =	shalt  }
0x70: {  	_ =	shalt  }
0x71: {  	_ =	shalt  }
0x72: {  	_ =	shalt  }
0x73: {  	_ =	shalt  }
0x74: {  	_ =	shalt  }
0x75: {  	_ =	shalt  }
0x76: {  	_ =	shalt  }
0x77: {  	_ =	shalt  }
0x78: {  	_ =	shalt  }
0x79: {  	_ =	shalt  }
0x7a: {  	_ =	shalt  }
0x7b: {  	_ =	shalt  }
0x7c: {  	_ =	shalt  }
0x7d: {  	_ =	shalt  }
0x7e: {  	_ =	shalt  }
0x7f: {  	_ =	shalt  }
0x80: {  	_ =	shalt  }
0x81: {  	_ =	shalt  }
0x82: {  	_ =	shalt  }
0x83: {  	_ =	shalt  }
0x84: {  	_ =	shalt  }
0x85: {  	_ =	shalt  }
0x86: {  	_ =	shalt  }
0x87: {  	_ =	shalt  }
.Lfunc_end0:
.L_simem_size_0:
called_computation.3_lowered:
.L_overlay_start_0:
0x88: {  	s2 =	sld [smem:$0x3FD9]  }
0x89: {  	s3 =	sld [smem:$0x3FFE];
	_ =	sdelay $0x1  }
0x8a: {  	s1 =	srdreg.scid  }
0x8b: {  	s0 =	sand.u32 $0x1, s1  }
0x8c: {  	s14 =	sshll.u32 s0, $0xA;
	s2 =	sadd.s32 s3, s2  }
0x8d: {  	s2 =	sadd.s32 s2, s14  }
0x8e: {  	[smem:$0x3F75] =	sst s2  }
0x8f: {  	_ = 	snop  }
0x90: {  	s2 =	sld [smem:$0x3FD0];
	_ =	sdelay $0x2  }
0x91: {  	s15 =	simm.s32 $0xA;
	s4 =	simm.s32 $0x10  }
0x92: {  	[smem:s4], [sflag:s15] =	dma.local [hbm:s2], $0x1  }
0x93: {  	_ =	swait.eq [sflag:s15], $0x1  }
0x94: {  	[sflag:s15] =	ssyncset.done $0x0  }
0x95: {  	[sflag:s15] =	ssyncadd.s32 $0xFFFFFFFF  }
0x96: {  	s16 =	sld [smem:$0x11];
	(tm) =	ssettm $0x1  }
0x97: {  	s17 =	sld [smem:$0x3FFB];
	_ =	sdelay $0x3  }
0x98: {  	_ =	strace s17  }
0x99: {  	s3 =	sld [smem:$0x3FFC];
	_ =	sdelay $0x3  }
0x9a: {  	_ =	strace s3  }
0x9b: {  	s3 =	sld [smem:$0x3FFD];
	_ =	sdelay $0x3  }
0x9c: {  	_ =	strace s3  }
0x9d: {  	_ =	strace $0x8FFFFFFF  }
0x9e: {  	s18 =	sld [smem:$0x3FDB];
	_ =	sdelay $0x1  }
0x9f: {  	s19 =	simm.s32 $_scs_section_size  }
0xa0: {  	s5 =	simm.s32 $_size__tile_overlayer_lowered;
	s6 =	simm.s32 $_tile_overlayer_lowered  }
0xa1: {  	s22 =	simm.s32 $0x1BFF;
	s21 =	sshll.u32 s6, $0x1;
	s3 =	sadd.s32 s19, s18  }
0xa2: {  	s7 =	simm.s32 $0x0;
	s20 =	sshll.u32 s5, $0x1;
	s5 =	sadd.s32 s21, s3  }
0xa3: {  	[timem:s7], [sflag:s22] =	dma.local [hbm:s5], s20  }
0xa4: {  	_ =	swait.ge [sflag:s22], s20  }
0xa5: {  	s4 =	ssub.s32 $0x0, s20;
	[sflag:s22] =	ssyncset.done $0x0  }
0xa6: {  	[sflag:s22] =	ssyncadd.s32 s4;
	_ =	sdelay $0x1  }
0xa7: {  	s23 =	simm.s32 $0x1B8B  }
0xa8: {  	_ =	swait.ge [sflag:s23], $0x1  }
0xa9: {  	[sflag:s23] =	ssyncset.done $0x0  }
0xaa: {  	s25 =	simm.s32 $0x1B8E;
	s24 =	sld [smem:$0x3FFE];
	[sflag:s23] =	ssyncadd.s32 $0xFFFFFFFF  }
0xab: {  	s26 =	simm.s32 $execute0_lowered;
	[smem:$0x3FD2] =	sst s25  }
0xac: {  	s5 =	sshll.u32 s26, $0x1;
	_ =	strace $0x8000004F;
	[dreg:$0x1] =	wrdreg $0xFFFFFFFF  }
0xad: {  	s28 =	simm.s32 $_size_execute0_lowered;
	s3 =	sadd.s32 s3, s5;
	[dreg:$0x0] =	wrdreg $0x0  }
0xae: {  	s5 =	sshll.u32 s28, $0x1;
	[dreg:$0x2] =	wrdreg s3  }
0xaf: {  	[dreg:$0x3] =	wrdreg s5  }
0xb0: {  	[dreg:$0x4] =	wrdreg $0xC0  }
0xb1: {  	_ =	task [dreg:s7], $0x5FFFF  }
0xb2: {  	[dreg:$0x1] =	wrdreg $0xFFFFFFFF  }
0xb3: {  	[dreg:$0x0] =	wrdreg $0x60  }
0xb4: {  	[dreg:$0x2] =	wrdreg s24  }
0xb5: {  	[dreg:$0x3] =	wrdreg s16  }
0xb6: {  	[dreg:$0x4] =	wrdreg $0x9  }
0xb7: {  	_ =	task.clear_ibuf [dreg:s7], $0x5FFFF;
	_ =	strace $0x9000004F  }
0xb8: {  	s29 =	simm.s32 $0x9;
	_ =	strace $0x80000051  }
0xb9: {  	_ =	swait.ge [sflag:s29], $0x1  }
0xba: {  	[sflag:s29] =	ssyncadd.s32 $0xFFFFFFFF  }
0xbb: {  	_ =	strace $0x90000051  }
0xbc: {  	_ =	sfence  }
0xbd: {  	s30 =	sld [smem:$0x0];
	_ =	sdelay $0x2  }
0xbe: {  	s31 =	sshll.u32 s1, $0xD;
	s1 =	sshrl.u32 s1, $0x2  }
0xbf: {  	s3 =	sand.u32 $0x4000, s31;
	s1 =	sadd.s32 s1, s30  }
0xc0: {  	s0 =	sor.u32 s3, s0;
	s1 =	sshll.u32 s1, $0x11  }
0xc1: {  	s0 =	sor.u32 s1, s0  }
0xc2: {  	s0 =	sadd.s32 $0x8F2B, s0  }
0xc3: {  	[sflag:s0] =	ssyncadd.remote.s32 $0x1  }
0xc4: {  	_ =	sfence.sel $0xFFFF  }
0xc5: {  	[dreg:$0x0] =	wrdreg $0xFFFFFFFF;
	(pc) =	sbr.abs _section_cstart, $3  }
0xc6: {  	[dreg:$0x1] =	wrdreg $0xFFFFFFFF  }
0xc7: {  	_ =	task.clear_ibuf [dreg:s7], $0x2FFFF;
	_ =	strace $0x9FFFFFFF  }
0xc8: {  	(tm) =	ssettm $0x7FFFFFFF  }
0xc9: {  	_ =	shalt  }
tec
execute0_lowered:
.L_overlay_start_1:
0x0: {  	(tag) =	ssettag $0x1  }
0x1: {  	s1 =	srdreg.scid  }
0x2: {  	s2 =	rddreg [dreg:$0x0];
	s0 =	stileid.u32;
	s6 =	sand.u32 $0x1, s1  }
0x3: {  	s4 =	rddreg [dreg:$0x1];
	s5 =	sshll.u32 s0, $0x4;
	s7 =	sshll.u32 s6, $0x3  }
0x4: {  	s3 =	simm.s32 $0x0;
	s1 =	rddreg [dreg:$0x2];
	s8 =	sor.u32 s7, s5  }
0x5: {  	[smem:$0x7FF] =	sst s3;
	s5 =	sshrl.u32 s8, $0x3  }
0x6: {  	_ =	strace $0x80000050;
	s5 =	sadd.s32 s4, s5;
	s4 =	simm.s32 $0x2  }
0x7: {  	[tilespmem:s3], [sflag:$0x2] =	stream.linear.gather [hbm4b:s5+s3], $0x8, $0x38;
	[tilespmem:$0x880] =	vst v63  }
0x8: {  	_ =	swait.ge [sflag:s4], $0x8  }
0x9: {  	[sflag:s4] =	ssyncset.done $0x0  }
0xa: {  	[sflag:s4] =	ssyncadd.s32 $0xFFFFFFF8  }
0xb: {  	v0 =	vld.msk [tilespmem:$0x0], $0xff;
	_ =	sdelay $0x4  }
0xc: {  	v1 =	vshll.u32 v0, $0x1  }
0xd: {  	v2 =	vlaneseq.u32;
	v3 =	vand.u32 $0x7, v0;
	v1 =	vand.u32 $0xFFFFFFF0, v1  }
0xe: {  	v0 =	vand.u32 $0x7, v2;
	v2 =	vshrl.u32 v2, $0x3;
	v3 =	vor.u32 v3, v1  }
0xf: {  	v1 =	vmul.u32 $0x8, v2;
	v2 =	vperm.xlane v3, v0;
	_ =	sdelay $0x1  }
0x10: {  	v2 =	vadd.s32 v1, v2  }
0x11: {  	s9 =	ssub.s32 $0x2, s6  }
0x12: {  	s10 =	sshrl.u32 s9, $0x1  }
0x13: {  	s9 =	ssub.s32 s9, s10  }
0x14: {  	vm0 =	vmmov $0xffff;
	s6 =	simm.s32 $0x80;
	s7 =	simm.s32 $0x1;
	s9 =	smax.u32 s9, $0x1  }
0x15: {  	[tilespmem:s6], [sflag:$0x1] =	stream.indirect_vreg.gather [hbm4b:s2+s3], $0x80, v2, vm0, $0xb8;
	[tilespmem:$0x880] =	vst v63  }
0x16: {  	s8 =	sshll.u32 s8, $0x5;
	p0 =	sne.s32 s9, $0x1;
	_ =	swait.ge [sflag:s7], $0x800  }
.Ltmp0:
0x17: {  	s8 =	sadd.s32 s8, s2;
	[sflag:s7] =	ssyncset.done $0x0;
	(pc) =	sbr.rel @!p0 .LBB2_2-.Ltmp0, $4  }
0x18: {  	s8 =	sadd.s32 $0x30000, s8;
	[sflag:s7] =	ssyncadd.s32 $0xFFFFF800  }
0x19: {  	[hbm4b:s8+s3] =	stream.linear.scatter [tilespmem:s6], [sflag:$0x2], $0x800, $0x38;
	[tilespmem:$0x880] =	vst v63  }
0x1a: {  	_ =	swait.ge [sflag:s4], $0x800  }
0x1b: {  	s9 =	sadd.s32 $0xFFFFFFFF, s9;
	[sflag:s4] =	ssyncset.done $0x0  }
.LBB2_1:
0x1c: {  	p0 =	sne.s32 s9, $0x1;
	s9 =	sadd.s32 $0xFFFFFFFF, s9;
	[sflag:s4] =	ssyncadd.s32 $0xFFFFF800  }
0x1d: {  	[tilespmem:s3], [sflag:$0x2] =	stream.linear.gather [hbm4b:s5+s3], $0x8, $0x38;
	[tilespmem:$0x880] =	vst v63  }
0x1e: {  	_ =	swait.ge [sflag:s4], $0x8  }
0x1f: {  	[sflag:s4] =	ssyncset.done $0x0  }
0x20: {  	[sflag:s4] =	ssyncadd.s32 $0xFFFFFFF8  }
0x21: {  	v2 =	vld.msk [tilespmem:$0x0], $0xff;
	_ =	sdelay $0x4  }
0x22: {  	v3 =	vshll.u32 v2, $0x1  }
0x23: {  	v2 =	vand.u32 $0x7, v2;
	v3 =	vand.u32 $0xFFFFFFF0, v3  }
0x24: {  	v2 =	vor.u32 v2, v3  }
0x25: {  	v2 =	vperm.xlane v2, v0;
	_ =	sdelay $0x1  }
0x26: {  	v2 =	vadd.s32 v1, v2;
	_ =	sdelay $0x4  }
0x27: {  	[tilespmem:s6], [sflag:$0x1] =	stream.indirect_vreg.gather [hbm4b:s2+s3], $0x80, v2, vm0, $0xb8;
	[tilespmem:$0x880] =	vst v63  }
0x28: {  	_ =	swait.ge [sflag:s7], $0x800  }
.Ltmp1:
0x29: {  	[sflag:s7] =	ssyncset.done $0x0;
	(pc) =	sbr.rel @p0 .LBB2_1-.Ltmp1, $4  }
0x2a: {  	[sflag:s7] =	ssyncadd.s32 $0xFFFFF800  }
0x2b: {  	[hbm4b:s8+s3] =	stream.linear.scatter [tilespmem:s6], [sflag:$0x2], $0x800, $0x38;
	[tilespmem:$0x880] =	vst v63  }
0x2c: {  	_ =	swait.ge [sflag:s4], $0x800  }
0x2d: {  	[sflag:s4] =	ssyncset.done $0x0  }
.LBB2_2:
0x2e: {  	[sflag:s4] =	ssyncadd.s32 $0xFFFFF800  }
0x2f: {  	_ =	sfence.sel $0x180000  }
0x30: {  	[bflag:$0x0] =	sbarrier.arrive $0xFFFF  }
0x31: {  	p0 =	sne.s32 s0, $0x0;
	_ =	strace $0x90000050  }
0x32: {  	s0 =	sadd.s32 @!p0 $0x100000, s1;
	[bflag:$0x2] =	sbarrier.arrive $0xFFFF  }
0x33: {  	[sflag:s0] =	ssyncadd.tile.s32 @!p0 $0x1;
	_ =	shalt  }
.Lfunc_end2:
_tile_overlayer_lowered:
.L_overlay_start_2:
0x34: {  	(tag) =	ssettag $0x2  }
0x35: {  	s0 =	rddreg [dreg:$0x0];
	s2 =	stileid.u32  }
0x36: {  	s1 =	rddreg [dreg:$0x1];
	p0 =	sne.s32 s2, $0x0  }
0x37: {  	s3 =	rddreg [dreg:$0x2];
	[bflag:$0x3] =	sbarrier.arrive $0xFFFF;
	s2 =	simm.s32 @!p0 $0x1C02  }
0x38: {  	[timem:s3], [sflag:s2] =	dma.local @!p0 [hbm:s0], s1  }
0x39: {  	s0 =	simm.s32 @!p0 $0x2  }
0x3a: {  	_ =	swait.ge @!p0 [sflag:s0], s1  }
0x3b: {  	s1 =	ssub.s32 @!p0 $0x0, s1;
	[sflag:s0] =	ssyncset.done @!p0 $0x0  }
0x3c: {  	[sflag:s0] =	ssyncadd.s32 @!p0 s1  }
0x3d: {  	[bflag:$0x3] =	sbarrier.arrive $0xFFFF  }
0x3e: {  	_ =	shalt  }

// kernel: kernel.24.cloned.1.call-start
scs
__scs_entry_jumppad:
0x0: {  	(pc) =	sbr.rel $0x88, $3  }
0x1: {  	(tag) =	ssettag $0x0;
	lr =	simm.s32 $0x1  }
0x2: {  	[smem:$0x3F4E] =	sst lr;
	_ =	strace $0xD0000000  }
0x3: {  	_ = 	snop  }
0x4: {  	_ = 	snop  }
0x5: {  	_ = 	snop  }
0x6: {  	_ = 	snop  }
0x7: {  	_ = 	snop  }
__scs_overlays_trampoline_lowered:
0x8: {  	[smem:$0x3F5D] =	sst s0  }
0x9: {  	[smem:$0x3F5E] =	sst s1  }
0xa: {  	[smem:$0x3F5F] =	sst s2  }
0xb: {  	[smem:$0x3F60] =	sst s3  }
0xc: {  	[smem:$0x3F61] =	sst s4  }
0xd: {  	[smem:$0x3F62] =	sst s5  }
0xe: {  	[smem:$0x3F63] =	sst s6  }
0xf: {  	[smem:$0x3F64] =	sst s7  }
0x10: {  	[smem:$0x3F65] =	sst s8  }
0x11: {  	[smem:$0x3F66] =	sst s9;
	s0 =	simm.s32 @!p0 $0x0  }
0x12: {  	s1 =	sld [smem:$0x3F4C];
	s0 =	simm.s32 @p0 $0x1  }
0x13: {  	[smem:$0x3F67] =	sst s0;
	s0 =	simm.s32 @!p1 $0x0  }
0x14: {  	s2 =	sld [smem:$0x3F4B];
	s0 =	simm.s32 @p1 $0x1  }
0x15: {  	[smem:$0x3F68] =	sst s0;
	s0 =	simm.s32 @!p2 $0x0  }
0x16: {  	s3 =	sld [smem:$0x3FDB];
	s0 =	simm.s32 @p2 $0x1  }
0x17: {  	s4 =	simm.s32 $0x1BF5;
	[smem:$0x3F6A] =	sst s0  }
0x18: {  	s0 =	sld [smem:$0x3F4D];
	_ =	swait.ge [sflag:s4], $0x0  }
0x19: {  	s7 =	sld [smem:$0x3F4E]  }
0x1a: {  	s8 =	sadd.s32 $0xFFFFE003, lr  }
0x1b: {  	s9 =	sadd.s32 $0xFFFFFEF7, lr;
	s5 =	simm.s32 $0xFFFFFFFF;
	p2 =	slt.u32 s8, $0xFFFFF086  }
0x1c: {  	p1 =	slt.u32 s9, $0xF7A;
	s5 =	simm.s32 @!p2 $0x0  }
0x1d: {  	s5 =	simm.s32 @p1 $0x1;
	p0 =	seq.s32 s7, s2  }
0x1e: {  	s7 =	smul.u32 @!p0 $0xF7A, s2;
	p2 =	seq.s32 @!p0 s5, $0x0  }
0x1f: {  	s9 =	smul.u32 $0xF7A, s1;
	s8 =	simm.s32 @!p0 $0x1BF5;
	p2 =	por !p2, p0  }
0x20: {  	[sflag:s8] =	ssyncset.s32 @!p0 $0xFFFFF086;
	s6 =	sadd.s32 @!p0 s3, s7;
	s7 =	simm.s32 @!p0 $0x108  }
0x21: {  	s3 =	sadd.s32 s3, s9;
	s6 =	sadd.s32 @!p0 $0x88, s6;
	s7 =	simm.s32 @p2 $0x1082  }
0x22: {  	[simem:s7], [sflag:s8] =	dma.local @!p0 [hbm:s6], $0xF7A  }
0x23: {  	s9 =	sor.u32 $0xD0000000, s2;
	s6 =	simm.s32 $0x108;
	_ =	swait.ge @!p0 [sflag:s8], $0x0  }
0x24: {  	s3 =	sadd.s32 $0x88, s3;
	s6 =	simm.s32 @!p1 $0x1082;
	[sflag:s4] =	ssyncset.s32 $0xFFFFF086  }
0x25: {  	[simem:s6], [sflag:s4] =	dma.local [hbm:s3], $0xF7A  }
0x26: {  	[smem:$0x3F4E] =	sst s1;
	(tag) =	ssettag s2;
	_ =	strace s9  }
0x27: {  	s1 =	sld [smem:$0x3F5E]  }
0x28: {  	s2 =	sld [smem:$0x3F5F]  }
0x29: {  	s4 =	sld [smem:$0x3F61]  }
0x2a: {  	p0 =	seq.s32 s5, $0x0;
	s5 =	sld [smem:$0x3F62]  }
0x2b: {  	s6 =	sld [smem:$0x3F63]  }
0x2c: {  	s7 =	sld [smem:$0x3F64]  }
0x2d: {  	s3 =	simm.s32 $0x108;
	s8 =	sld [smem:$0x3F65]  }
0x2e: {  	s3 =	simm.s32 @!p0 $0x1082;
	s9 =	sld [smem:$0x3F66]  }
0x2f: {  	lr =	sadd.s32 s0, s3;
	s0 =	sld [smem:$0x3F5D]  }
0x30: {  	s3 =	sld [smem:$0x3F60]  }
0x31: {  	[smem:$0x3F69] =	sst s10  }
0x32: {  	s10 =	sld [smem:$0x3F67];
	_ =	sdelay $0x3  }
0x33: {  	p0 =	seq.s32 s10, $0x1;
	s10 =	sld [smem:$0x3F69];
	_ =	sdelay $0x3  }
0x34: {  	[smem:$0x3F69] =	sst s10  }
0x35: {  	s10 =	sld [smem:$0x3F68];
	_ =	sdelay $0x3  }
0x36: {  	p1 =	seq.s32 s10, $0x1;
	s10 =	sld [smem:$0x3F69];
	_ =	sdelay $0x3  }
0x37: {  	[smem:$0x3F69] =	sst s10  }
0x38: {  	s10 =	sld [smem:$0x3F6A]  }
0x39: {  	_ = 	snop;
	(pc) =	sbr.ind lr, $3  }
0x3a: {  	_ = 	snop  }
0x3b: {  	_ = 	snop  }
0x3c: {  	p2 =	seq.s32 s10, $0x1;
	s10 =	sld [smem:$0x3F69]  }
0x3d: {  	_ =	shalt  }
0x3e: {  	_ =	shalt  }
0x3f: {  	_ =	shalt  }
0x40: {  	_ =	shalt  }
0x41: {  	_ =	shalt  }
0x42: {  	_ =	shalt  }
0x43: {  	_ =	shalt  }
0x44: {  	_ =	shalt  }
0x45: {  	_ =	shalt  }
0x46: {  	_ =	shalt  }
0x47: {  	_ =	shalt  }
0x48: {  	_ =	shalt  }
0x49: {  	_ =	shalt  }
0x4a: {  	_ =	shalt  }
0x4b: {  	_ =	shalt  }
0x4c: {  	_ =	shalt  }
0x4d: {  	_ =	shalt  }
0x4e: {  	_ =	shalt  }
0x4f: {  	_ =	shalt  }
0x50: {  	_ =	shalt  }
0x51: {  	_ =	shalt  }
0x52: {  	_ =	shalt  }
0x53: {  	_ =	shalt  }
0x54: {  	_ =	shalt  }
0x55: {  	_ =	shalt  }
0x56: {  	_ =	shalt  }
0x57: {  	_ =	shalt  }
0x58: {  	_ =	shalt  }
0x59: {  	_ =	shalt  }
0x5a: {  	_ =	shalt  }
0x5b: {  	_ =	shalt  }
0x5c: {  	_ =	shalt  }
0x5d: {  	_ =	shalt  }
0x5e: {  	_ =	shalt  }
0x5f: {  	_ =	shalt  }
0x60: {  	_ =	shalt  }
0x61: {  	_ =	shalt  }
0x62: {  	_ =	shalt  }
0x63: {  	_ =	shalt  }
0x64: {  	_ =	shalt  }
0x65: {  	_ =	shalt  }
0x66: {  	_ =	shalt  }
0x67: {  	_ =	shalt  }
0x68: {  	_ =	shalt  }
0x69: {  	_ =	shalt  }
0x6a: {  	_ =	shalt  }
0x6b: {  	_ =	shalt  }
0x6c: {  	_ =	shalt  }
0x6d: {  	_ =	shalt  }
0x6e: {  	_ =	shalt  }
0x6f: {  	_ =	shalt  }
0x70: {  	_ =	shalt  }
0x71: {  	_ =	shalt  }
0x72: {  	_ =	shalt  }
0x73: {  	_ =	shalt  }
0x74: {  	_ =	shalt  }
0x75: {  	_ =	shalt  }
0x76: {  	_ =	shalt  }
0x77: {  	_ =	shalt  }
0x78: {  	_ =	shalt  }
0x79: {  	_ =	shalt  }
0x7a: {  	_ =	shalt  }
0x7b: {  	_ =	shalt  }
0x7c: {  	_ =	shalt  }
0x7d: {  	_ =	shalt  }
0x7e: {  	_ =	shalt  }
0x7f: {  	_ =	shalt  }
0x80: {  	_ =	shalt  }
0x81: {  	_ =	shalt  }
0x82: {  	_ =	shalt  }
0x83: {  	_ =	shalt  }
0x84: {  	_ =	shalt  }
0x85: {  	_ =	shalt  }
0x86: {  	_ =	shalt  }
0x87: {  	_ =	shalt  }
.Lfunc_end0:
.L_simem_size_0:
called_computation.4_lowered:
.L_overlay_start_0:
0x88: {  	s2 =	sld [smem:$0x3FD9]  }
0x89: {  	s3 =	sld [smem:$0x3FFE];
	_ =	sdelay $0x1  }
0x8a: {  	s1 =	srdreg.scid  }
0x8b: {  	s0 =	sand.u32 $0x1, s1  }
0x8c: {  	s16 =	sshll.u32 s0, $0xA;
	s2 =	sadd.s32 s3, s2  }
0x8d: {  	s2 =	sadd.s32 s2, s16  }
0x8e: {  	[smem:$0x3F75] =	sst s2  }
0x8f: {  	_ = 	snop  }
0x90: {  	(tm) =	ssettm $0x1  }
0x91: {  	s17 =	sld [smem:$0x3FFB];
	_ =	sdelay $0x3  }
0x92: {  	_ =	strace s17  }
0x93: {  	s2 =	sld [smem:$0x3FFC];
	_ =	sdelay $0x3  }
0x94: {  	_ =	strace s2  }
0x95: {  	s2 =	sld [smem:$0x3FFD];
	_ =	sdelay $0x3  }
0x96: {  	_ =	strace s2  }
0x97: {  	_ =	strace $0x8FFFFFFF  }
0x98: {  	s18 =	sld [smem:$0x3FDB];
	_ =	sdelay $0x1  }
0x99: {  	s19 =	simm.s32 $_scs_section_size  }
0x9a: {  	s4 =	simm.s32 $_size__tile_overlayer_lowered;
	s5 =	simm.s32 $_tile_overlayer_lowered  }
0x9b: {  	s22 =	simm.s32 $0x1BFF;
	s21 =	sshll.u32 s5, $0x1;
	s2 =	sadd.s32 s19, s18  }
0x9c: {  	s6 =	simm.s32 $0x0;
	s20 =	sshll.u32 s4, $0x1;
	s4 =	sadd.s32 s21, s2  }
0x9d: {  	[timem:s6], [sflag:s22] =	dma.local [hbm:s4], s20  }
0x9e: {  	_ =	swait.ge [sflag:s22], s20  }
0x9f: {  	s3 =	ssub.s32 $0x0, s20;
	[sflag:s22] =	ssyncset.done $0x0  }
0xa0: {  	[sflag:s22] =	ssyncadd.s32 s3;
	_ =	sdelay $0x1  }
0xa1: {  	s23 =	simm.s32 $0x1B8B  }
0xa2: {  	_ =	swait.ge [sflag:s23], $0x1  }
0xa3: {  	[sflag:s23] =	ssyncset.done $0x0  }
0xa4: {  	s25 =	simm.s32 $0x1B8E;
	s24 =	sld [smem:$0x3FFE];
	[sflag:s23] =	ssyncadd.s32 $0xFFFFFFFF  }
0xa5: {  	s26 =	simm.s32 $execute0_lowered;
	[smem:$0x3FD2] =	sst s25  }
0xa6: {  	s4 =	sshll.u32 s26, $0x1;
	_ =	strace $0x80000052;
	[dreg:$0x1] =	wrdreg $0xFFFFFFFF  }
0xa7: {  	s28 =	simm.s32 $_size_execute0_lowered;
	s2 =	sadd.s32 s2, s4;
	[dreg:$0x0] =	wrdreg $0x0  }
0xa8: {  	s4 =	sshll.u32 s28, $0x1;
	[dreg:$0x2] =	wrdreg s2  }
0xa9: {  	[dreg:$0x3] =	wrdreg s4  }
0xaa: {  	[dreg:$0x4] =	wrdreg $0xC0  }
0xab: {  	_ =	task [dreg:s6], $0x5FFFF  }
0xac: {  	[dreg:$0x1] =	wrdreg $0xFFFFFFFF  }
0xad: {  	[dreg:$0x0] =	wrdreg $0x60  }
0xae: {  	[dreg:$0x2] =	wrdreg s24  }
0xaf: {  	[dreg:$0x3] =	wrdreg $0x9  }
0xb0: {  	_ =	task.clear_ibuf [dreg:s6], $0x4FFFF;
	_ =	strace $0x90000052  }
0xb1: {  	s29 =	simm.s32 $0x9;
	_ =	strace $0x80000054  }
0xb2: {  	_ =	swait.ge [sflag:s29], $0x1  }
0xb3: {  	[sflag:s29] =	ssyncadd.s32 $0xFFFFFFFF  }
0xb4: {  	_ =	strace $0x90000054  }
0xb5: {  	_ =	sfence  }
0xb6: {  	s30 =	sld [smem:$0x0];
	_ =	sdelay $0x2  }
0xb7: {  	s31 =	sshll.u32 s1, $0xD;
	s1 =	sshrl.u32 s1, $0x2  }
0xb8: {  	s3 =	sand.u32 $0x4000, s31;
	s1 =	sadd.s32 s1, s30  }
0xb9: {  	s0 =	sor.u32 s3, s0;
	s1 =	sshll.u32 s1, $0x11  }
0xba: {  	s0 =	sor.u32 s1, s0  }
0xbb: {  	s0 =	sadd.s32 $0x8F2B, s0  }
0xbc: {  	[sflag:s0] =	ssyncadd.remote.s32 $0x1  }
0xbd: {  	_ =	sfence.sel $0xFFFF  }
0xbe: {  	[dreg:$0x0] =	wrdreg $0xFFFFFFFF;
	(pc) =	sbr.abs _section_cstart, $3  }
0xbf: {  	[dreg:$0x1] =	wrdreg $0xFFFFFFFF  }
0xc0: {  	_ =	task.clear_ibuf [dreg:s6], $0x2FFFF;
	_ =	strace $0x9FFFFFFF  }
0xc1: {  	(tm) =	ssettm $0x7FFFFFFF  }
tec
execute0_lowered:
.L_overlay_start_1:
0x0: {  	(tag) =	ssettag $0x1  }
0x1: {  	s1 =	rddreg [dreg:$0x0]  }
0x2: {  	s3 =	simm.s32 $0x0;
	s0 =	srdreg.scid;
	s2 =	stileid.u32  }
0x3: {  	s12 =	simm.s32 $0x1;
	s14 =	simm.s32 $0x900;
	s15 =	simm.s32 $0x1100  }
0x4: {  	s16 =	simm.s32 $0x1900;
	s17 =	simm.s32 $0x2100;
	s18 =	simm.s32 $0x2900  }
0x5: {  	s19 =	simm.s32 $0x3100;
	s20 =	simm.s32 $0x3900;
	s21 =	simm.s32 $0x4100  }
0x6: {  	s22 =	simm.s32 $0x4900;
	s23 =	simm.s32 $0x5100;
	s28 =	simm.s32 $0x7100  }
0x7: {  	s29 =	simm.s32 $0x7900;
	s30 =	simm.s32 $0x8100;
	s31 =	simm.s32 $0x8900  }
0x8: {  	s9 =	simm.s32 $0xB100;
	s10 =	simm.s32 $0xB900;
	s11 =	simm.s32 $0xC100  }
0x9: {  	[smem:$0x7FF] =	sst s3;
	s0 =	sand.u32 $0x1, s0;
	s2 =	sshll.u32 s2, $0xA  }
0xa: {  	s5 =	sadd.s32 $0x32000, s1;
	s24 =	sadd.s32 $0x32800, s1;
	s4 =	sshll.u32 s0, $0x9  }
0xb: {  	_ =	strace $0x80000053;
	s0 =	ssub.s32 $0x2, s0;
	s2 =	sor.u32 s4, s2  }
0xc: {  	s6 =	sshrl.u32 s0, $0x1;
	s7 =	sshrl.u32 s2, $0x3;
	s8 =	sshll.u32 s2, $0x5  }
0xd: {  	s2 =	sor.u32 $0x100, s2;
	s0 =	ssub.s32 s0, s6;
	s6 =	simm.s32 $0xC900  }
0xe: {  	s7 =	sadd.s32 s5, s7;
	s25 =	sadd.s32 s24, s8;
	s26 =	sshrl.u32 s2, $0x3  }
0xf: {  	s2 =	sshll.u32 s2, $0x5;
	s4 =	smax.u32 s0, $0x1;
	[dreg:$0x2] =	wrdreg s7  }
0x10: {  	s8 =	simm.s32 $0xA900;
	[dreg:$0x3] =	wrdreg s25;
	s5 =	sadd.s32 s5, s26  }
0x11: {  	v2 =	vlaneseq.u32;
	s2 =	sadd.s32 s24, s2;
	s24 =	simm.s32 $0x5900;
	s25 =	simm.s32 $0x6100  }
0x12: {  	vm0 =	vmmov $0xffff;
	v1 =	vshrl.u32 v2, $0x3;
	s26 =	simm.s32 $0x6900;
	s7 =	simm.s32 $0xA100;
	[dreg:$0x4] =	wrdreg s5  }
0x13: {  	v0 =	vand.u32 $0x7, v2;
	v2 =	vor.u32 $0x8, v2;
	v1 =	vmul.u32 $0x8, v1;
	[dreg:$0x5] =	wrdreg s2;
	s5 =	simm.s32 $0x2;
	s2 =	simm.s32 $0x9900  }
.LBB2_1:
0x14: {  	s13 =	rddreg [dreg:$0x2]  }
0x15: {  	[tilespmem:s3], [sflag:$0x2] =	stream.linear.gather [hbm4b:s13+s3], $0x100, $0x38;
	[tilespmem:$0x10100] =	vst v63  }
0x16: {  	_ =	swait.ge [sflag:s5], $0x100  }
0x17: {  	[sflag:s5] =	ssyncset.done $0x0  }
0x18: {  	[sflag:s5] =	ssyncadd.s32 $0xFFFFFF00  }
0x19: {  	v3 =	vld [tilespmem:$0x0];
	_ =	sdelay $0x4  }
0x1a: {  	v4 =	vshll.u32 v3, $0x1  }
0x1b: {  	v3 =	vand.u32 $0x7, v3;
	v4 =	vand.u32 $0xFFFFFFF0, v4  }
0x1c: {  	v3 =	vor.u32 v3, v4  }
0x1d: {  	v4 =	vperm.xlane v3, v0;
	_ =	sdelay $0x1  }
0x1e: {  	v3 =	vperm.xlane v3, v2;
	v4 =	vadd.s32 v1, v4;
	_ =	sdelay $0x1  }
0x1f: {  	v3 =	vadd.s32 v1, v3;
	_ =	sdelay $0x1  }
0x20: {  	s0 =	simm.s32 $0x100  }
0x21: {  	[tilespmem:s0], [sflag:$0x1] =	stream.indirect_vreg.gather [hbm4b:s1+s3], $0x80, v4, vm0, $0xb8;
	[tilespmem:$0x10100] =	vst v63  }
0x22: {  	_ = 	snop  }
0x23: {  	[tilespmem:s14], [sflag:$0x1] =	stream.indirect_vreg.gather [hbm4b:s1+s3], $0x80, v3, vm0, $0xb8;
	[tilespmem:$0x10100] =	vst v63  }
0x24: {  	v3 =	vld [tilespmem:$0x10];
	_ =	sdelay $0x4  }
0x25: {  	v33 =	vshll.u32 v3, $0x1  }
0x26: {  	v3 =	vand.u32 $0x7, v3;
	v4 =	vand.u32 $0xFFFFFFF0, v33  }
0x27: {  	v3 =	vor.u32 v3, v4  }
0x28: {  	v4 =	vperm.xlane v3, v0;
	_ =	sdelay $0x1  }
0x29: {  	v3 =	vperm.xlane v3, v2;
	v4 =	vadd.s32 v1, v4;
	_ =	sdelay $0x1  }
0x2a: {  	v3 =	vadd.s32 v1, v3;
	_ =	sdelay $0x2  }
0x2b: {  	[tilespmem:s15], [sflag:$0x1] =	stream.indirect_vreg.gather [hbm4b:s1+s3], $0x80, v4, vm0, $0xb8;
	[tilespmem:$0x10100] =	vst v63  }
0x2c: {  	_ = 	snop  }
0x2d: {  	[tilespmem:s16], [sflag:$0x1] =	stream.indirect_vreg.gather [hbm4b:s1+s3], $0x80, v3, vm0, $0xb8;
	[tilespmem:$0x10100] =	vst v63  }
0x2e: {  	v3 =	vld [tilespmem:$0x20];
	_ =	sdelay $0x4  }
0x2f: {  	v34 =	vshll.u32 v3, $0x1  }
0x30: {  	v3 =	vand.u32 $0x7, v3;
	v4 =	vand.u32 $0xFFFFFFF0, v34  }
0x31: {  	v3 =	vor.u32 v3, v4  }
0x32: {  	v4 =	vperm.xlane v3, v0;
	_ =	sdelay $0x1  }
0x33: {  	v3 =	vperm.xlane v3, v2;
	v4 =	vadd.s32 v1, v4;
	_ =	sdelay $0x1  }
0x34: {  	v3 =	vadd.s32 v1, v3;
	_ =	sdelay $0x2  }
0x35: {  	[tilespmem:s17], [sflag:$0x1] =	stream.indirect_vreg.gather [hbm4b:s1+s3], $0x80, v4, vm0, $0xb8;
	[tilespmem:$0x10100] =	vst v63  }
0x36: {  	_ = 	snop  }
0x37: {  	[tilespmem:s18], [sflag:$0x1] =	stream.indirect_vreg.gather [hbm4b:s1+s3], $0x80, v3, vm0, $0xb8;
	[tilespmem:$0x10100] =	vst v63  }
0x38: {  	v3 =	vld [tilespmem:$0x30];
	_ =	sdelay $0x4  }
0x39: {  	v35 =	vshll.u32 v3, $0x1  }
0x3a: {  	v3 =	vand.u32 $0x7, v3;
	v4 =	vand.u32 $0xFFFFFFF0, v35  }
0x3b: {  	v3 =	vor.u32 v3, v4  }
0x3c: {  	v4 =	vperm.xlane v3, v0;
	_ =	sdelay $0x1  }
0x3d: {  	v3 =	vperm.xlane v3, v2;
	v4 =	vadd.s32 v1, v4;
	_ =	sdelay $0x1  }
0x3e: {  	v3 =	vadd.s32 v1, v3;
	_ =	sdelay $0x2  }
0x3f: {  	[tilespmem:s19], [sflag:$0x1] =	stream.indirect_vreg.gather [hbm4b:s1+s3], $0x80, v4, vm0, $0xb8;
	[tilespmem:$0x10100] =	vst v63  }
0x40: {  	_ = 	snop  }
0x41: {  	[tilespmem:s20], [sflag:$0x1] =	stream.indirect_vreg.gather [hbm4b:s1+s3], $0x80, v3, vm0, $0xb8;
	[tilespmem:$0x10100] =	vst v63  }
0x42: {  	v3 =	vld [tilespmem:$0x40];
	_ =	sdelay $0x4  }
0x43: {  	v36 =	vshll.u32 v3, $0x1  }
0x44: {  	v3 =	vand.u32 $0x7, v3;
	v4 =	vand.u32 $0xFFFFFFF0, v36  }
0x45: {  	v3 =	vor.u32 v3, v4  }
0x46: {  	v4 =	vperm.xlane v3, v0;
	_ =	sdelay $0x1  }
0x47: {  	v3 =	vperm.xlane v3, v2;
	v4 =	vadd.s32 v1, v4;
	_ =	sdelay $0x1  }
0x48: {  	v3 =	vadd.s32 v1, v3;
	_ =	sdelay $0x2  }
0x49: {  	[tilespmem:s21], [sflag:$0x1] =	stream.indirect_vreg.gather [hbm4b:s1+s3], $0x80, v4, vm0, $0xb8;
	[tilespmem:$0x10100] =	vst v63  }
0x4a: {  	_ = 	snop  }
0x4b: {  	[tilespmem:s22], [sflag:$0x1] =	stream.indirect_vreg.gather [hbm4b:s1+s3], $0x80, v3, vm0, $0xb8;
	[tilespmem:$0x10100] =	vst v63  }
0x4c: {  	v3 =	vld [tilespmem:$0x50];
	_ =	sdelay $0x4  }
0x4d: {  	v37 =	vshll.u32 v3, $0x1  }
0x4e: {  	v3 =	vand.u32 $0x7, v3;
	v4 =	vand.u32 $0xFFFFFFF0, v37  }
0x4f: {  	v3 =	vor.u32 v3, v4  }
0x50: {  	v4 =	vperm.xlane v3, v0;
	_ =	sdelay $0x1  }
0x51: {  	v3 =	vperm.xlane v3, v2;
	v4 =	vadd.s32 v1, v4;
	_ =	sdelay $0x1  }
0x52: {  	v3 =	vadd.s32 v1, v3;
	_ =	sdelay $0x2  }
0x53: {  	[tilespmem:s23], [sflag:$0x1] =	stream.indirect_vreg.gather [hbm4b:s1+s3], $0x80, v4, vm0, $0xb8;
	[tilespmem:$0x10100] =	vst v63  }
0x54: {  	_ = 	snop  }
0x55: {  	[tilespmem:s24], [sflag:$0x1] =	stream.indirect_vreg.gather [hbm4b:s1+s3], $0x80, v3, vm0, $0xb8;
	[tilespmem:$0x10100] =	vst v63  }
0x56: {  	v3 =	vld [tilespmem:$0x60];
	_ =	sdelay $0x4  }
0x57: {  	v38 =	vshll.u32 v3, $0x1  }
0x58: {  	v3 =	vand.u32 $0x7, v3;
	v4 =	vand.u32 $0xFFFFFFF0, v38  }
0x59: {  	v3 =	vor.u32 v3, v4  }
0x5a: {  	v4 =	vperm.xlane v3, v0;
	_ =	sdelay $0x1  }
0x5b: {  	v3 =	vperm.xlane v3, v2;
	v4 =	vadd.s32 v1, v4;
	_ =	sdelay $0x1  }
0x5c: {  	v3 =	vadd.s32 v1, v3;
	_ =	sdelay $0x2  }
0x5d: {  	[tilespmem:s25], [sflag:$0x1] =	stream.indirect_vreg.gather [hbm4b:s1+s3], $0x80, v4, vm0, $0xb8;
	[tilespmem:$0x10100] =	vst v63  }
0x5e: {  	_ = 	snop  }
0x5f: {  	[tilespmem:s26], [sflag:$0x1] =	stream.indirect_vreg.gather [hbm4b:s1+s3], $0x80, v3, vm0, $0xb8;
	[tilespmem:$0x10100] =	vst v63  }
0x60: {  	v3 =	vld [tilespmem:$0x70];
	_ =	sdelay $0x4  }
0x61: {  	v39 =	vshll.u32 v3, $0x1  }
0x62: {  	v3 =	vand.u32 $0x7, v3;
	v4 =	vand.u32 $0xFFFFFFF0, v39  }
0x63: {  	v3 =	vor.u32 v3, v4  }
0x64: {  	v4 =	vperm.xlane v3, v0;
	_ =	sdelay $0x1  }
0x65: {  	v3 =	vperm.xlane v3, v2;
	v4 =	vadd.s32 v1, v4;
	_ =	sdelay $0x1  }
0x66: {  	v3 =	vadd.s32 v1, v3;
	_ =	sdelay $0x2  }
0x67: {  	[tilespmem:s28], [sflag:$0x1] =	stream.indirect_vreg.gather [hbm4b:s1+s3], $0x80, v4, vm0, $0xb8;
	[tilespmem:$0x10100] =	vst v63  }
0x68: {  	_ = 	snop  }
0x69: {  	[tilespmem:s29], [sflag:$0x1] =	stream.indirect_vreg.gather [hbm4b:s1+s3], $0x80, v3, vm0, $0xb8;
	[tilespmem:$0x10100] =	vst v63  }
0x6a: {  	v3 =	vld [tilespmem:$0x80];
	_ =	sdelay $0x4  }
0x6b: {  	v40 =	vshll.u32 v3, $0x1  }
0x6c: {  	v3 =	vand.u32 $0x7, v3;
	v4 =	vand.u32 $0xFFFFFFF0, v40  }
0x6d: {  	v3 =	vor.u32 v3, v4  }
0x6e: {  	v4 =	vperm.xlane v3, v0;
	_ =	sdelay $0x1  }
0x6f: {  	v3 =	vperm.xlane v3, v2;
	v4 =	vadd.s32 v1, v4;
	_ =	sdelay $0x1  }
0x70: {  	v3 =	vadd.s32 v1, v3;
	_ =	sdelay $0x2  }
0x71: {  	[tilespmem:s30], [sflag:$0x1] =	stream.indirect_vreg.gather [hbm4b:s1+s3], $0x80, v4, vm0, $0xb8;
	[tilespmem:$0x10100] =	vst v63  }
0x72: {  	_ = 	snop  }
0x73: {  	[tilespmem:s31], [sflag:$0x1] =	stream.indirect_vreg.gather [hbm4b:s1+s3], $0x80, v3, vm0, $0xb8;
	[tilespmem:$0x10100] =	vst v63  }
0x74: {  	v3 =	vld [tilespmem:$0x90];
	_ =	sdelay $0x4  }
0x75: {  	v41 =	vshll.u32 v3, $0x1  }
0x76: {  	v3 =	vand.u32 $0x7, v3;
	v4 =	vand.u32 $0xFFFFFFF0, v41  }
0x77: {  	v3 =	vor.u32 v3, v4  }
0x78: {  	v4 =	vperm.xlane v3, v0;
	_ =	sdelay $0x1  }
0x79: {  	v3 =	vperm.xlane v3, v2;
	v4 =	vadd.s32 v1, v4;
	_ =	sdelay $0x1  }
0x7a: {  	v3 =	vadd.s32 v1, v3;
	_ =	sdelay $0x1  }
0x7b: {  	s13 =	simm.s32 $0x9100  }
0x7c: {  	[tilespmem:s13], [sflag:$0x1] =	stream.indirect_vreg.gather [hbm4b:s1+s3], $0x80, v4, vm0, $0xb8;
	[tilespmem:$0x10100] =	vst v63  }
0x7d: {  	_ = 	snop  }
0x7e: {  	[tilespmem:s2], [sflag:$0x1] =	stream.indirect_vreg.gather [hbm4b:s1+s3], $0x80, v3, vm0, $0xb8;
	[tilespmem:$0x10100] =	vst v63  }
0x7f: {  	v3 =	vld [tilespmem:$0xA0];
	_ =	sdelay $0x4  }
0x80: {  	v42 =	vshll.u32 v3, $0x1  }
0x81: {  	v3 =	vand.u32 $0x7, v3;
	v4 =	vand.u32 $0xFFFFFFF0, v42  }
0x82: {  	v3 =	vor.u32 v3, v4  }
0x83: {  	v4 =	vperm.xlane v3, v0;
	_ =	sdelay $0x1  }
0x84: {  	v3 =	vperm.xlane v3, v2;
	v4 =	vadd.s32 v1, v4;
	_ =	sdelay $0x1  }
0x85: {  	v3 =	vadd.s32 v1, v3;
	_ =	sdelay $0x2  }
0x86: {  	[tilespmem:s7], [sflag:$0x1] =	stream.indirect_vreg.gather [hbm4b:s1+s3], $0x80, v4, vm0, $0xb8;
	[tilespmem:$0x10100] =	vst v63  }
0x87: {  	_ = 	snop  }
0x88: {  	[tilespmem:s8], [sflag:$0x1] =	stream.indirect_vreg.gather [hbm4b:s1+s3], $0x80, v3, vm0, $0xb8;
	[tilespmem:$0x10100] =	vst v63  }
0x89: {  	v3 =	vld [tilespmem:$0xB0];
	_ =	sdelay $0x4  }
0x8a: {  	v43 =	vshll.u32 v3, $0x1  }
0x8b: {  	v3 =	vand.u32 $0x7, v3;
	v4 =	vand.u32 $0xFFFFFFF0, v43  }
0x8c: {  	v3 =	vor.u32 v3, v4  }
0x8d: {  	v4 =	vperm.xlane v3, v0;
	_ =	sdelay $0x1  }
0x8e: {  	v3 =	vperm.xlane v3, v2;
	v4 =	vadd.s32 v1, v4;
	_ =	sdelay $0x1  }
0x8f: {  	v3 =	vadd.s32 v1, v3;
	_ =	sdelay $0x2  }
0x90: {  	[tilespmem:s9], [sflag:$0x1] =	stream.indirect_vreg.gather [hbm4b:s1+s3], $0x80, v4, vm0, $0xb8;
	[tilespmem:$0x10100] =	vst v63  }
0x91: {  	_ = 	snop  }
0x92: {  	[tilespmem:s10], [sflag:$0x1] =	stream.indirect_vreg.gather [hbm4b:s1+s3], $0x80, v3, vm0, $0xb8;
	[tilespmem:$0x10100] =	vst v63  }
0x93: {  	v3 =	vld [tilespmem:$0xC0];
	_ =	sdelay $0x4  }
0x94: {  	v44 =	vshll.u32 v3, $0x1  }
0x95: {  	v3 =	vand.u32 $0x7, v3;
	v4 =	vand.u32 $0xFFFFFFF0, v44  }
0x96: {  	v3 =	vor.u32 v3, v4  }
0x97: {  	v4 =	vperm.xlane v3, v0;
	_ =	sdelay $0x1  }
0x98: {  	v3 =	vperm.xlane v3, v2;
	v4 =	vadd.s32 v1, v4;
	_ =	sdelay $0x1  }
0x99: {  	v3 =	vadd.s32 v1, v3;
	_ =	sdelay $0x2  }
0x9a: {  	[tilespmem:s11], [sflag:$0x1] =	stream.indirect_vreg.gather [hbm4b:s1+s3], $0x80, v4, vm0, $0xb8;
	[tilespmem:$0x10100] =	vst v63  }
0x9b: {  	_ = 	snop  }
0x9c: {  	[tilespmem:s6], [sflag:$0x1] =	stream.indirect_vreg.gather [hbm4b:s1+s3], $0x80, v3, vm0, $0xb8;
	[tilespmem:$0x10100] =	vst v63  }
0x9d: {  	v3 =	vld [tilespmem:$0xD0];
	_ =	sdelay $0x4  }
0x9e: {  	v45 =	vshll.u32 v3, $0x1  }
0x9f: {  	v3 =	vand.u32 $0x7, v3;
	v4 =	vand.u32 $0xFFFFFFF0, v45  }
0xa0: {  	v3 =	vor.u32 v3, v4  }
0xa1: {  	v4 =	vperm.xlane v3, v0;
	_ =	sdelay $0x1  }
0xa2: {  	v3 =	vperm.xlane v3, v2;
	v4 =	vadd.s32 v1, v4;
	_ =	sdelay $0x1  }
0xa3: {  	v3 =	vadd.s32 v1, v3;
	_ =	sdelay $0x1  }
0xa4: {  	s13 =	simm.s32 $0xD100  }
0xa5: {  	[tilespmem:s13], [sflag:$0x1] =	stream.indirect_vreg.gather [hbm4b:s1+s3], $0x80, v4, vm0, $0xb8;
	[tilespmem:$0x10100] =	vst v63  }
0xa6: {  	s13 =	simm.s32 $0xD900  }
0xa7: {  	[tilespmem:s13], [sflag:$0x1] =	stream.indirect_vreg.gather [hbm4b:s1+s3], $0x80, v3, vm0, $0xb8;
	[tilespmem:$0x10100] =	vst v63  }
0xa8: {  	v3 =	vld [tilespmem:$0xE0];
	_ =	sdelay $0x4  }
0xa9: {  	v46 =	vshll.u32 v3, $0x1  }
0xaa: {  	v3 =	vand.u32 $0x7, v3;
	v4 =	vand.u32 $0xFFFFFFF0, v46  }
0xab: {  	v3 =	vor.u32 v3, v4  }
0xac: {  	v4 =	vperm.xlane v3, v0;
	_ =	sdelay $0x1  }
0xad: {  	v3 =	vperm.xlane v3, v2;
	v4 =	vadd.s32 v1, v4;
	_ =	sdelay $0x1  }
0xae: {  	v3 =	vadd.s32 v1, v3;
	_ =	sdelay $0x1  }
0xaf: {  	s13 =	simm.s32 $0xE100  }
0xb0: {  	[tilespmem:s13], [sflag:$0x1] =	stream.indirect_vreg.gather [hbm4b:s1+s3], $0x80, v4, vm0, $0xb8;
	[tilespmem:$0x10100] =	vst v63  }
0xb1: {  	s13 =	simm.s32 $0xE900  }
0xb2: {  	[tilespmem:s13], [sflag:$0x1] =	stream.indirect_vreg.gather [hbm4b:s1+s3], $0x80, v3, vm0, $0xb8;
	[tilespmem:$0x10100] =	vst v63  }
0xb3: {  	v3 =	vld [tilespmem:$0xF0];
	_ =	sdelay $0x4  }
0xb4: {  	v47 =	vshll.u32 v3, $0x1  }
0xb5: {  	v3 =	vand.u32 $0x7, v3;
	v4 =	vand.u32 $0xFFFFFFF0, v47  }
0xb6: {  	v3 =	vor.u32 v3, v4  }
0xb7: {  	v4 =	vperm.xlane v3, v0;
	_ =	sdelay $0x1  }
0xb8: {  	v3 =	vperm.xlane v3, v2;
	v4 =	vadd.s32 v1, v4;
	_ =	sdelay $0x1  }
0xb9: {  	v3 =	vadd.s32 v1, v3;
	_ =	sdelay $0x1  }
0xba: {  	s13 =	simm.s32 $0xF100  }
0xbb: {  	[tilespmem:s13], [sflag:$0x1] =	stream.indirect_vreg.gather [hbm4b:s1+s3], $0x80, v4, vm0, $0xb8;
	[tilespmem:$0x10100] =	vst v63  }
0xbc: {  	s13 =	simm.s32 $0xF900  }
0xbd: {  	[tilespmem:s13], [sflag:$0x1] =	stream.indirect_vreg.gather [hbm4b:s1+s3], $0x80, v3, vm0, $0xb8;
	[tilespmem:$0x10100] =	vst v63  }
0xbe: {  	_ =	swait.ge [sflag:s12], $0x10000  }
0xbf: {  	[sflag:s12] =	ssyncset.done $0x0  }
0xc0: {  	s0 =	simm.s32 $0x100;
	s13 =	rddreg [dreg:$0x3];
	[sflag:s12] =	ssyncadd.s32 $0xFFFF0000  }
0xc1: {  	[hbm4b:s13+s3] =	stream.linear.scatter [tilespmem:s0], [sflag:$0x2], $0x10000, $0x38;
	[tilespmem:$0x10100] =	vst v63  }
0xc2: {  	_ =	swait.ge [sflag:s5], $0x10000  }
0xc3: {  	[sflag:s5] =	ssyncset.done $0x0  }
0xc4: {  	s13 =	rddreg [dreg:$0x4];
	[sflag:s5] =	ssyncadd.s32 $0xFFFF0000  }
0xc5: {  	[tilespmem:s3], [sflag:$0x2] =	stream.linear.gather [hbm4b:s13+s3], $0x100, $0x38;
	[tilespmem:$0x10100] =	vst v63  }
0xc6: {  	_ =	swait.ge [sflag:s5], $0x100  }
0xc7: {  	[sflag:s5] =	ssyncset.done $0x0  }
0xc8: {  	[sflag:s5] =	ssyncadd.s32 $0xFFFFFF00  }
0xc9: {  	v3 =	vld [tilespmem:$0x0];
	_ =	sdelay $0x4  }
0xca: {  	v48 =	vshll.u32 v3, $0x1  }
0xcb: {  	v3 =	vand.u32 $0x7, v3;
	v4 =	vand.u32 $0xFFFFFFF0, v48  }
0xcc: {  	v3 =	vor.u32 v3, v4  }
0xcd: {  	v4 =	vperm.xlane v3, v0;
	_ =	sdelay $0x1  }
0xce: {  	v3 =	vperm.xlane v3, v2;
	v4 =	vadd.s32 v1, v4;
	_ =	sdelay $0x1  }
0xcf: {  	v3 =	vadd.s32 v1, v3;
	_ =	sdelay $0x2  }
0xd0: {  	[tilespmem:s0], [sflag:$0x1] =	stream.indirect_vreg.gather [hbm4b:s1+s3], $0x80, v4, vm0, $0xb8;
	[tilespmem:$0x10100] =	vst v63  }
0xd1: {  	_ = 	snop  }
0xd2: {  	[tilespmem:s14], [sflag:$0x1] =	stream.indirect_vreg.gather [hbm4b:s1+s3], $0x80, v3, vm0, $0xb8;
	[tilespmem:$0x10100] =	vst v63  }
0xd3: {  	v3 =	vld [tilespmem:$0x10];
	_ =	sdelay $0x4  }
0xd4: {  	v49 =	vshll.u32 v3, $0x1  }
0xd5: {  	v3 =	vand.u32 $0x7, v3;
	v4 =	vand.u32 $0xFFFFFFF0, v49  }
0xd6: {  	v3 =	vor.u32 v3, v4  }
0xd7: {  	v4 =	vperm.xlane v3, v0;
	_ =	sdelay $0x1  }
0xd8: {  	v3 =	vperm.xlane v3, v2;
	v4 =	vadd.s32 v1, v4;
	_ =	sdelay $0x1  }
0xd9: {  	v3 =	vadd.s32 v1, v3;
	_ =	sdelay $0x2  }
0xda: {  	[tilespmem:s15], [sflag:$0x1] =	stream.indirect_vreg.gather [hbm4b:s1+s3], $0x80, v4, vm0, $0xb8;
	[tilespmem:$0x10100] =	vst v63  }
0xdb: {  	_ = 	snop  }
0xdc: {  	[tilespmem:s16], [sflag:$0x1] =	stream.indirect_vreg.gather [hbm4b:s1+s3], $0x80, v3, vm0, $0xb8;
	[tilespmem:$0x10100] =	vst v63  }
0xdd: {  	v3 =	vld [tilespmem:$0x20];
	_ =	sdelay $0x4  }
0xde: {  	v50 =	vshll.u32 v3, $0x1  }
0xdf: {  	v3 =	vand.u32 $0x7, v3;
	v4 =	vand.u32 $0xFFFFFFF0, v50  }
0xe0: {  	v3 =	vor.u32 v3, v4  }
0xe1: {  	v4 =	vperm.xlane v3, v0;
	_ =	sdelay $0x1  }
0xe2: {  	v3 =	vperm.xlane v3, v2;
	v4 =	vadd.s32 v1, v4;
	_ =	sdelay $0x1  }
0xe3: {  	v3 =	vadd.s32 v1, v3;
	_ =	sdelay $0x2  }
0xe4: {  	[tilespmem:s17], [sflag:$0x1] =	stream.indirect_vreg.gather [hbm4b:s1+s3], $0x80, v4, vm0, $0xb8;
	[tilespmem:$0x10100] =	vst v63  }
0xe5: {  	_ = 	snop  }
0xe6: {  	[tilespmem:s18], [sflag:$0x1] =	stream.indirect_vreg.gather [hbm4b:s1+s3], $0x80, v3, vm0, $0xb8;
	[tilespmem:$0x10100] =	vst v63  }
0xe7: {  	v3 =	vld [tilespmem:$0x30];
	_ =	sdelay $0x4  }
0xe8: {  	v51 =	vshll.u32 v3, $0x1  }
0xe9: {  	v3 =	vand.u32 $0x7, v3;
	v4 =	vand.u32 $0xFFFFFFF0, v51  }
0xea: {  	v3 =	vor.u32 v3, v4  }
0xeb: {  	v4 =	vperm.xlane v3, v0;
	_ =	sdelay $0x1  }
0xec: {  	v3 =	vperm.xlane v3, v2;
	v4 =	vadd.s32 v1, v4;
	_ =	sdelay $0x1  }
0xed: {  	v3 =	vadd.s32 v1, v3;
	_ =	sdelay $0x2  }
0xee: {  	[tilespmem:s19], [sflag:$0x1] =	stream.indirect_vreg.gather [hbm4b:s1+s3], $0x80, v4, vm0, $0xb8;
	[tilespmem:$0x10100] =	vst v63  }
0xef: {  	_ = 	snop  }
0xf0: {  	[tilespmem:s20], [sflag:$0x1] =	stream.indirect_vreg.gather [hbm4b:s1+s3], $0x80, v3, vm0, $0xb8;
	[tilespmem:$0x10100] =	vst v63  }
0xf1: {  	v3 =	vld [tilespmem:$0x40];
	_ =	sdelay $0x4  }
0xf2: {  	v52 =	vshll.u32 v3, $0x1  }
0xf3: {  	v3 =	vand.u32 $0x7, v3;
	v4 =	vand.u32 $0xFFFFFFF0, v52  }
0xf4: {  	v3 =	vor.u32 v3, v4  }
0xf5: {  	v4 =	vperm.xlane v3, v0;
	_ =	sdelay $0x1  }
0xf6: {  	v3 =	vperm.xlane v3, v2;
	v4 =	vadd.s32 v1, v4;
	_ =	sdelay $0x1  }
0xf7: {  	v3 =	vadd.s32 v1, v3;
	_ =	sdelay $0x2  }
0xf8: {  	[tilespmem:s21], [sflag:$0x1] =	stream.indirect_vreg.gather [hbm4b:s1+s3], $0x80, v4, vm0, $0xb8;
	[tilespmem:$0x10100] =	vst v63  }
0xf9: {  	_ = 	snop  }
0xfa: {  	[tilespmem:s22], [sflag:$0x1] =	stream.indirect_vreg.gather [hbm4b:s1+s3], $0x80, v3, vm0, $0xb8;
	[tilespmem:$0x10100] =	vst v63  }
0xfb: {  	v3 =	vld [tilespmem:$0x50];
	_ =	sdelay $0x4  }
0xfc: {  	v53 =	vshll.u32 v3, $0x1  }
0xfd: {  	v3 =	vand.u32 $0x7, v3;
	v4 =	vand.u32 $0xFFFFFFF0, v53  }
0xfe: {  	v3 =	vor.u32 v3, v4  }
0xff: {  	v4 =	vperm.xlane v3, v0;
	_ =	sdelay $0x1  }
0x100: {  	v3 =	vperm.xlane v3, v2;
	v4 =	vadd.s32 v1, v4;
	_ =	sdelay $0x1  }
0x101: {  	v3 =	vadd.s32 v1, v3;
	_ =	sdelay $0x2  }
0x102: {  	[tilespmem:s23], [sflag:$0x1] =	stream.indirect_vreg.gather [hbm4b:s1+s3], $0x80, v4, vm0, $0xb8;
	[tilespmem:$0x10100] =	vst v63  }
0x103: {  	_ = 	snop  }
0x104: {  	[tilespmem:s24], [sflag:$0x1] =	stream.indirect_vreg.gather [hbm4b:s1+s3], $0x80, v3, vm0, $0xb8;
	[tilespmem:$0x10100] =	vst v63  }
0x105: {  	v3 =	vld [tilespmem:$0x60];
	_ =	sdelay $0x4  }
0x106: {  	v54 =	vshll.u32 v3, $0x1  }
0x107: {  	v3 =	vand.u32 $0x7, v3;
	v4 =	vand.u32 $0xFFFFFFF0, v54  }
0x108: {  	v3 =	vor.u32 v3, v4  }
0x109: {  	v4 =	vperm.xlane v3, v0;
	_ =	sdelay $0x1  }
0x10a: {  	v3 =	vperm.xlane v3, v2;
	v4 =	vadd.s32 v1, v4;
	_ =	sdelay $0x1  }
0x10b: {  	v3 =	vadd.s32 v1, v3;
	_ =	sdelay $0x2  }
0x10c: {  	[tilespmem:s25], [sflag:$0x1] =	stream.indirect_vreg.gather [hbm4b:s1+s3], $0x80, v4, vm0, $0xb8;
	[tilespmem:$0x10100] =	vst v63  }
0x10d: {  	_ = 	snop  }
0x10e: {  	[tilespmem:s26], [sflag:$0x1] =	stream.indirect_vreg.gather [hbm4b:s1+s3], $0x80, v3, vm0, $0xb8;
	[tilespmem:$0x10100] =	vst v63  }
0x10f: {  	v3 =	vld [tilespmem:$0x70];
	_ =	sdelay $0x4  }
0x110: {  	v55 =	vshll.u32 v3, $0x1  }
0x111: {  	v3 =	vand.u32 $0x7, v3;
	v4 =	vand.u32 $0xFFFFFFF0, v55  }
0x112: {  	v3 =	vor.u32 v3, v4  }
0x113: {  	v4 =	vperm.xlane v3, v0;
	_ =	sdelay $0x1  }
0x114: {  	v3 =	vperm.xlane v3, v2;
	v4 =	vadd.s32 v1, v4;
	_ =	sdelay $0x1  }
0x115: {  	v3 =	vadd.s32 v1, v3;
	_ =	sdelay $0x2  }
0x116: {  	[tilespmem:s28], [sflag:$0x1] =	stream.indirect_vreg.gather [hbm4b:s1+s3], $0x80, v4, vm0, $0xb8;
	[tilespmem:$0x10100] =	vst v63  }
0x117: {  	_ = 	snop  }
0x118: {  	[tilespmem:s29], [sflag:$0x1] =	stream.indirect_vreg.gather [hbm4b:s1+s3], $0x80, v3, vm0, $0xb8;
	[tilespmem:$0x10100] =	vst v63  }
0x119: {  	v3 =	vld [tilespmem:$0x80];
	_ =	sdelay $0x4  }
0x11a: {  	v56 =	vshll.u32 v3, $0x1  }
0x11b: {  	v3 =	vand.u32 $0x7, v3;
	v4 =	vand.u32 $0xFFFFFFF0, v56  }
0x11c: {  	v3 =	vor.u32 v3, v4  }
0x11d: {  	v4 =	vperm.xlane v3, v0;
	_ =	sdelay $0x1  }
0x11e: {  	v3 =	vperm.xlane v3, v2;
	v4 =	vadd.s32 v1, v4;
	_ =	sdelay $0x1  }
0x11f: {  	v3 =	vadd.s32 v1, v3;
	_ =	sdelay $0x2  }
0x120: {  	[tilespmem:s30], [sflag:$0x1] =	stream.indirect_vreg.gather [hbm4b:s1+s3], $0x80, v4, vm0, $0xb8;
	[tilespmem:$0x10100] =	vst v63  }
0x121: {  	_ = 	snop  }
0x122: {  	[tilespmem:s31], [sflag:$0x1] =	stream.indirect_vreg.gather [hbm4b:s1+s3], $0x80, v3, vm0, $0xb8;
	[tilespmem:$0x10100] =	vst v63  }
0x123: {  	v3 =	vld [tilespmem:$0x90];
	_ =	sdelay $0x4  }
0x124: {  	v57 =	vshll.u32 v3, $0x1  }
0x125: {  	v3 =	vand.u32 $0x7, v3;
	v4 =	vand.u32 $0xFFFFFFF0, v57  }
0x126: {  	v3 =	vor.u32 v3, v4  }
0x127: {  	v4 =	vperm.xlane v3, v0;
	_ =	sdelay $0x1  }
0x128: {  	v3 =	vperm.xlane v3, v2;
	v4 =	vadd.s32 v1, v4;
	_ =	sdelay $0x1  }
0x129: {  	v3 =	vadd.s32 v1, v3;
	_ =	sdelay $0x1  }
0x12a: {  	s13 =	simm.s32 $0x9100  }
0x12b: {  	[tilespmem:s13], [sflag:$0x1] =	stream.indirect_vreg.gather [hbm4b:s1+s3], $0x80, v4, vm0, $0xb8;
	[tilespmem:$0x10100] =	vst v63  }
0x12c: {  	_ = 	snop  }
0x12d: {  	[tilespmem:s2], [sflag:$0x1] =	stream.indirect_vreg.gather [hbm4b:s1+s3], $0x80, v3, vm0, $0xb8;
	[tilespmem:$0x10100] =	vst v63  }
0x12e: {  	v3 =	vld [tilespmem:$0xA0];
	_ =	sdelay $0x4  }
0x12f: {  	v58 =	vshll.u32 v3, $0x1  }
0x130: {  	v3 =	vand.u32 $0x7, v3;
	v4 =	vand.u32 $0xFFFFFFF0, v58  }
0x131: {  	v3 =	vor.u32 v3, v4  }
0x132: {  	v4 =	vperm.xlane v3, v0;
	_ =	sdelay $0x1  }
0x133: {  	v3 =	vperm.xlane v3, v2;
	v4 =	vadd.s32 v1, v4;
	_ =	sdelay $0x1  }
0x134: {  	v3 =	vadd.s32 v1, v3;
	_ =	sdelay $0x2  }
0x135: {  	[tilespmem:s7], [sflag:$0x1] =	stream.indirect_vreg.gather [hbm4b:s1+s3], $0x80, v4, vm0, $0xb8;
	[tilespmem:$0x10100] =	vst v63  }
0x136: {  	_ = 	snop  }
0x137: {  	[tilespmem:s8], [sflag:$0x1] =	stream.indirect_vreg.gather [hbm4b:s1+s3], $0x80, v3, vm0, $0xb8;
	[tilespmem:$0x10100] =	vst v63  }
0x138: {  	v3 =	vld [tilespmem:$0xB0];
	_ =	sdelay $0x4  }
0x139: {  	v59 =	vshll.u32 v3, $0x1  }
0x13a: {  	v3 =	vand.u32 $0x7, v3;
	v4 =	vand.u32 $0xFFFFFFF0, v59  }
0x13b: {  	v3 =	vor.u32 v3, v4  }
0x13c: {  	v4 =	vperm.xlane v3, v0;
	_ =	sdelay $0x1  }
0x13d: {  	v3 =	vperm.xlane v3, v2;
	v4 =	vadd.s32 v1, v4;
	_ =	sdelay $0x1  }
0x13e: {  	v3 =	vadd.s32 v1, v3;
	_ =	sdelay $0x2  }
0x13f: {  	[tilespmem:s9], [sflag:$0x1] =	stream.indirect_vreg.gather [hbm4b:s1+s3], $0x80, v4, vm0, $0xb8;
	[tilespmem:$0x10100] =	vst v63  }
0x140: {  	_ = 	snop  }
0x141: {  	[tilespmem:s10], [sflag:$0x1] =	stream.indirect_vreg.gather [hbm4b:s1+s3], $0x80, v3, vm0, $0xb8;
	[tilespmem:$0x10100] =	vst v63  }
0x142: {  	v3 =	vld [tilespmem:$0xC0];
	_ =	sdelay $0x4  }
0x143: {  	v60 =	vshll.u32 v3, $0x1  }
0x144: {  	v3 =	vand.u32 $0x7, v3;
	v4 =	vand.u32 $0xFFFFFFF0, v60  }
0x145: {  	v3 =	vor.u32 v3, v4  }
0x146: {  	v4 =	vperm.xlane v3, v0;
	_ =	sdelay $0x1  }
0x147: {  	v3 =	vperm.xlane v3, v2;
	v4 =	vadd.s32 v1, v4;
	_ =	sdelay $0x1  }
0x148: {  	v3 =	vadd.s32 v1, v3;
	_ =	sdelay $0x2  }
0x149: {  	[tilespmem:s11], [sflag:$0x1] =	stream.indirect_vreg.gather [hbm4b:s1+s3], $0x80, v4, vm0, $0xb8;
	[tilespmem:$0x10100] =	vst v63  }
0x14a: {  	_ = 	snop  }
0x14b: {  	[tilespmem:s6], [sflag:$0x1] =	stream.indirect_vreg.gather [hbm4b:s1+s3], $0x80, v3, vm0, $0xb8;
	[tilespmem:$0x10100] =	vst v63  }
0x14c: {  	v3 =	vld [tilespmem:$0xD0];
	_ =	sdelay $0x4  }
0x14d: {  	v61 =	vshll.u32 v3, $0x1  }
0x14e: {  	v3 =	vand.u32 $0x7, v3;
	v4 =	vand.u32 $0xFFFFFFF0, v61  }
0x14f: {  	v3 =	vor.u32 v3, v4  }
0x150: {  	v4 =	vperm.xlane v3, v0;
	_ =	sdelay $0x1  }
0x151: {  	v3 =	vperm.xlane v3, v2;
	v4 =	vadd.s32 v1, v4;
	_ =	sdelay $0x1  }
0x152: {  	v3 =	vadd.s32 v1, v3;
	_ =	sdelay $0x1  }
0x153: {  	s13 =	simm.s32 $0xD100  }
0x154: {  	[tilespmem:s13], [sflag:$0x1] =	stream.indirect_vreg.gather [hbm4b:s1+s3], $0x80, v4, vm0, $0xb8;
	[tilespmem:$0x10100] =	vst v63  }
0x155: {  	s13 =	simm.s32 $0xD900  }
0x156: {  	[tilespmem:s13], [sflag:$0x1] =	stream.indirect_vreg.gather [hbm4b:s1+s3], $0x80, v3, vm0, $0xb8;
	[tilespmem:$0x10100] =	vst v63  }
0x157: {  	v3 =	vld [tilespmem:$0xE0];
	_ =	sdelay $0x4  }
0x158: {  	v62 =	vshll.u32 v3, $0x1  }
0x159: {  	v3 =	vand.u32 $0x7, v3;
	v4 =	vand.u32 $0xFFFFFFF0, v62  }
0x15a: {  	v3 =	vor.u32 v3, v4  }
0x15b: {  	v4 =	vperm.xlane v3, v0;
	_ =	sdelay $0x1  }
0x15c: {  	v3 =	vperm.xlane v3, v2;
	v4 =	vadd.s32 v1, v4;
	_ =	sdelay $0x1  }
0x15d: {  	v3 =	vadd.s32 v1, v3;
	_ =	sdelay $0x1  }
0x15e: {  	s13 =	simm.s32 $0xE100  }
0x15f: {  	[tilespmem:s13], [sflag:$0x1] =	stream.indirect_vreg.gather [hbm4b:s1+s3], $0x80, v4, vm0, $0xb8;
	[tilespmem:$0x10100] =	vst v63  }
0x160: {  	s13 =	simm.s32 $0xE900  }
0x161: {  	[tilespmem:s13], [sflag:$0x1] =	stream.indirect_vreg.gather [hbm4b:s1+s3], $0x80, v3, vm0, $0xb8;
	[tilespmem:$0x10100] =	vst v63  }
0x162: {  	v3 =	vld [tilespmem:$0xF0];
	_ =	sdelay $0x4  }
0x163: {  	v63 =	vshll.u32 v3, $0x1  }
0x164: {  	v3 =	vand.u32 $0x7, v3;
	v4 =	vand.u32 $0xFFFFFFF0, v63  }
0x165: {  	v3 =	vor.u32 v3, v4  }
0x166: {  	v4 =	vperm.xlane v3, v0;
	_ =	sdelay $0x1  }
0x167: {  	v3 =	vperm.xlane v3, v2;
	v4 =	vadd.s32 v1, v4;
	_ =	sdelay $0x1  }
0x168: {  	v3 =	vadd.s32 v1, v3;
	_ =	sdelay $0x1  }
0x169: {  	s13 =	simm.s32 $0xF100  }
0x16a: {  	[tilespmem:s13], [sflag:$0x1] =	stream.indirect_vreg.gather [hbm4b:s1+s3], $0x80, v4, vm0, $0xb8;
	[tilespmem:$0x10100] =	vst v63  }
0x16b: {  	s13 =	simm.s32 $0xF900  }
0x16c: {  	[tilespmem:s13], [sflag:$0x1] =	stream.indirect_vreg.gather [hbm4b:s1+s3], $0x80, v3, vm0, $0xb8;
	[tilespmem:$0x10100] =	vst v63  }
0x16d: {  	_ =	swait.ge [sflag:s12], $0x10000  }
0x16e: {  	p0 =	sne.s32 s4, $0x1;
	s0 =	simm.s32 $0x100;
	[sflag:s12] =	ssyncset.done $0x0  }
.Ltmp0:
0x16f: {  	s13 =	rddreg [dreg:$0x5];
	[sflag:s12] =	ssyncadd.s32 $0xFFFF0000;
	(pc) =	sbr.rel @p0 .LBB2_1-.Ltmp0, $4  }
0x170: {  	[hbm4b:s13+s3] =	stream.linear.scatter [tilespmem:s0], [sflag:$0x2], $0x10000, $0x38;
	[tilespmem:$0x10100] =	vst v63  }
0x171: {  	_ =	swait.ge [sflag:s5], $0x10000  }
0x172: {  	[sflag:s5] =	ssyncset.done $0x0  }
0x173: {  	s4 =	sadd.s32 $0xFFFFFFFF, s4;
	[sflag:s5] =	ssyncadd.s32 $0xFFFF0000  }
0x174: {  	_ =	sfence.sel $0x180000  }
0x175: {  	[bflag:$0x0] =	sbarrier.arrive $0xFFFF  }
0x176: {  	_ =	strace $0x90000053  }
0x177: {  	s0 =	stileid.u32;
	[bflag:$0x2] =	sbarrier.arrive $0xFFFF  }
0x178: {  	p0 =	sne.s32 s0, $0x0;
	s0 =	rddreg [dreg:$0x1]  }
0x179: {  	s0 =	sadd.s32 @!p0 $0x100000, s0  }
0x17a: {  	[sflag:s0] =	ssyncadd.tile.s32 @!p0 $0x1;
	_ =	shalt  }
.Lfunc_end2:
_tile_overlayer_lowered:
.L_overlay_start_2:
0x17b: {  	(tag) =	ssettag $0x2  }
0x17c: {  	s0 =	rddreg [dreg:$0x0];
	s2 =	stileid.u32  }
0x17d: {  	s1 =	rddreg [dreg:$0x1];
	p0 =	sne.s32 s2, $0x0  }
0x17e: {  	s3 =	rddreg [dreg:$0x2];
	[bflag:$0x3] =	sbarrier.arrive $0xFFFF;
	s2 =	simm.s32 @!p0 $0x1C02  }
0x17f: {  	[timem:s3], [sflag:s2] =	dma.local @!p0 [hbm:s0], s1  }
0x180: {  	s0 =	simm.s32 @!p0 $0x2  }
0x181: {  	_ =	swait.ge @!p0 [sflag:s0], s1  }
0x182: {  	s1 =	ssub.s32 @!p0 $0x0, s1;
	[sflag:s0] =	ssyncset.done @!p0 $0x0  }
0x183: {  	[sflag:s0] =	ssyncadd.s32 @!p0 s1  }
0x184: {  	[bflag:$0x3] =	sbarrier.arrive $0xFFFF  }
0x185: {  	_ =	shalt  }

</sc_bundles>
